<compile_context>
chip_gen: v7x
topology: tpu7x:2x2x1
jax: 0.10.2.dev20260603
libtpu: 0.0.44.dev20260713+nightly
codegen_flags: <defaults>
</compile_context>

<pallas_src>
import functools

import jax
import jax.numpy as jnp
from jax import lax
from jax.experimental import pallas as pl
from jax.experimental.pallas import tpu as pltpu
from jax.experimental.pallas import tpu_sc as plsc

N = 10000
E = 320000
G = 16
H = 128

NC = 2
NS = 16
NW = NC * NS
N_PAD = 10240
EC = 128
CH = 80
SEG = 40
CH0 = 120
CH1 = 2 * CH - CH0
E_PAD = NW * CH * EC
EPT = CH * EC
ROWS_PER_TILE = N_PAD // NS

_mesh = plsc.VectorSubcoreMesh(core_axis_name="c", subcore_axis_name="s")


DW = H


def _deg_body(dst_hbm, zeros_hbm, ones_hbm, deg_out, dst_v, ones_v, deg_sh):
    c = lax.axis_index("c")
    s = lax.axis_index("s")
    w = c * NS + s
    seg = N_PAD // NS

    pltpu.sync_copy(ones_hbm, ones_v)
    pltpu.sync_copy(zeros_hbm, deg_sh.at[pl.ds(s * seg, seg)])
    plsc.subcore_barrier()

    pltpu.sync_copy(dst_hbm.at[pl.ds(w * CH, CH)], dst_v)

    def _chunk(j, _):
        pltpu.sync_copy(ones_v, deg_sh.at[dst_v.at[j]], add=True)
        return 0
    lax.fori_loop(0, CH, _chunk, 0)

    plsc.subcore_barrier()
    sl = pl.ds(s * seg, seg)
    pltpu.sync_copy(deg_sh.at[sl], deg_out.at[c, sl])


_deg_call = pl.kernel(
    _deg_body,
    out_type=jax.ShapeDtypeStruct((NC, N_PAD, DW), jnp.float32),
    mesh=_mesh,
    scratch_types=[
        pltpu.VMEM((CH, EC), jnp.int32),
        pltpu.VMEM((EC, DW), jnp.float32),
        pltpu.VMEM_SHARED((N_PAD, DW), jnp.float32),
    ],
)


def _agg_body(hs_hbm, src_hbm, dst_hbm, zeros_hbm, out_hbm,
              src_v, dst_v, rows_v, acc_sh, sem0, sem1):
    c = lax.axis_index("c")
    s = lax.axis_index("s")
    w = c * NS + s

    pltpu.sync_copy(zeros_hbm, acc_sh.at[pl.ds(s * ROWS_PER_TILE, ROWS_PER_TILE)])
    plsc.subcore_barrier()

    def _core_loop(ch_c, base0):
        def _seg(g, _):
            base = base0 + g * SEG
            pltpu.sync_copy(src_hbm.at[pl.ds(base, SEG)], src_v)
            pltpu.sync_copy(dst_hbm.at[pl.ds(base, SEG)], dst_v)
            pltpu.async_copy(hs_hbm.at[src_v.at[0]], rows_v.at[0], sem0)

            def _pair(p, _):
                pltpu.async_copy(hs_hbm.at[src_v.at[2 * p + 1]], rows_v.at[1], sem1)
                pltpu.make_async_copy(hs_hbm.at[src_v.at[0]], rows_v.at[0], sem0).wait()
                pltpu.sync_copy(rows_v.at[0], acc_sh.at[dst_v.at[2 * p]], add=True)

                @pl.when(p < SEG // 2 - 1)
                def _():
                    pltpu.async_copy(hs_hbm.at[src_v.at[2 * p + 2]], rows_v.at[0], sem0)
                pltpu.make_async_copy(hs_hbm.at[src_v.at[0]], rows_v.at[1], sem1).wait()
                pltpu.sync_copy(rows_v.at[1], acc_sh.at[dst_v.at[2 * p + 1]], add=True)
                return 0
            lax.fori_loop(0, SEG // 2, _pair, 0)
            return 0
        lax.fori_loop(0, ch_c // SEG, _seg, 0)

    @pl.when(c == 0)
    def _():
        _core_loop(CH0, s * CH0)

    @pl.when(c == 1)
    def _():
        _core_loop(CH1, NS * CH0 + s * CH1)

    plsc.subcore_barrier()
    sl = pl.ds(s * ROWS_PER_TILE, ROWS_PER_TILE)
    pltpu.sync_copy(acc_sh.at[sl], out_hbm.at[c, sl])


_agg_call = pl.kernel(
    _agg_body,
    out_type=jax.ShapeDtypeStruct((NC, N_PAD, H), jnp.float32),
    mesh=_mesh,
    scratch_types=[
        pltpu.VMEM((SEG, EC), jnp.int32),
        pltpu.VMEM((SEG, EC), jnp.int32),
        pltpu.VMEM((2, EC, H), jnp.float32),
        pltpu.VMEM_SHARED((N_PAD, H), jnp.float32),
        pltpu.SemaphoreType.DMA,
        pltpu.SemaphoreType.DMA,
    ],
)


def _prep_body(d0_ref, d1_ref, dinv_ref):
    dinv_ref[...] = lax.rsqrt(d0_ref[...] + d1_ref[...] + 1.0)


BLK = 1280
NBLK = N_PAD // BLK


def _t1_body(y_ref, d_ref, w_ref, o_ref):
    hs = jnp.dot(y_ref[...] * d_ref[...], w_ref[...],
                 preferred_element_type=jnp.float32)
    rid = pl.program_id(0) * BLK + lax.broadcasted_iota(jnp.int32, (BLK, H), 0)
    o_ref[...] = jnp.where(rid < N, hs, 0.0)


def _t2_body(a_ref, hs_ref, d_ref, b_ref, bt_ref,
             y_ref, pool_ref, cnt_ref):
    y = jnp.maximum(
        d_ref[...] * (a_ref[0] + a_ref[1] + hs_ref[...]) + b_ref[...],
        0.0)
    rid = pl.program_id(0) * BLK + lax.broadcasted_iota(jnp.int32, (BLK, H), 0)
    y = jnp.where(rid < N, y, 0.0)
    y_ref[...] = y
    bvec = bt_ref[0, 0, :]
    gi = lax.broadcasted_iota(jnp.int32, (G, BLK), 0)
    oh = (gi == bvec[None, :]).astype(jnp.float32)
    ps = jnp.dot(oh, y, preferred_element_type=jnp.float32)
    cs = jnp.broadcast_to(jnp.sum(oh, axis=1, keepdims=True), (G, H))

    @pl.when(pl.program_id(0) == 0)
    def _():
        pool_ref[...] = jnp.zeros_like(pool_ref)
        cnt_ref[...] = jnp.zeros_like(cnt_ref)

    pool_ref[...] += ps
    cnt_ref[...] += cs


def _head_body(s1_ref, s2_ref, s3_ref, cnt_ref,
               w1_ref, b1_ref, w2_ref, b2_ref, w3_ref, b3_ref, o_ref):
    z = (s1_ref[...] + s2_ref[...] + s3_ref[...]) / jnp.maximum(cnt_ref[...], 1.0)
    z = jnp.maximum(jnp.dot(z, w1_ref[...], preferred_element_type=jnp.float32)
                    + b1_ref[...], 0.0)
    z = jnp.maximum(jnp.dot(z, w2_ref[...], preferred_element_type=jnp.float32)
                    + b2_ref[...], 0.0)
    o_ref[...] = jnp.dot(z, w3_ref[...], preferred_element_type=jnp.float32) \
        + b3_ref[...]


def _row_block(i):
    return (i, 0)


def _t1(y, dinvB, W):
    return pl.pallas_call(
        _t1_body,
        grid=(NBLK,),
        in_specs=[
            pl.BlockSpec((BLK, H), _row_block),
            pl.BlockSpec((BLK, H), _row_block),
            pl.BlockSpec((H, H), lambda i: (0, 0)),
        ],
        out_specs=pl.BlockSpec((BLK, H), _row_block),
        out_shape=jax.ShapeDtypeStruct((N_PAD, H), jnp.float32),
    )(y, dinvB, W)


def _t2(acc, hs, dinvB, b2d, batch3):
    return pl.pallas_call(
        _t2_body,
        grid=(NBLK,),
        in_specs=[
            pl.BlockSpec((NC, BLK, H), lambda i: (0, i, 0)),
            pl.BlockSpec((BLK, H), _row_block),
            pl.BlockSpec((BLK, H), _row_block),
            pl.BlockSpec((1, H), lambda i: (0, 0)),
            pl.BlockSpec((1, 1, BLK), lambda i: (i, 0, 0)),
        ],
        out_specs=[
            pl.BlockSpec((BLK, H), _row_block),
            pl.BlockSpec((G, H), lambda i: (0, 0)),
            pl.BlockSpec((G, H), lambda i: (0, 0)),
        ],
        out_shape=[
            jax.ShapeDtypeStruct((N_PAD, H), jnp.float32),
            jax.ShapeDtypeStruct((G, H), jnp.float32),
            jax.ShapeDtypeStruct((G, H), jnp.float32),
        ],
    )(acc, hs, dinvB, b2d, batch3)


def kernel(x, edge_index, batch, W1, b1, W2, b2, W3, b3,
           L1W, L1b, L2W, L2b, L3W, L3b):
    i32 = jnp.int32
    pad = jnp.full((E_PAD - E,), N, i32)
    srcp = jnp.concatenate([edge_index[0].astype(i32), pad])
    dstp = jnp.concatenate([edge_index[1].astype(i32), pad])
    src2 = srcp.reshape(NW * CH, EC)
    dst2 = dstp.reshape(NW * CH, EC)

    zeros_in = jnp.zeros((N_PAD // NS, DW), jnp.float32)
    ones_in = jnp.ones((EC, DW), jnp.float32)
    deg_part = _deg_call(dst2, zeros_in, ones_in)
    d0 = deg_part[0, :, 0].reshape(N_PAD // 128, 128)
    d1 = deg_part[1, :, 0].reshape(N_PAD // 128, 128)
    dinv2d = pl.pallas_call(
        _prep_body,
        out_shape=jax.ShapeDtypeStruct((N_PAD // 128, 128), jnp.float32),
    )(d0, d1)
    dinv = dinv2d.reshape(N_PAD)[:N]
    dinvB = jnp.broadcast_to(dinv[:, None], (N, H))

    batch3 = jnp.pad(batch.astype(i32), (0, N_PAD - N),
                     constant_values=G).reshape(NBLK, 1, BLK)

    zerosH = jnp.zeros((ROWS_PER_TILE, H), jnp.float32)

    def layer(y_in, W, b):
        hs = _t1(y_in, dinvB, W)
        acc = _agg_call(hs, src2, dst2, zerosH)
        return _t2(acc, hs, dinvB, b.reshape(1, H), batch3)

    y1, p1, cnt = layer(x, W1, b1)
    y2, p2, _ = layer(y1, W2, b2)
    _, p3, _ = layer(y2, W3, b3)

    w2p = jnp.pad(L2W, ((0, 0), (0, H - L2W.shape[1])))
    b2p = jnp.pad(L2b, (0, H - L2b.shape[0])).reshape(1, H)
    w3p = jnp.pad(L3W, ((0, H - L3W.shape[0]), (0, H - L3W.shape[1])))
    b3p = jnp.pad(L3b, (0, H - L3b.shape[0])).reshape(1, H)

    out = pl.pallas_call(
        _head_body,
        out_shape=jax.ShapeDtypeStruct((G, H), jnp.float32),
    )(p1, p2, p3, cnt, L1W, L1b.reshape(1, H), w2p, b2p, w3p, b3p)
    return out[:, :L3W.shape[1]]

# --- scband reference (transcript-rebuilt; emitter-appended) ---
"""Pipeline reference for scband-gcn-74380243632850 (READ-ONLY COPY).

The authoritative reference and input builder live on the scoring server;
editing this copy changes nothing except your own understanding.
"""

import jax, jax.numpy as jnp
import numpy as np

N = 10000
E = 320000
G = 16
DIN = 128
H = 128
H2 = 64
DOUT = 10


def gcn_conv(x, edge_index, W, b):
    # PyG-style GCNConv: add self-loops, symmetric normalization, scatter-add aggregation
    n = x.shape[0]
    loop = jnp.arange(n, dtype=edge_index.dtype)
    src = jnp.concatenate([edge_index[0], loop])
    dst = jnp.concatenate([edge_index[1], loop])
    deg = jnp.zeros((n,), dtype=x.dtype).at[dst].add(1.0)
    dinv = jnp.where(deg > 0, deg ** -0.5, 0.0)
    norm = dinv[src] * dinv[dst]
    h = x @ W
    msg = h[src] * norm[:, None]
    out = jnp.zeros((n, W.shape[1]), dtype=x.dtype).at[dst].add(msg)
    return out + b


def gap(x, batch):
    # global mean pooling over graphs in the batch
    sums = jax.ops.segment_sum(x, batch, num_segments=G)
    cnts = jax.ops.segment_sum(jnp.ones((x.shape[0],), dtype=x.dtype), batch, num_segments=G)
    return sums / jnp.clip(cnts, 1.0)[:, None]


def setup_inputs(seed: int = 0):
    key = jax.random.key(seed)
    ks = jax.random.split(key, 16)
    x = jax.random.normal(ks[0], (N, DIN), dtype=jnp.float32)
    edge_index = jax.random.randint(ks[1], (2, E), 0, N, dtype=jnp.int32)
    batch = jnp.sort(jax.random.randint(ks[2], (N,), 0, G, dtype=jnp.int32))
    s = 0.05
    params = {
        "W1": jax.random.normal(ks[3], (DIN, H), dtype=jnp.float32) * s,
        "b1": jnp.zeros((H,), dtype=jnp.float32),
        "W2": jax.random.normal(ks[4], (H, H), dtype=jnp.float32) * s,
        "b2": jnp.zeros((H,), dtype=jnp.float32),
        "W3": jax.random.normal(ks[5], (H, H), dtype=jnp.float32) * s,
        "b3": jnp.zeros((H,), dtype=jnp.float32),
        "L1W": jax.random.normal(ks[6], (H, H), dtype=jnp.float32) * s,
        "L1b": jnp.zeros((H,), dtype=jnp.float32),
        "L2W": jax.random.normal(ks[7], (H, H2), dtype=jnp.float32) * s,
        "L2b": jnp.zeros((H2,), dtype=jnp.float32),
        "L3W": jax.random.normal(ks[8], (H2, DOUT), dtype=jnp.float32) * s,
        "L3b": jnp.zeros((DOUT,), dtype=jnp.float32),
    }
    return {"x": x, "edge_index": edge_index, "batch": batch, **params}


def reference(x, edge_index, batch, W1, b1, W2, b2, W3, b3, L1W, L1b, L2W, L2b, L3W, L3b):
    h = jax.nn.relu(gcn_conv(x, edge_index, W1, b1))
    x1 = gap(h, batch)
    h = jax.nn.relu(gcn_conv(h, edge_index, W2, b2))
    x2 = gap(h, batch)
    h = jax.nn.relu(gcn_conv(h, edge_index, W3, b3))
    x3 = gap(h, batch)
    z = x1 + x2 + x3
    z = jax.nn.relu(z @ L1W + L1b)
    z = jax.nn.relu(z @ L2W + L2b)
    return z @ L3W + L3b

if __name__ == "__main__":
    import jax
    _d = setup_inputs()
    print(jax.jit(kernel)(*tuple(_d.values())))

</pallas_src>

<mosaic_0001>
#map = affine_map<(d0, d1) -> (0, 0)>
#map1 = affine_map<(d0, d1) -> (0, 0, 0)>
module attributes {stable_mosaic.version = 14 : i64} {
  func.func @_agg_body(%arg0: i32, %arg1: i32, %arg2: memref<10240x128xf32, #tpu.memory_space<hbm>>, %arg3: memref<2560x128xi32, #tpu.memory_space<hbm>>, %arg4: memref<2560x128xi32, #tpu.memory_space<hbm>>, %arg5: memref<640x128xf32, #tpu.memory_space<hbm>>, %arg6: memref<2x10240x128xf32, #tpu.memory_space<hbm>>, %arg7: memref<40x128xi32, #tpu.memory_space<vmem>>, %arg8: memref<40x128xi32, #tpu.memory_space<vmem>>, %arg9: memref<2x128x128xf32, #tpu.memory_space<vmem>>, %arg10: memref<10240x128xf32, #tpu.memory_space<vmem_shared>>, %arg11: memref<!tpu.dma_semaphore, #tpu.memory_space<semaphore_mem>>, %arg12: memref<!tpu.dma_semaphore, #tpu.memory_space<semaphore_mem>>) attributes {dimension_semantics = [#tpu.dimension_semantics<core_parallel>, #tpu.dimension_semantics<subcore_parallel>], iteration_bounds = array<i64: 2, 16>, scalar_prefetch = 0 : i64, scratch_operands = 6 : i64, tpu.core_type = #tpu.core_type<sc_vector_subcore>, window_params = [{transform_indices = #map}, {transform_indices = #map}, {transform_indices = #map}, {transform_indices = #map}, {transform_indices = #map1}]} {
    %mul3A = arith.constant 16 : i32
    %mul3A_0 = arith.muli %arg0, %mul3A : i32
    %add3A = arith.addi %mul3A_0, %arg1 : i32
    %mul3A_1 = arith.constant 640 : i32
    %mul3A_2 = arith.muli %arg1, %mul3A_1 : i32
    "tpu.region"() ({
      %run_scoped3A = tpu.sem_alloc : memref<!tpu.dma_semaphore, #tpu.memory_space<semaphore_mem>>
      %dma_start3A = arith.constant 0 : i32
      %dma_start3A_13 = tpu.memref_slice %arg10[%mul3A_2, %dma_start3A] : memref<10240x128xf32, #tpu.memory_space<vmem_shared>> -> memref<640x128xf32, #tpu.memory_space<vmem_shared>>
      tpu.enqueue_dma source(%arg5 : memref<640x128xf32, #tpu.memory_space<hbm>>) target(%dma_start3A_13 : memref<640x128xf32, #tpu.memory_space<vmem_shared>>) target_semaphore(%run_scoped3A : memref<!tpu.dma_semaphore, #tpu.memory_space<semaphore_mem>>)
      %dma_wait3A = arith.constant 0 : i32
      %dma_wait3A_14 = tpu.memref_slice %arg10[%mul3A_2, %dma_wait3A] : memref<10240x128xf32, #tpu.memory_space<vmem_shared>> -> memref<640x128xf32, #tpu.memory_space<vmem_shared>>
      tpu.wait_dma2 semaphore(%run_scoped3A : memref<!tpu.dma_semaphore, #tpu.memory_space<semaphore_mem>>) src(%arg5 : memref<640x128xf32, #tpu.memory_space<hbm>>) dst(%dma_wait3A_14 : memref<640x128xf32, #tpu.memory_space<vmem_shared>>)
      tpu.yield
    }) : () -> ()
    %barrier3A = arith.constant 0 : index
    tpu.barrier barrier_id(%barrier3A)
    %eq3A = arith.constant 0 : i32
    %eq3A_3 = arith.cmpi eq, %arg0, %eq3A : i32
    %convert_element_type3A = arith.extui %eq3A_3 : i1 to i32
    %cond3A = arith.constant 0 : i32
    %cond3A_4 = arith.cmpi ne, %convert_element_type3A, %cond3A : i32
    scf.if %cond3A_4 {
      %mul3A_13 = arith.constant 120 : i32
      %mul3A_14 = arith.muli %arg1, %mul3A_13 : i32
      %scan3A = arith.constant 0 : i32
      %scan3A_15 = arith.constant 0 : i32
      %scan3A_16 = arith.constant 3 : i32
      %scan3A_17 = arith.addi %scan3A_15, %scan3A_16 : i32
      %scan3A_18 = arith.constant 1 : i32
      %scan3A_19 = scf.for %scan3A_21 = %scan3A_15 to %scan3A_17 step %scan3A_18 iter_args(%scan3A_22 = %scan3A) -> (i32)  : i32 {
        %mul3A_23 = arith.constant 40 : i32
        %mul3A_24 = arith.muli %scan3A_21, %mul3A_23 : i32
        %add3A_25 = arith.addi %mul3A_14, %mul3A_24 : i32
        "tpu.region"() ({
          %run_scoped3A = tpu.sem_alloc : memref<!tpu.dma_semaphore, #tpu.memory_space<semaphore_mem>>
          %dma_start3A_45 = arith.constant 0 : i32
          %dma_start3A_46 = tpu.memref_slice %arg3[%add3A_25, %dma_start3A_45] : memref<2560x128xi32, #tpu.memory_space<hbm>> -> memref<40x128xi32, #tpu.memory_space<hbm>>
          %dma_start3A_47 = arith.constant 0 : i32
          %dma_start3A_48 = tpu.memref_slice %arg3[%add3A_25, %dma_start3A_47] : memref<2560x128xi32, #tpu.memory_space<hbm>> -> memref<40x128xi32, #tpu.memory_space<hbm>>
          tpu.enqueue_dma source(%dma_start3A_48 : memref<40x128xi32, #tpu.memory_space<hbm>>) target(%arg7 : memref<40x128xi32, #tpu.memory_space<vmem>>) target_semaphore(%run_scoped3A : memref<!tpu.dma_semaphore, #tpu.memory_space<semaphore_mem>>)
          %dma_wait3A = arith.constant 0 : i32
          %dma_wait3A_49 = tpu.memref_slice %arg3[%add3A_25, %dma_wait3A] : memref<2560x128xi32, #tpu.memory_space<hbm>> -> memref<40x128xi32, #tpu.memory_space<hbm>>
          %dma_wait3A_50 = arith.constant 0 : i32
          %dma_wait3A_51 = tpu.memref_slice %arg3[%add3A_25, %dma_wait3A_50] : memref<2560x128xi32, #tpu.memory_space<hbm>> -> memref<40x128xi32, #tpu.memory_space<hbm>>
          tpu.wait_dma2 semaphore(%run_scoped3A : memref<!tpu.dma_semaphore, #tpu.memory_space<semaphore_mem>>) src(%dma_wait3A_51 : memref<40x128xi32, #tpu.memory_space<hbm>>) dst(%arg7 : memref<40x128xi32, #tpu.memory_space<vmem>>)
          tpu.yield
        }) : () -> ()
        "tpu.region"() ({
          %run_scoped3A = tpu.sem_alloc : memref<!tpu.dma_semaphore, #tpu.memory_space<semaphore_mem>>
          %dma_start3A_45 = arith.constant 0 : i32
          %dma_start3A_46 = tpu.memref_slice %arg4[%add3A_25, %dma_start3A_45] : memref<2560x128xi32, #tpu.memory_space<hbm>> -> memref<40x128xi32, #tpu.memory_space<hbm>>
          %dma_start3A_47 = arith.constant 0 : i32
          %dma_start3A_48 = tpu.memref_slice %arg4[%add3A_25, %dma_start3A_47] : memref<2560x128xi32, #tpu.memory_space<hbm>> -> memref<40x128xi32, #tpu.memory_space<hbm>>
          tpu.enqueue_dma source(%dma_start3A_48 : memref<40x128xi32, #tpu.memory_space<hbm>>) target(%arg8 : memref<40x128xi32, #tpu.memory_space<vmem>>) target_semaphore(%run_scoped3A : memref<!tpu.dma_semaphore, #tpu.memory_space<semaphore_mem>>)
          %dma_wait3A = arith.constant 0 : i32
          %dma_wait3A_49 = tpu.memref_slice %arg4[%add3A_25, %dma_wait3A] : memref<2560x128xi32, #tpu.memory_space<hbm>> -> memref<40x128xi32, #tpu.memory_space<hbm>>
          %dma_wait3A_50 = arith.constant 0 : i32
          %dma_wait3A_51 = tpu.memref_slice %arg4[%add3A_25, %dma_wait3A_50] : memref<2560x128xi32, #tpu.memory_space<hbm>> -> memref<40x128xi32, #tpu.memory_space<hbm>>
          tpu.wait_dma2 semaphore(%run_scoped3A : memref<!tpu.dma_semaphore, #tpu.memory_space<semaphore_mem>>) src(%dma_wait3A_51 : memref<40x128xi32, #tpu.memory_space<hbm>>) dst(%arg8 : memref<40x128xi32, #tpu.memory_space<vmem>>)
          tpu.yield
        }) : () -> ()
        %dma_start3A = arith.constant 0 : i32
        %dma_start3A_26 = arith.constant 0 : i32
        %dma_start3A_27 = arith.constant 0 : i32
        %dma_start3A_28 = arith.constant 0 : i32
        %dma_start3A_29 = tpu.memref_slice %arg9[%dma_start3A_26, %dma_start3A_27, %dma_start3A_28] : memref<2x128x128xf32, #tpu.memory_space<vmem>> -> memref<1x128x128xf32, #tpu.memory_space<vmem>>
        %dma_start3A_30 = tpu.memref_squeeze %dma_start3A_29 : memref<1x128x128xf32, #tpu.memory_space<vmem>> -> memref<128x128xf32, #tpu.memory_space<vmem>>
        %dma_start3A_31 = arith.constant 0 : i32
        %dma_start3A_32 = tpu.memref_slice %arg7[%dma_start3A, %dma_start3A_31] : memref<40x128xi32, #tpu.memory_space<vmem>> -> memref<1x128xi32, #tpu.memory_space<vmem>>
        %dma_start3A_33 = tpu.memref_squeeze %dma_start3A_32 : memref<1x128xi32, #tpu.memory_space<vmem>> -> memref<128xi32, #tpu.memory_space<vmem>>
        %dma_start3A_34 = arith.constant 0 : i32
        %dma_start3A_35 = arith.constant 0 : i32
        %dma_start3A_36 = tpu.memref_slice %arg2[%dma_start3A_34, %dma_start3A_35] : memref<10240x128xf32, #tpu.memory_space<hbm>> -> memref<10240x128xf32, #tpu.memory_space<hbm>>
        tpu.enqueue_indirect_dma source(%dma_start3A_36 : memref<10240x128xf32, #tpu.memory_space<hbm>>) target(%dma_start3A_30 : memref<128x128xf32, #tpu.memory_space<vmem>>) offsets(%dma_start3A_33 : memref<128xi32, #tpu.memory_space<vmem>>) semaphore(%arg11 : memref<!tpu.dma_semaphore, #tpu.memory_space<semaphore_mem>>)
        %scan3A_37 = arith.constant 0 : i32
        %scan3A_38 = arith.constant 0 : i32
        %scan3A_39 = arith.constant 20 : i32
        %scan3A_40 = arith.addi %scan3A_38, %scan3A_39 : i32
        %scan3A_41 = arith.constant 1 : i32
        %scan3A_42 = scf.for %scan3A_45 = %scan3A_38 to %scan3A_40 step %scan3A_41 iter_args(%scan3A_46 = %scan3A_37) -> (i32)  : i32 {
          %mul3A_47 = arith.constant 2 : i32
          %mul3A_48 = arith.muli %mul3A_47, %scan3A_45 : i32
          %add3A_49 = arith.constant 1 : i32
          %add3A_50 = arith.addi %mul3A_48, %add3A_49 : i32
          %dma_start3A_51 = arith.constant 1 : i32
          %dma_start3A_52 = arith.constant 0 : i32
          %dma_start3A_53 = arith.constant 0 : i32
          %dma_start3A_54 = tpu.memref_slice %arg9[%dma_start3A_51, %dma_start3A_52, %dma_start3A_53] : memref<2x128x128xf32, #tpu.memory_space<vmem>> -> memref<1x128x128xf32, #tpu.memory_space<vmem>>
          %dma_start3A_55 = tpu.memref_squeeze %dma_start3A_54 : memref<1x128x128xf32, #tpu.memory_space<vmem>> -> memref<128x128xf32, #tpu.memory_space<vmem>>
          %dma_start3A_56 = arith.constant 0 : i32
          %dma_start3A_57 = tpu.memref_slice %arg7[%add3A_50, %dma_start3A_56] : memref<40x128xi32, #tpu.memory_space<vmem>> -> memref<1x128xi32, #tpu.memory_space<vmem>>
          %dma_start3A_58 = tpu.memref_squeeze %dma_start3A_57 : memref<1x128xi32, #tpu.memory_space<vmem>> -> memref<128xi32, #tpu.memory_space<vmem>>
          %dma_start3A_59 = arith.constant 0 : i32
          %dma_start3A_60 = arith.constant 0 : i32
          %dma_start3A_61 = tpu.memref_slice %arg2[%dma_start3A_59, %dma_start3A_60] : memref<10240x128xf32, #tpu.memory_space<hbm>> -> memref<10240x128xf32, #tpu.memory_space<hbm>>
          tpu.enqueue_indirect_dma source(%dma_start3A_61 : memref<10240x128xf32, #tpu.memory_space<hbm>>) target(%dma_start3A_55 : memref<128x128xf32, #tpu.memory_space<vmem>>) offsets(%dma_start3A_58 : memref<128xi32, #tpu.memory_space<vmem>>) semaphore(%arg12 : memref<!tpu.dma_semaphore, #tpu.memory_space<semaphore_mem>>)
          %dma_wait3A = arith.constant 0 : i32
          %dma_wait3A_62 = arith.constant 0 : i32
          %dma_wait3A_63 = arith.constant 0 : i32
          %dma_wait3A_64 = arith.constant 0 : i32
          %dma_wait3A_65 = tpu.memref_slice %arg9[%dma_wait3A_62, %dma_wait3A_63, %dma_wait3A_64] : memref<2x128x128xf32, #tpu.memory_space<vmem>> -> memref<1x128x128xf32, #tpu.memory_space<vmem>>
          %dma_wait3A_66 = tpu.memref_squeeze %dma_wait3A_65 : memref<1x128x128xf32, #tpu.memory_space<vmem>> -> memref<128x128xf32, #tpu.memory_space<vmem>>
          %dma_wait3A_67 = arith.constant 0 : i32
          %dma_wait3A_68 = tpu.memref_slice %arg7[%dma_wait3A, %dma_wait3A_67] : memref<40x128xi32, #tpu.memory_space<vmem>> -> memref<1x128xi32, #tpu.memory_space<vmem>>
          %dma_wait3A_69 = tpu.memref_squeeze %dma_wait3A_68 : memref<1x128xi32, #tpu.memory_space<vmem>> -> memref<128xi32, #tpu.memory_space<vmem>>
          %dma_wait3A_70 = arith.constant 0 : i32
          %dma_wait3A_71 = arith.constant 0 : i32
          %dma_wait3A_72 = tpu.memref_slice %arg2[%dma_wait3A_70, %dma_wait3A_71] : memref<10240x128xf32, #tpu.memory_space<hbm>> -> memref<10240x128xf32, #tpu.memory_space<hbm>>
          tpu.wait_indirect_dma semaphore(%arg11 : memref<!tpu.dma_semaphore, #tpu.memory_space<semaphore_mem>>) src(%dma_wait3A_72 : memref<10240x128xf32, #tpu.memory_space<hbm>>) dst(%dma_wait3A_66 : memref<128x128xf32, #tpu.memory_space<vmem>>)
          %mul3A_73 = arith.constant 2 : i32
          %mul3A_74 = arith.muli %mul3A_73, %scan3A_45 : i32
          %run_scoped3A = arith.constant 0 : i32
          "tpu.region"() ({
            %run_scoped3A_97 = tpu.sem_alloc : memref<!tpu.dma_semaphore, #tpu.memory_space<semaphore_mem>>
            %dma_start3A_98 = arith.constant 0 : i32
            %dma_start3A_99 = arith.constant 0 : i32
            %dma_start3A_100 = tpu.memref_slice %arg9[%run_scoped3A, %dma_start3A_98, %dma_start3A_99] : memref<2x128x128xf32, #tpu.memory_space<vmem>> -> memref<1x128x128xf32, #tpu.memory_space<vmem>>
            %dma_start3A_101 = tpu.memref_squeeze %dma_start3A_100 : memref<1x128x128xf32, #tpu.memory_space<vmem>> -> memref<128x128xf32, #tpu.memory_space<vmem>>
            %dma_start3A_102 = arith.constant 0 : i32
            %dma_start3A_103 = tpu.memref_slice %arg8[%mul3A_74, %dma_start3A_102] : memref<40x128xi32, #tpu.memory_space<vmem>> -> memref<1x128xi32, #tpu.memory_space<vmem>>
            %dma_start3A_104 = tpu.memref_squeeze %dma_start3A_103 : memref<1x128xi32, #tpu.memory_space<vmem>> -> memref<128xi32, #tpu.memory_space<vmem>>
            %dma_start3A_105 = arith.constant 0 : i32
            %dma_start3A_106 = arith.constant 0 : i32
            %dma_start3A_107 = tpu.memref_slice %arg10[%dma_start3A_105, %dma_start3A_106] : memref<10240x128xf32, #tpu.memory_space<vmem_shared>> -> memref<10240x128xf32, #tpu.memory_space<vmem_shared>>
            tpu.enqueue_indirect_dma source(%dma_start3A_101 : memref<128x128xf32, #tpu.memory_space<vmem>>) target(%dma_start3A_107 : memref<10240x128xf32, #tpu.memory_space<vmem_shared>>) offsets(%dma_start3A_104 : memref<128xi32, #tpu.memory_space<vmem>>) semaphore(%run_scoped3A_97 : memref<!tpu.dma_semaphore, #tpu.memory_space<semaphore_mem>>) {add = true}
            %dma_wait3A_108 = arith.constant 0 : i32
            %dma_wait3A_109 = arith.constant 0 : i32
            %dma_wait3A_110 = tpu.memref_slice %arg9[%run_scoped3A, %dma_wait3A_108, %dma_wait3A_109] : memref<2x128x128xf32, #tpu.memory_space<vmem>> -> memref<1x128x128xf32, #tpu.memory_space<vmem>>
            %dma_wait3A_111 = tpu.memref_squeeze %dma_wait3A_110 : memref<1x128x128xf32, #tpu.memory_space<vmem>> -> memref<128x128xf32, #tpu.memory_space<vmem>>
            %dma_wait3A_112 = arith.constant 0 : i32
            %dma_wait3A_113 = tpu.memref_slice %arg8[%mul3A_74, %dma_wait3A_112] : memref<40x128xi32, #tpu.memory_space<vmem>> -> memref<1x128xi32, #tpu.memory_space<vmem>>
            %dma_wait3A_114 = tpu.memref_squeeze %dma_wait3A_113 : memref<1x128xi32, #tpu.memory_space<vmem>> -> memref<128xi32, #tpu.memory_space<vmem>>
            %dma_wait3A_115 = arith.constant 0 : i32
            %dma_wait3A_116 = arith.constant 0 : i32
            %dma_wait3A_117 = tpu.memref_slice %arg10[%dma_wait3A_115, %dma_wait3A_116] : memref<10240x128xf32, #tpu.memory_space<vmem_shared>> -> memref<10240x128xf32, #tpu.memory_space<vmem_shared>>
            tpu.wait_indirect_dma semaphore(%run_scoped3A_97 : memref<!tpu.dma_semaphore, #tpu.memory_space<semaphore_mem>>) src(%dma_wait3A_111 : memref<128x128xf32, #tpu.memory_space<vmem>>) dst(%dma_wait3A_117 : memref<10240x128xf32, #tpu.memory_space<vmem_shared>>)
            tpu.yield
          }) : () -> ()
          %lt3A = arith.constant 19 : i32
          %lt3A_75 = arith.cmpi slt, %scan3A_45, %lt3A : i32
          %convert_element_type3A_76 = arith.extui %lt3A_75 : i1 to i32
          %cond3A_77 = arith.constant 0 : i32
          %cond3A_78 = arith.cmpi ne, %convert_element_type3A_76, %cond3A_77 : i32
          scf.if %cond3A_78 {
            %mul3A_97 = arith.constant 2 : i32
            %mul3A_98 = arith.muli %mul3A_97, %scan3A_45 : i32
            %add3A_99 = arith.constant 2 : i32
            %add3A_100 = arith.addi %mul3A_98, %add3A_99 : i32
            %dma_start3A_101 = arith.constant 0 : i32
            %dma_start3A_102 = arith.constant 0 : i32
            %dma_start3A_103 = arith.constant 0 : i32
            %dma_start3A_104 = tpu.memref_slice %arg9[%dma_start3A_101, %dma_start3A_102, %dma_start3A_103] : memref<2x128x128xf32, #tpu.memory_space<vmem>> -> memref<1x128x128xf32, #tpu.memory_space<vmem>>
            %dma_start3A_105 = tpu.memref_squeeze %dma_start3A_104 : memref<1x128x128xf32, #tpu.memory_space<vmem>> -> memref<128x128xf32, #tpu.memory_space<vmem>>
            %dma_start3A_106 = arith.constant 0 : i32
            %dma_start3A_107 = tpu.memref_slice %arg7[%add3A_100, %dma_start3A_106] : memref<40x128xi32, #tpu.memory_space<vmem>> -> memref<1x128xi32, #tpu.memory_space<vmem>>
            %dma_start3A_108 = tpu.memref_squeeze %dma_start3A_107 : memref<1x128xi32, #tpu.memory_space<vmem>> -> memref<128xi32, #tpu.memory_space<vmem>>
            %dma_start3A_109 = arith.constant 0 : i32
            %dma_start3A_110 = arith.constant 0 : i32
            %dma_start3A_111 = tpu.memref_slice %arg2[%dma_start3A_109, %dma_start3A_110] : memref<10240x128xf32, #tpu.memory_space<hbm>> -> memref<10240x128xf32, #tpu.memory_space<hbm>>
            tpu.enqueue_indirect_dma source(%dma_start3A_111 : memref<10240x128xf32, #tpu.memory_space<hbm>>) target(%dma_start3A_105 : memref<128x128xf32, #tpu.memory_space<vmem>>) offsets(%dma_start3A_108 : memref<128xi32, #tpu.memory_space<vmem>>) semaphore(%arg11 : memref<!tpu.dma_semaphore, #tpu.memory_space<semaphore_mem>>)
          } else {
          }
          %dma_wait3A_79 = arith.constant 0 : i32
          %dma_wait3A_80 = arith.constant 1 : i32
          %dma_wait3A_81 = arith.constant 0 : i32
          %dma_wait3A_82 = arith.constant 0 : i32
          %dma_wait3A_83 = tpu.memref_slice %arg9[%dma_wait3A_80, %dma_wait3A_81, %dma_wait3A_82] : memref<2x128x128xf32, #tpu.memory_space<vmem>> -> memref<1x128x128xf32, #tpu.memory_space<vmem>>
          %dma_wait3A_84 = tpu.memref_squeeze %dma_wait3A_83 : memref<1x128x128xf32, #tpu.memory_space<vmem>> -> memref<128x128xf32, #tpu.memory_space<vmem>>
          %dma_wait3A_85 = arith.constant 0 : i32
          %dma_wait3A_86 = tpu.memref_slice %arg7[%dma_wait3A_79, %dma_wait3A_85] : memref<40x128xi32, #tpu.memory_space<vmem>> -> memref<1x128xi32, #tpu.memory_space<vmem>>
          %dma_wait3A_87 = tpu.memref_squeeze %dma_wait3A_86 : memref<1x128xi32, #tpu.memory_space<vmem>> -> memref<128xi32, #tpu.memory_space<vmem>>
          %dma_wait3A_88 = arith.constant 0 : i32
          %dma_wait3A_89 = arith.constant 0 : i32
          %dma_wait3A_90 = tpu.memref_slice %arg2[%dma_wait3A_88, %dma_wait3A_89] : memref<10240x128xf32, #tpu.memory_space<hbm>> -> memref<10240x128xf32, #tpu.memory_space<hbm>>
          tpu.wait_indirect_dma semaphore(%arg12 : memref<!tpu.dma_semaphore, #tpu.memory_space<semaphore_mem>>) src(%dma_wait3A_90 : memref<10240x128xf32, #tpu.memory_space<hbm>>) dst(%dma_wait3A_84 : memref<128x128xf32, #tpu.memory_space<vmem>>)
          %mul3A_91 = arith.constant 2 : i32
          %mul3A_92 = arith.muli %mul3A_91, %scan3A_45 : i32
          %add3A_93 = arith.constant 1 : i32
          %add3A_94 = arith.addi %mul3A_92, %add3A_93 : i32
          %run_scoped3A_95 = arith.constant 1 : i32
          "tpu.region"() ({
            %run_scoped3A_97 = tpu.sem_alloc : memref<!tpu.dma_semaphore, #tpu.memory_space<semaphore_mem>>
            %dma_start3A_98 = arith.constant 0 : i32
            %dma_start3A_99 = arith.constant 0 : i32
            %dma_start3A_100 = tpu.memref_slice %arg9[%run_scoped3A_95, %dma_start3A_98, %dma_start3A_99] : memref<2x128x128xf32, #tpu.memory_space<vmem>> -> memref<1x128x128xf32, #tpu.memory_space<vmem>>
            %dma_start3A_101 = tpu.memref_squeeze %dma_start3A_100 : memref<1x128x128xf32, #tpu.memory_space<vmem>> -> memref<128x128xf32, #tpu.memory_space<vmem>>
            %dma_start3A_102 = arith.constant 0 : i32
            %dma_start3A_103 = tpu.memref_slice %arg8[%add3A_94, %dma_start3A_102] : memref<40x128xi32, #tpu.memory_space<vmem>> -> memref<1x128xi32, #tpu.memory_space<vmem>>
            %dma_start3A_104 = tpu.memref_squeeze %dma_start3A_103 : memref<1x128xi32, #tpu.memory_space<vmem>> -> memref<128xi32, #tpu.memory_space<vmem>>
            %dma_start3A_105 = arith.constant 0 : i32
            %dma_start3A_106 = arith.constant 0 : i32
            %dma_start3A_107 = tpu.memref_slice %arg10[%dma_start3A_105, %dma_start3A_106] : memref<10240x128xf32, #tpu.memory_space<vmem_shared>> -> memref<10240x128xf32, #tpu.memory_space<vmem_shared>>
            tpu.enqueue_indirect_dma source(%dma_start3A_101 : memref<128x128xf32, #tpu.memory_space<vmem>>) target(%dma_start3A_107 : memref<10240x128xf32, #tpu.memory_space<vmem_shared>>) offsets(%dma_start3A_104 : memref<128xi32, #tpu.memory_space<vmem>>) semaphore(%run_scoped3A_97 : memref<!tpu.dma_semaphore, #tpu.memory_space<semaphore_mem>>) {add = true}
            %dma_wait3A_108 = arith.constant 0 : i32
            %dma_wait3A_109 = arith.constant 0 : i32
            %dma_wait3A_110 = tpu.memref_slice %arg9[%run_scoped3A_95, %dma_wait3A_108, %dma_wait3A_109] : memref<2x128x128xf32, #tpu.memory_space<vmem>> -> memref<1x128x128xf32, #tpu.memory_space<vmem>>
            %dma_wait3A_111 = tpu.memref_squeeze %dma_wait3A_110 : memref<1x128x128xf32, #tpu.memory_space<vmem>> -> memref<128x128xf32, #tpu.memory_space<vmem>>
            %dma_wait3A_112 = arith.constant 0 : i32
            %dma_wait3A_113 = tpu.memref_slice %arg8[%add3A_94, %dma_wait3A_112] : memref<40x128xi32, #tpu.memory_space<vmem>> -> memref<1x128xi32, #tpu.memory_space<vmem>>
            %dma_wait3A_114 = tpu.memref_squeeze %dma_wait3A_113 : memref<1x128xi32, #tpu.memory_space<vmem>> -> memref<128xi32, #tpu.memory_space<vmem>>
            %dma_wait3A_115 = arith.constant 0 : i32
            %dma_wait3A_116 = arith.constant 0 : i32
            %dma_wait3A_117 = tpu.memref_slice %arg10[%dma_wait3A_115, %dma_wait3A_116] : memref<10240x128xf32, #tpu.memory_space<vmem_shared>> -> memref<10240x128xf32, #tpu.memory_space<vmem_shared>>
            tpu.wait_indirect_dma semaphore(%run_scoped3A_97 : memref<!tpu.dma_semaphore, #tpu.memory_space<semaphore_mem>>) src(%dma_wait3A_111 : memref<128x128xf32, #tpu.memory_space<vmem>>) dst(%dma_wait3A_117 : memref<10240x128xf32, #tpu.memory_space<vmem_shared>>)
            tpu.yield
          }) : () -> ()
          %scan3A_96 = arith.constant 0 : i32
          scf.yield %scan3A_96 : i32
        }
        %scan3A_43 = arith.constant 20 : i32
        %scan3A_44 = arith.constant 0 : i32
        scf.yield %scan3A_44 : i32
      }
      %scan3A_20 = arith.constant 3 : i32
    } else {
    }
    %eq3A_5 = arith.constant 1 : i32
    %eq3A_6 = arith.cmpi eq, %arg0, %eq3A_5 : i32
    %convert_element_type3A_7 = arith.extui %eq3A_6 : i1 to i32
    %cond3A_8 = arith.constant 0 : i32
    %cond3A_9 = arith.cmpi ne, %convert_element_type3A_7, %cond3A_8 : i32
    scf.if %cond3A_9 {
      %mul3A_13 = arith.constant 40 : i32
      %mul3A_14 = arith.muli %arg1, %mul3A_13 : i32
      %add3A_15 = arith.constant 1920 : i32
      %add3A_16 = arith.addi %add3A_15, %mul3A_14 : i32
      %scan3A = arith.constant 0 : i32
      %scan3A_17 = arith.constant 0 : i32
      %mul3A_18 = arith.constant 40 : i32
      %mul3A_19 = arith.muli %scan3A_17, %mul3A_18 : i32
      %add3A_20 = arith.addi %add3A_16, %mul3A_19 : i32
      "tpu.region"() ({
        %run_scoped3A = tpu.sem_alloc : memref<!tpu.dma_semaphore, #tpu.memory_space<semaphore_mem>>
        %dma_start3A_41 = arith.constant 0 : i32
        %dma_start3A_42 = tpu.memref_slice %arg3[%add3A_20, %dma_start3A_41] : memref<2560x128xi32, #tpu.memory_space<hbm>> -> memref<40x128xi32, #tpu.memory_space<hbm>>
        %dma_start3A_43 = arith.constant 0 : i32
        %dma_start3A_44 = tpu.memref_slice %arg3[%add3A_20, %dma_start3A_43] : memref<2560x128xi32, #tpu.memory_space<hbm>> -> memref<40x128xi32, #tpu.memory_space<hbm>>
        tpu.enqueue_dma source(%dma_start3A_44 : memref<40x128xi32, #tpu.memory_space<hbm>>) target(%arg7 : memref<40x128xi32, #tpu.memory_space<vmem>>) target_semaphore(%run_scoped3A : memref<!tpu.dma_semaphore, #tpu.memory_space<semaphore_mem>>)
        %dma_wait3A = arith.constant 0 : i32
        %dma_wait3A_45 = tpu.memref_slice %arg3[%add3A_20, %dma_wait3A] : memref<2560x128xi32, #tpu.memory_space<hbm>> -> memref<40x128xi32, #tpu.memory_space<hbm>>
        %dma_wait3A_46 = arith.constant 0 : i32
        %dma_wait3A_47 = tpu.memref_slice %arg3[%add3A_20, %dma_wait3A_46] : memref<2560x128xi32, #tpu.memory_space<hbm>> -> memref<40x128xi32, #tpu.memory_space<hbm>>
        tpu.wait_dma2 semaphore(%run_scoped3A : memref<!tpu.dma_semaphore, #tpu.memory_space<semaphore_mem>>) src(%dma_wait3A_47 : memref<40x128xi32, #tpu.memory_space<hbm>>) dst(%arg7 : memref<40x128xi32, #tpu.memory_space<vmem>>)
        tpu.yield
      }) : () -> ()
      "tpu.region"() ({
        %run_scoped3A = tpu.sem_alloc : memref<!tpu.dma_semaphore, #tpu.memory_space<semaphore_mem>>
        %dma_start3A_41 = arith.constant 0 : i32
        %dma_start3A_42 = tpu.memref_slice %arg4[%add3A_20, %dma_start3A_41] : memref<2560x128xi32, #tpu.memory_space<hbm>> -> memref<40x128xi32, #tpu.memory_space<hbm>>
        %dma_start3A_43 = arith.constant 0 : i32
        %dma_start3A_44 = tpu.memref_slice %arg4[%add3A_20, %dma_start3A_43] : memref<2560x128xi32, #tpu.memory_space<hbm>> -> memref<40x128xi32, #tpu.memory_space<hbm>>
        tpu.enqueue_dma source(%dma_start3A_44 : memref<40x128xi32, #tpu.memory_space<hbm>>) target(%arg8 : memref<40x128xi32, #tpu.memory_space<vmem>>) target_semaphore(%run_scoped3A : memref<!tpu.dma_semaphore, #tpu.memory_space<semaphore_mem>>)
        %dma_wait3A = arith.constant 0 : i32
        %dma_wait3A_45 = tpu.memref_slice %arg4[%add3A_20, %dma_wait3A] : memref<2560x128xi32, #tpu.memory_space<hbm>> -> memref<40x128xi32, #tpu.memory_space<hbm>>
        %dma_wait3A_46 = arith.constant 0 : i32
        %dma_wait3A_47 = tpu.memref_slice %arg4[%add3A_20, %dma_wait3A_46] : memref<2560x128xi32, #tpu.memory_space<hbm>> -> memref<40x128xi32, #tpu.memory_space<hbm>>
        tpu.wait_dma2 semaphore(%run_scoped3A : memref<!tpu.dma_semaphore, #tpu.memory_space<semaphore_mem>>) src(%dma_wait3A_47 : memref<40x128xi32, #tpu.memory_space<hbm>>) dst(%arg8 : memref<40x128xi32, #tpu.memory_space<vmem>>)
        tpu.yield
      }) : () -> ()
      %dma_start3A = arith.constant 0 : i32
      %dma_start3A_21 = arith.constant 0 : i32
      %dma_start3A_22 = arith.constant 0 : i32
      %dma_start3A_23 = arith.constant 0 : i32
      %dma_start3A_24 = tpu.memref_slice %arg9[%dma_start3A_21, %dma_start3A_22, %dma_start3A_23] : memref<2x128x128xf32, #tpu.memory_space<vmem>> -> memref<1x128x128xf32, #tpu.memory_space<vmem>>
      %dma_start3A_25 = tpu.memref_squeeze %dma_start3A_24 : memref<1x128x128xf32, #tpu.memory_space<vmem>> -> memref<128x128xf32, #tpu.memory_space<vmem>>
      %dma_start3A_26 = arith.constant 0 : i32
      %dma_start3A_27 = tpu.memref_slice %arg7[%dma_start3A, %dma_start3A_26] : memref<40x128xi32, #tpu.memory_space<vmem>> -> memref<1x128xi32, #tpu.memory_space<vmem>>
      %dma_start3A_28 = tpu.memref_squeeze %dma_start3A_27 : memref<1x128xi32, #tpu.memory_space<vmem>> -> memref<128xi32, #tpu.memory_space<vmem>>
      %dma_start3A_29 = arith.constant 0 : i32
      %dma_start3A_30 = arith.constant 0 : i32
      %dma_start3A_31 = tpu.memref_slice %arg2[%dma_start3A_29, %dma_start3A_30] : memref<10240x128xf32, #tpu.memory_space<hbm>> -> memref<10240x128xf32, #tpu.memory_space<hbm>>
      tpu.enqueue_indirect_dma source(%dma_start3A_31 : memref<10240x128xf32, #tpu.memory_space<hbm>>) target(%dma_start3A_25 : memref<128x128xf32, #tpu.memory_space<vmem>>) offsets(%dma_start3A_28 : memref<128xi32, #tpu.memory_space<vmem>>) semaphore(%arg11 : memref<!tpu.dma_semaphore, #tpu.memory_space<semaphore_mem>>)
      %scan3A_32 = arith.constant 0 : i32
      %scan3A_33 = arith.constant 0 : i32
      %scan3A_34 = arith.constant 20 : i32
      %scan3A_35 = arith.addi %scan3A_33, %scan3A_34 : i32
      %scan3A_36 = arith.constant 1 : i32
      %scan3A_37 = scf.for %scan3A_41 = %scan3A_33 to %scan3A_35 step %scan3A_36 iter_args(%scan3A_42 = %scan3A_32) -> (i32)  : i32 {
        %mul3A_43 = arith.constant 2 : i32
        %mul3A_44 = arith.muli %mul3A_43, %scan3A_41 : i32
        %add3A_45 = arith.constant 1 : i32
        %add3A_46 = arith.addi %mul3A_44, %add3A_45 : i32
        %dma_start3A_47 = arith.constant 1 : i32
        %dma_start3A_48 = arith.constant 0 : i32
        %dma_start3A_49 = arith.constant 0 : i32
        %dma_start3A_50 = tpu.memref_slice %arg9[%dma_start3A_47, %dma_start3A_48, %dma_start3A_49] : memref<2x128x128xf32, #tpu.memory_space<vmem>> -> memref<1x128x128xf32, #tpu.memory_space<vmem>>
        %dma_start3A_51 = tpu.memref_squeeze %dma_start3A_50 : memref<1x128x128xf32, #tpu.memory_space<vmem>> -> memref<128x128xf32, #tpu.memory_space<vmem>>
        %dma_start3A_52 = arith.constant 0 : i32
        %dma_start3A_53 = tpu.memref_slice %arg7[%add3A_46, %dma_start3A_52] : memref<40x128xi32, #tpu.memory_space<vmem>> -> memref<1x128xi32, #tpu.memory_space<vmem>>
        %dma_start3A_54 = tpu.memref_squeeze %dma_start3A_53 : memref<1x128xi32, #tpu.memory_space<vmem>> -> memref<128xi32, #tpu.memory_space<vmem>>
        %dma_start3A_55 = arith.constant 0 : i32
        %dma_start3A_56 = arith.constant 0 : i32
        %dma_start3A_57 = tpu.memref_slice %arg2[%dma_start3A_55, %dma_start3A_56] : memref<10240x128xf32, #tpu.memory_space<hbm>> -> memref<10240x128xf32, #tpu.memory_space<hbm>>
        tpu.enqueue_indirect_dma source(%dma_start3A_57 : memref<10240x128xf32, #tpu.memory_space<hbm>>) target(%dma_start3A_51 : memref<128x128xf32, #tpu.memory_space<vmem>>) offsets(%dma_start3A_54 : memref<128xi32, #tpu.memory_space<vmem>>) semaphore(%arg12 : memref<!tpu.dma_semaphore, #tpu.memory_space<semaphore_mem>>)
        %dma_wait3A = arith.constant 0 : i32
        %dma_wait3A_58 = arith.constant 0 : i32
        %dma_wait3A_59 = arith.constant 0 : i32
        %dma_wait3A_60 = arith.constant 0 : i32
        %dma_wait3A_61 = tpu.memref_slice %arg9[%dma_wait3A_58, %dma_wait3A_59, %dma_wait3A_60] : memref<2x128x128xf32, #tpu.memory_space<vmem>> -> memref<1x128x128xf32, #tpu.memory_space<vmem>>
        %dma_wait3A_62 = tpu.memref_squeeze %dma_wait3A_61 : memref<1x128x128xf32, #tpu.memory_space<vmem>> -> memref<128x128xf32, #tpu.memory_space<vmem>>
        %dma_wait3A_63 = arith.constant 0 : i32
        %dma_wait3A_64 = tpu.memref_slice %arg7[%dma_wait3A, %dma_wait3A_63] : memref<40x128xi32, #tpu.memory_space<vmem>> -> memref<1x128xi32, #tpu.memory_space<vmem>>
        %dma_wait3A_65 = tpu.memref_squeeze %dma_wait3A_64 : memref<1x128xi32, #tpu.memory_space<vmem>> -> memref<128xi32, #tpu.memory_space<vmem>>
        %dma_wait3A_66 = arith.constant 0 : i32
        %dma_wait3A_67 = arith.constant 0 : i32
        %dma_wait3A_68 = tpu.memref_slice %arg2[%dma_wait3A_66, %dma_wait3A_67] : memref<10240x128xf32, #tpu.memory_space<hbm>> -> memref<10240x128xf32, #tpu.memory_space<hbm>>
        tpu.wait_indirect_dma semaphore(%arg11 : memref<!tpu.dma_semaphore, #tpu.memory_space<semaphore_mem>>) src(%dma_wait3A_68 : memref<10240x128xf32, #tpu.memory_space<hbm>>) dst(%dma_wait3A_62 : memref<128x128xf32, #tpu.memory_space<vmem>>)
        %mul3A_69 = arith.constant 2 : i32
        %mul3A_70 = arith.muli %mul3A_69, %scan3A_41 : i32
        %run_scoped3A = arith.constant 0 : i32
        "tpu.region"() ({
          %run_scoped3A_93 = tpu.sem_alloc : memref<!tpu.dma_semaphore, #tpu.memory_space<semaphore_mem>>
          %dma_start3A_94 = arith.constant 0 : i32
          %dma_start3A_95 = arith.constant 0 : i32
          %dma_start3A_96 = tpu.memref_slice %arg9[%run_scoped3A, %dma_start3A_94, %dma_start3A_95] : memref<2x128x128xf32, #tpu.memory_space<vmem>> -> memref<1x128x128xf32, #tpu.memory_space<vmem>>
          %dma_start3A_97 = tpu.memref_squeeze %dma_start3A_96 : memref<1x128x128xf32, #tpu.memory_space<vmem>> -> memref<128x128xf32, #tpu.memory_space<vmem>>
          %dma_start3A_98 = arith.constant 0 : i32
          %dma_start3A_99 = tpu.memref_slice %arg8[%mul3A_70, %dma_start3A_98] : memref<40x128xi32, #tpu.memory_space<vmem>> -> memref<1x128xi32, #tpu.memory_space<vmem>>
          %dma_start3A_100 = tpu.memref_squeeze %dma_start3A_99 : memref<1x128xi32, #tpu.memory_space<vmem>> -> memref<128xi32, #tpu.memory_space<vmem>>
          %dma_start3A_101 = arith.constant 0 : i32
          %dma_start3A_102 = arith.constant 0 : i32
          %dma_start3A_103 = tpu.memref_slice %arg10[%dma_start3A_101, %dma_start3A_102] : memref<10240x128xf32, #tpu.memory_space<vmem_shared>> -> memref<10240x128xf32, #tpu.memory_space<vmem_shared>>
          tpu.enqueue_indirect_dma source(%dma_start3A_97 : memref<128x128xf32, #tpu.memory_space<vmem>>) target(%dma_start3A_103 : memref<10240x128xf32, #tpu.memory_space<vmem_shared>>) offsets(%dma_start3A_100 : memref<128xi32, #tpu.memory_space<vmem>>) semaphore(%run_scoped3A_93 : memref<!tpu.dma_semaphore, #tpu.memory_space<semaphore_mem>>) {add = true}
          %dma_wait3A_104 = arith.constant 0 : i32
          %dma_wait3A_105 = arith.constant 0 : i32
          %dma_wait3A_106 = tpu.memref_slice %arg9[%run_scoped3A, %dma_wait3A_104, %dma_wait3A_105] : memref<2x128x128xf32, #tpu.memory_space<vmem>> -> memref<1x128x128xf32, #tpu.memory_space<vmem>>
          %dma_wait3A_107 = tpu.memref_squeeze %dma_wait3A_106 : memref<1x128x128xf32, #tpu.memory_space<vmem>> -> memref<128x128xf32, #tpu.memory_space<vmem>>
          %dma_wait3A_108 = arith.constant 0 : i32
          %dma_wait3A_109 = tpu.memref_slice %arg8[%mul3A_70, %dma_wait3A_108] : memref<40x128xi32, #tpu.memory_space<vmem>> -> memref<1x128xi32, #tpu.memory_space<vmem>>
          %dma_wait3A_110 = tpu.memref_squeeze %dma_wait3A_109 : memref<1x128xi32, #tpu.memory_space<vmem>> -> memref<128xi32, #tpu.memory_space<vmem>>
          %dma_wait3A_111 = arith.constant 0 : i32
          %dma_wait3A_112 = arith.constant 0 : i32
          %dma_wait3A_113 = tpu.memref_slice %arg10[%dma_wait3A_111, %dma_wait3A_112] : memref<10240x128xf32, #tpu.memory_space<vmem_shared>> -> memref<10240x128xf32, #tpu.memory_space<vmem_shared>>
          tpu.wait_indirect_dma semaphore(%run_scoped3A_93 : memref<!tpu.dma_semaphore, #tpu.memory_space<semaphore_mem>>) src(%dma_wait3A_107 : memref<128x128xf32, #tpu.memory_space<vmem>>) dst(%dma_wait3A_113 : memref<10240x128xf32, #tpu.memory_space<vmem_shared>>)
          tpu.yield
        }) : () -> ()
        %lt3A = arith.constant 19 : i32
        %lt3A_71 = arith.cmpi slt, %scan3A_41, %lt3A : i32
        %convert_element_type3A_72 = arith.extui %lt3A_71 : i1 to i32
        %cond3A_73 = arith.constant 0 : i32
        %cond3A_74 = arith.cmpi ne, %convert_element_type3A_72, %cond3A_73 : i32
        scf.if %cond3A_74 {
          %mul3A_93 = arith.constant 2 : i32
          %mul3A_94 = arith.muli %mul3A_93, %scan3A_41 : i32
          %add3A_95 = arith.constant 2 : i32
          %add3A_96 = arith.addi %mul3A_94, %add3A_95 : i32
          %dma_start3A_97 = arith.constant 0 : i32
          %dma_start3A_98 = arith.constant 0 : i32
          %dma_start3A_99 = arith.constant 0 : i32
          %dma_start3A_100 = tpu.memref_slice %arg9[%dma_start3A_97, %dma_start3A_98, %dma_start3A_99] : memref<2x128x128xf32, #tpu.memory_space<vmem>> -> memref<1x128x128xf32, #tpu.memory_space<vmem>>
          %dma_start3A_101 = tpu.memref_squeeze %dma_start3A_100 : memref<1x128x128xf32, #tpu.memory_space<vmem>> -> memref<128x128xf32, #tpu.memory_space<vmem>>
          %dma_start3A_102 = arith.constant 0 : i32
          %dma_start3A_103 = tpu.memref_slice %arg7[%add3A_96, %dma_start3A_102] : memref<40x128xi32, #tpu.memory_space<vmem>> -> memref<1x128xi32, #tpu.memory_space<vmem>>
          %dma_start3A_104 = tpu.memref_squeeze %dma_start3A_103 : memref<1x128xi32, #tpu.memory_space<vmem>> -> memref<128xi32, #tpu.memory_space<vmem>>
          %dma_start3A_105 = arith.constant 0 : i32
          %dma_start3A_106 = arith.constant 0 : i32
          %dma_start3A_107 = tpu.memref_slice %arg2[%dma_start3A_105, %dma_start3A_106] : memref<10240x128xf32, #tpu.memory_space<hbm>> -> memref<10240x128xf32, #tpu.memory_space<hbm>>
          tpu.enqueue_indirect_dma source(%dma_start3A_107 : memref<10240x128xf32, #tpu.memory_space<hbm>>) target(%dma_start3A_101 : memref<128x128xf32, #tpu.memory_space<vmem>>) offsets(%dma_start3A_104 : memref<128xi32, #tpu.memory_space<vmem>>) semaphore(%arg11 : memref<!tpu.dma_semaphore, #tpu.memory_space<semaphore_mem>>)
        } else {
        }
        %dma_wait3A_75 = arith.constant 0 : i32
        %dma_wait3A_76 = arith.constant 1 : i32
        %dma_wait3A_77 = arith.constant 0 : i32
        %dma_wait3A_78 = arith.constant 0 : i32
        %dma_wait3A_79 = tpu.memref_slice %arg9[%dma_wait3A_76, %dma_wait3A_77, %dma_wait3A_78] : memref<2x128x128xf32, #tpu.memory_space<vmem>> -> memref<1x128x128xf32, #tpu.memory_space<vmem>>
        %dma_wait3A_80 = tpu.memref_squeeze %dma_wait3A_79 : memref<1x128x128xf32, #tpu.memory_space<vmem>> -> memref<128x128xf32, #tpu.memory_space<vmem>>
        %dma_wait3A_81 = arith.constant 0 : i32
        %dma_wait3A_82 = tpu.memref_slice %arg7[%dma_wait3A_75, %dma_wait3A_81] : memref<40x128xi32, #tpu.memory_space<vmem>> -> memref<1x128xi32, #tpu.memory_space<vmem>>
        %dma_wait3A_83 = tpu.memref_squeeze %dma_wait3A_82 : memref<1x128xi32, #tpu.memory_space<vmem>> -> memref<128xi32, #tpu.memory_space<vmem>>
        %dma_wait3A_84 = arith.constant 0 : i32
        %dma_wait3A_85 = arith.constant 0 : i32
        %dma_wait3A_86 = tpu.memref_slice %arg2[%dma_wait3A_84, %dma_wait3A_85] : memref<10240x128xf32, #tpu.memory_space<hbm>> -> memref<10240x128xf32, #tpu.memory_space<hbm>>
        tpu.wait_indirect_dma semaphore(%arg12 : memref<!tpu.dma_semaphore, #tpu.memory_space<semaphore_mem>>) src(%dma_wait3A_86 : memref<10240x128xf32, #tpu.memory_space<hbm>>) dst(%dma_wait3A_80 : memref<128x128xf32, #tpu.memory_space<vmem>>)
        %mul3A_87 = arith.constant 2 : i32
        %mul3A_88 = arith.muli %mul3A_87, %scan3A_41 : i32
        %add3A_89 = arith.constant 1 : i32
        %add3A_90 = arith.addi %mul3A_88, %add3A_89 : i32
        %run_scoped3A_91 = arith.constant 1 : i32
        "tpu.region"() ({
          %run_scoped3A_93 = tpu.sem_alloc : memref<!tpu.dma_semaphore, #tpu.memory_space<semaphore_mem>>
          %dma_start3A_94 = arith.constant 0 : i32
          %dma_start3A_95 = arith.constant 0 : i32
          %dma_start3A_96 = tpu.memref_slice %arg9[%run_scoped3A_91, %dma_start3A_94, %dma_start3A_95] : memref<2x128x128xf32, #tpu.memory_space<vmem>> -> memref<1x128x128xf32, #tpu.memory_space<vmem>>
          %dma_start3A_97 = tpu.memref_squeeze %dma_start3A_96 : memref<1x128x128xf32, #tpu.memory_space<vmem>> -> memref<128x128xf32, #tpu.memory_space<vmem>>
          %dma_start3A_98 = arith.constant 0 : i32
          %dma_start3A_99 = tpu.memref_slice %arg8[%add3A_90, %dma_start3A_98] : memref<40x128xi32, #tpu.memory_space<vmem>> -> memref<1x128xi32, #tpu.memory_space<vmem>>
          %dma_start3A_100 = tpu.memref_squeeze %dma_start3A_99 : memref<1x128xi32, #tpu.memory_space<vmem>> -> memref<128xi32, #tpu.memory_space<vmem>>
          %dma_start3A_101 = arith.constant 0 : i32
          %dma_start3A_102 = arith.constant 0 : i32
          %dma_start3A_103 = tpu.memref_slice %arg10[%dma_start3A_101, %dma_start3A_102] : memref<10240x128xf32, #tpu.memory_space<vmem_shared>> -> memref<10240x128xf32, #tpu.memory_space<vmem_shared>>
          tpu.enqueue_indirect_dma source(%dma_start3A_97 : memref<128x128xf32, #tpu.memory_space<vmem>>) target(%dma_start3A_103 : memref<10240x128xf32, #tpu.memory_space<vmem_shared>>) offsets(%dma_start3A_100 : memref<128xi32, #tpu.memory_space<vmem>>) semaphore(%run_scoped3A_93 : memref<!tpu.dma_semaphore, #tpu.memory_space<semaphore_mem>>) {add = true}
          %dma_wait3A_104 = arith.constant 0 : i32
          %dma_wait3A_105 = arith.constant 0 : i32
          %dma_wait3A_106 = tpu.memref_slice %arg9[%run_scoped3A_91, %dma_wait3A_104, %dma_wait3A_105] : memref<2x128x128xf32, #tpu.memory_space<vmem>> -> memref<1x128x128xf32, #tpu.memory_space<vmem>>
          %dma_wait3A_107 = tpu.memref_squeeze %dma_wait3A_106 : memref<1x128x128xf32, #tpu.memory_space<vmem>> -> memref<128x128xf32, #tpu.memory_space<vmem>>
          %dma_wait3A_108 = arith.constant 0 : i32
          %dma_wait3A_109 = tpu.memref_slice %arg8[%add3A_90, %dma_wait3A_108] : memref<40x128xi32, #tpu.memory_space<vmem>> -> memref<1x128xi32, #tpu.memory_space<vmem>>
          %dma_wait3A_110 = tpu.memref_squeeze %dma_wait3A_109 : memref<1x128xi32, #tpu.memory_space<vmem>> -> memref<128xi32, #tpu.memory_space<vmem>>
          %dma_wait3A_111 = arith.constant 0 : i32
          %dma_wait3A_112 = arith.constant 0 : i32
          %dma_wait3A_113 = tpu.memref_slice %arg10[%dma_wait3A_111, %dma_wait3A_112] : memref<10240x128xf32, #tpu.memory_space<vmem_shared>> -> memref<10240x128xf32, #tpu.memory_space<vmem_shared>>
          tpu.wait_indirect_dma semaphore(%run_scoped3A_93 : memref<!tpu.dma_semaphore, #tpu.memory_space<semaphore_mem>>) src(%dma_wait3A_107 : memref<128x128xf32, #tpu.memory_space<vmem>>) dst(%dma_wait3A_113 : memref<10240x128xf32, #tpu.memory_space<vmem_shared>>)
          tpu.yield
        }) : () -> ()
        %scan3A_92 = arith.constant 0 : i32
        scf.yield %scan3A_92 : i32
      }
      %scan3A_38 = arith.constant 20 : i32
      %scan3A_39 = arith.constant 0 : i32
      %scan3A_40 = arith.constant 1 : i32
    } else {
    }
    %barrier3A_10 = arith.constant 0 : index
    tpu.barrier barrier_id(%barrier3A_10)
    %mul3A_11 = arith.constant 640 : i32
    %mul3A_12 = arith.muli %arg1, %mul3A_11 : i32
    "tpu.region"() ({
      %run_scoped3A = tpu.sem_alloc : memref<!tpu.dma_semaphore, #tpu.memory_space<semaphore_mem>>
      %dma_start3A = arith.constant 0 : i32
      %dma_start3A_13 = tpu.memref_slice %arg6[%arg0, %mul3A_12, %dma_start3A] : memref<2x10240x128xf32, #tpu.memory_space<hbm>> -> memref<1x640x128xf32, #tpu.memory_space<hbm>>
      %dma_start3A_14 = tpu.memref_squeeze %dma_start3A_13 : memref<1x640x128xf32, #tpu.memory_space<hbm>> -> memref<640x128xf32, #tpu.memory_space<hbm>>
      %dma_start3A_15 = arith.constant 0 : i32
      %dma_start3A_16 = tpu.memref_slice %arg10[%mul3A_12, %dma_start3A_15] : memref<10240x128xf32, #tpu.memory_space<vmem_shared>> -> memref<640x128xf32, #tpu.memory_space<vmem_shared>>
      tpu.enqueue_dma source(%dma_start3A_16 : memref<640x128xf32, #tpu.memory_space<vmem_shared>>) target(%dma_start3A_14 : memref<640x128xf32, #tpu.memory_space<hbm>>) target_semaphore(%run_scoped3A : memref<!tpu.dma_semaphore, #tpu.memory_space<semaphore_mem>>)
      %dma_wait3A = arith.constant 0 : i32
      %dma_wait3A_17 = tpu.memref_slice %arg6[%arg0, %mul3A_12, %dma_wait3A] : memref<2x10240x128xf32, #tpu.memory_space<hbm>> -> memref<1x640x128xf32, #tpu.memory_space<hbm>>
      %dma_wait3A_18 = tpu.memref_squeeze %dma_wait3A_17 : memref<1x640x128xf32, #tpu.memory_space<hbm>> -> memref<640x128xf32, #tpu.memory_space<hbm>>
      %dma_wait3A_19 = arith.constant 0 : i32
      %dma_wait3A_20 = tpu.memref_slice %arg10[%mul3A_12, %dma_wait3A_19] : memref<10240x128xf32, #tpu.memory_space<vmem_shared>> -> memref<640x128xf32, #tpu.memory_space<vmem_shared>>
      tpu.wait_dma2 semaphore(%run_scoped3A : memref<!tpu.dma_semaphore, #tpu.memory_space<semaphore_mem>>) src(%dma_wait3A_20 : memref<640x128xf32, #tpu.memory_space<vmem_shared>>) dst(%dma_wait3A_18 : memref<640x128xf32, #tpu.memory_space<hbm>>)
      tpu.yield
    }) : () -> ()
    return
  }
}

#map = affine_map<(d0, d1) -> (0, 0)>
#map1 = affine_map<(d0, d1) -> (0, 0, 0)>
module attributes {stable_mosaic.version = 14 : i64} {
  func.func @_agg_body(%arg0: i32, %arg1: i32, %arg2: memref<10240x128xf32, #tpu.memory_space<hbm>>, %arg3: memref<2560x128xi32, #tpu.memory_space<hbm>>, %arg4: memref<2560x128xi32, #tpu.memory_space<hbm>>, %arg5: memref<640x128xf32, #tpu.memory_space<hbm>>, %arg6: memref<2x10240x128xf32, #tpu.memory_space<hbm>>, %arg7: memref<40x128xi32, #tpu.memory_space<vmem>>, %arg8: memref<40x128xi32, #tpu.memory_space<vmem>>, %arg9: memref<2x128x128xf32, #tpu.memory_space<vmem>>, %arg10: memref<10240x128xf32, #tpu.memory_space<vmem_shared>>, %arg11: memref<!tpu.dma_semaphore, #tpu.memory_space<semaphore_mem>>, %arg12: memref<!tpu.dma_semaphore, #tpu.memory_space<semaphore_mem>>) attributes {dimension_semantics = [#tpu.dimension_semantics<core_parallel>, #tpu.dimension_semantics<subcore_parallel>], iteration_bounds = array<i64: 2, 16>, scalar_prefetch = 0 : i64, scratch_operands = 6 : i64, tpu.core_type = #tpu.core_type<sc_vector_subcore>, window_params = [{transform_indices = #map}, {transform_indices = #map}, {transform_indices = #map}, {transform_indices = #map}, {transform_indices = #map1}]} {
    %mul3A = arith.constant 16 : i32
    %mul3A_0 = arith.muli %arg0, %mul3A : i32
    %add3A = arith.addi %mul3A_0, %arg1 : i32
    %mul3A_1 = arith.constant 640 : i32
    %mul3A_2 = arith.muli %arg1, %mul3A_1 : i32
    "tpu.region"() ({
      %run_scoped3A = tpu.sem_alloc : memref<!tpu.dma_semaphore, #tpu.memory_space<semaphore_mem>>
      %dma_start3A = arith.constant 0 : i32
      %dma_start3A_13 = tpu.memref_slice %arg10[%mul3A_2, %dma_start3A] : memref<10240x128xf32, #tpu.memory_space<vmem_shared>> -> memref<640x128xf32, #tpu.memory_space<vmem_shared>>
      tpu.enqueue_dma source(%arg5 : memref<640x128xf32, #tpu.memory_space<hbm>>) target(%dma_start3A_13 : memref<640x128xf32, #tpu.memory_space<vmem_shared>>) target_semaphore(%run_scoped3A : memref<!tpu.dma_semaphore, #tpu.memory_space<semaphore_mem>>)
      %dma_wait3A = arith.constant 0 : i32
      %dma_wait3A_14 = tpu.memref_slice %arg10[%mul3A_2, %dma_wait3A] : memref<10240x128xf32, #tpu.memory_space<vmem_shared>> -> memref<640x128xf32, #tpu.memory_space<vmem_shared>>
      tpu.wait_dma2 semaphore(%run_scoped3A : memref<!tpu.dma_semaphore, #tpu.memory_space<semaphore_mem>>) src(%arg5 : memref<640x128xf32, #tpu.memory_space<hbm>>) dst(%dma_wait3A_14 : memref<640x128xf32, #tpu.memory_space<vmem_shared>>)
      tpu.yield
    }) : () -> ()
    %barrier3A = arith.constant 0 : index
    tpu.barrier barrier_id(%barrier3A)
    %eq3A = arith.constant 0 : i32
    %eq3A_3 = arith.cmpi eq, %arg0, %eq3A : i32
    %convert_element_type3A = arith.extui %eq3A_3 : i1 to i32
    %cond3A = arith.constant 0 : i32
    %cond3A_4 = arith.cmpi ne, %convert_element_type3A, %cond3A : i32
    scf.if %cond3A_4 {
      %mul3A_13 = arith.constant 120 : i32
      %mul3A_14 = arith.muli %arg1, %mul3A_13 : i32
      %scan3A = arith.constant 0 : i32
      %scan3A_15 = arith.constant 0 : i32
      %scan3A_16 = arith.constant 3 : i32
      %scan3A_17 = arith.addi %scan3A_15, %scan3A_16 : i32
      %scan3A_18 = arith.constant 1 : i32
      %scan3A_19 = scf.for %scan3A_21 = %scan3A_15 to %scan3A_17 step %scan3A_18 iter_args(%scan3A_22 = %scan3A) -> (i32)  : i32 {
        %mul3A_23 = arith.constant 40 : i32
        %mul3A_24 = arith.muli %scan3A_21, %mul3A_23 : i32
        %add3A_25 = arith.addi %mul3A_14, %mul3A_24 : i32
        "tpu.region"() ({
          %run_scoped3A = tpu.sem_alloc : memref<!tpu.dma_semaphore, #tpu.memory_space<semaphore_mem>>
          %dma_start3A_45 = arith.constant 0 : i32
          %dma_start3A_46 = tpu.memref_slice %arg3[%add3A_25, %dma_start3A_45] : memref<2560x128xi32, #tpu.memory_space<hbm>> -> memref<40x128xi32, #tpu.memory_space<hbm>>
          %dma_start3A_47 = arith.constant 0 : i32
          %dma_start3A_48 = tpu.memref_slice %arg3[%add3A_25, %dma_start3A_47] : memref<2560x128xi32, #tpu.memory_space<hbm>> -> memref<40x128xi32, #tpu.memory_space<hbm>>
          tpu.enqueue_dma source(%dma_start3A_48 : memref<40x128xi32, #tpu.memory_space<hbm>>) target(%arg7 : memref<40x128xi32, #tpu.memory_space<vmem>>) target_semaphore(%run_scoped3A : memref<!tpu.dma_semaphore, #tpu.memory_space<semaphore_mem>>)
          %dma_wait3A = arith.constant 0 : i32
          %dma_wait3A_49 = tpu.memref_slice %arg3[%add3A_25, %dma_wait3A] : memref<2560x128xi32, #tpu.memory_space<hbm>> -> memref<40x128xi32, #tpu.memory_space<hbm>>
          %dma_wait3A_50 = arith.constant 0 : i32
          %dma_wait3A_51 = tpu.memref_slice %arg3[%add3A_25, %dma_wait3A_50] : memref<2560x128xi32, #tpu.memory_space<hbm>> -> memref<40x128xi32, #tpu.memory_space<hbm>>
          tpu.wait_dma2 semaphore(%run_scoped3A : memref<!tpu.dma_semaphore, #tpu.memory_space<semaphore_mem>>) src(%dma_wait3A_51 : memref<40x128xi32, #tpu.memory_space<hbm>>) dst(%arg7 : memref<40x128xi32, #tpu.memory_space<vmem>>)
          tpu.yield
        }) : () -> ()
        "tpu.region"() ({
          %run_scoped3A = tpu.sem_alloc : memref<!tpu.dma_semaphore, #tpu.memory_space<semaphore_mem>>
          %dma_start3A_45 = arith.constant 0 : i32
          %dma_start3A_46 = tpu.memref_slice %arg4[%add3A_25, %dma_start3A_45] : memref<2560x128xi32, #tpu.memory_space<hbm>> -> memref<40x128xi32, #tpu.memory_space<hbm>>
          %dma_start3A_47 = arith.constant 0 : i32
          %dma_start3A_48 = tpu.memref_slice %arg4[%add3A_25, %dma_start3A_47] : memref<2560x128xi32, #tpu.memory_space<hbm>> -> memref<40x128xi32, #tpu.memory_space<hbm>>
          tpu.enqueue_dma source(%dma_start3A_48 : memref<40x128xi32, #tpu.memory_space<hbm>>) target(%arg8 : memref<40x128xi32, #tpu.memory_space<vmem>>) target_semaphore(%run_scoped3A : memref<!tpu.dma_semaphore, #tpu.memory_space<semaphore_mem>>)
          %dma_wait3A = arith.constant 0 : i32
          %dma_wait3A_49 = tpu.memref_slice %arg4[%add3A_25, %dma_wait3A] : memref<2560x128xi32, #tpu.memory_space<hbm>> -> memref<40x128xi32, #tpu.memory_space<hbm>>
          %dma_wait3A_50 = arith.constant 0 : i32
          %dma_wait3A_51 = tpu.memref_slice %arg4[%add3A_25, %dma_wait3A_50] : memref<2560x128xi32, #tpu.memory_space<hbm>> -> memref<40x128xi32, #tpu.memory_space<hbm>>
          tpu.wait_dma2 semaphore(%run_scoped3A : memref<!tpu.dma_semaphore, #tpu.memory_space<semaphore_mem>>) src(%dma_wait3A_51 : memref<40x128xi32, #tpu.memory_space<hbm>>) dst(%arg8 : memref<40x128xi32, #tpu.memory_space<vmem>>)
          tpu.yield
        }) : () -> ()
        %dma_start3A = arith.constant 0 : i32
        %dma_start3A_26 = arith.constant 0 : i32
        %dma_start3A_27 = arith.constant 0 : i32
        %dma_start3A_28 = arith.constant 0 : i32
        %dma_start3A_29 = tpu.memref_slice %arg9[%dma_start3A_26, %dma_start3A_27, %dma_start3A_28] : memref<2x128x128xf32, #tpu.memory_space<vmem>> -> memref<1x128x128xf32, #tpu.memory_space<vmem>>
        %dma_start3A_30 = tpu.memref_squeeze %dma_start3A_29 : memref<1x128x128xf32, #tpu.memory_space<vmem>> -> memref<128x128xf32, #tpu.memory_space<vmem>>
        %dma_start3A_31 = arith.constant 0 : i32
        %dma_start3A_32 = tpu.memref_slice %arg7[%dma_start3A, %dma_start3A_31] : memref<40x128xi32, #tpu.memory_space<vmem>> -> memref<1x128xi32, #tpu.memory_space<vmem>>
        %dma_start3A_33 = tpu.memref_squeeze %dma_start3A_32 : memref<1x128xi32, #tpu.memory_space<vmem>> -> memref<128xi32, #tpu.memory_space<vmem>>
        %dma_start3A_34 = arith.constant 0 : i32
        %dma_start3A_35 = arith.constant 0 : i32
        %dma_start3A_36 = tpu.memref_slice %arg2[%dma_start3A_34, %dma_start3A_35] : memref<10240x128xf32, #tpu.memory_space<hbm>> -> memref<10240x128xf32, #tpu.memory_space<hbm>>
        tpu.enqueue_indirect_dma source(%dma_start3A_36 : memref<10240x128xf32, #tpu.memory_space<hbm>>) target(%dma_start3A_30 : memref<128x128xf32, #tpu.memory_space<vmem>>) offsets(%dma_start3A_33 : memref<128xi32, #tpu.memory_space<vmem>>) semaphore(%arg11 : memref<!tpu.dma_semaphore, #tpu.memory_space<semaphore_mem>>)
        %scan3A_37 = arith.constant 0 : i32
        %scan3A_38 = arith.constant 0 : i32
        %scan3A_39 = arith.constant 20 : i32
        %scan3A_40 = arith.addi %scan3A_38, %scan3A_39 : i32
        %scan3A_41 = arith.constant 1 : i32
        %scan3A_42 = scf.for %scan3A_45 = %scan3A_38 to %scan3A_40 step %scan3A_41 iter_args(%scan3A_46 = %scan3A_37) -> (i32)  : i32 {
          %mul3A_47 = arith.constant 2 : i32
          %mul3A_48 = arith.muli %mul3A_47, %scan3A_45 : i32
          %add3A_49 = arith.constant 1 : i32
          %add3A_50 = arith.addi %mul3A_48, %add3A_49 : i32
          %dma_start3A_51 = arith.constant 1 : i32
          %dma_start3A_52 = arith.constant 0 : i32
          %dma_start3A_53 = arith.constant 0 : i32
          %dma_start3A_54 = tpu.memref_slice %arg9[%dma_start3A_51, %dma_start3A_52, %dma_start3A_53] : memref<2x128x128xf32, #tpu.memory_space<vmem>> -> memref<1x128x128xf32, #tpu.memory_space<vmem>>
          %dma_start3A_55 = tpu.memref_squeeze %dma_start3A_54 : memref<1x128x128xf32, #tpu.memory_space<vmem>> -> memref<128x128xf32, #tpu.memory_space<vmem>>
          %dma_start3A_56 = arith.constant 0 : i32
          %dma_start3A_57 = tpu.memref_slice %arg7[%add3A_50, %dma_start3A_56] : memref<40x128xi32, #tpu.memory_space<vmem>> -> memref<1x128xi32, #tpu.memory_space<vmem>>
          %dma_start3A_58 = tpu.memref_squeeze %dma_start3A_57 : memref<1x128xi32, #tpu.memory_space<vmem>> -> memref<128xi32, #tpu.memory_space<vmem>>
          %dma_start3A_59 = arith.constant 0 : i32
          %dma_start3A_60 = arith.constant 0 : i32
          %dma_start3A_61 = tpu.memref_slice %arg2[%dma_start3A_59, %dma_start3A_60] : memref<10240x128xf32, #tpu.memory_space<hbm>> -> memref<10240x128xf32, #tpu.memory_space<hbm>>
          tpu.enqueue_indirect_dma source(%dma_start3A_61 : memref<10240x128xf32, #tpu.memory_space<hbm>>) target(%dma_start3A_55 : memref<128x128xf32, #tpu.memory_space<vmem>>) offsets(%dma_start3A_58 : memref<128xi32, #tpu.memory_space<vmem>>) semaphore(%arg12 : memref<!tpu.dma_semaphore, #tpu.memory_space<semaphore_mem>>)
          %dma_wait3A = arith.constant 0 : i32
          %dma_wait3A_62 = arith.constant 0 : i32
          %dma_wait3A_63 = arith.constant 0 : i32
          %dma_wait3A_64 = arith.constant 0 : i32
          %dma_wait3A_65 = tpu.memref_slice %arg9[%dma_wait3A_62, %dma_wait3A_63, %dma_wait3A_64] : memref<2x128x128xf32, #tpu.memory_space<vmem>> -> memref<1x128x128xf32, #tpu.memory_space<vmem>>
          %dma_wait3A_66 = tpu.memref_squeeze %dma_wait3A_65 : memref<1x128x128xf32, #tpu.memory_space<vmem>> -> memref<128x128xf32, #tpu.memory_space<vmem>>
          %dma_wait3A_67 = arith.constant 0 : i32
          %dma_wait3A_68 = tpu.memref_slice %arg7[%dma_wait3A, %dma_wait3A_67] : memref<40x128xi32, #tpu.memory_space<vmem>> -> memref<1x128xi32, #tpu.memory_space<vmem>>
          %dma_wait3A_69 = tpu.memref_squeeze %dma_wait3A_68 : memref<1x128xi32, #tpu.memory_space<vmem>> -> memref<128xi32, #tpu.memory_space<vmem>>
          %dma_wait3A_70 = arith.constant 0 : i32
          %dma_wait3A_71 = arith.constant 0 : i32
          %dma_wait3A_72 = tpu.memref_slice %arg2[%dma_wait3A_70, %dma_wait3A_71] : memref<10240x128xf32, #tpu.memory_space<hbm>> -> memref<10240x128xf32, #tpu.memory_space<hbm>>
          tpu.wait_indirect_dma semaphore(%arg11 : memref<!tpu.dma_semaphore, #tpu.memory_space<semaphore_mem>>) src(%dma_wait3A_72 : memref<10240x128xf32, #tpu.memory_space<hbm>>) dst(%dma_wait3A_66 : memref<128x128xf32, #tpu.memory_space<vmem>>)
          %mul3A_73 = arith.constant 2 : i32
          %mul3A_74 = arith.muli %mul3A_73, %scan3A_45 : i32
          %run_scoped3A = arith.constant 0 : i32
          "tpu.region"() ({
            %run_scoped3A_97 = tpu.sem_alloc : memref<!tpu.dma_semaphore, #tpu.memory_space<semaphore_mem>>
            %dma_start3A_98 = arith.constant 0 : i32
            %dma_start3A_99 = arith.constant 0 : i32
            %dma_start3A_100 = tpu.memref_slice %arg9[%run_scoped3A, %dma_start3A_98, %dma_start3A_99] : memref<2x128x128xf32, #tpu.memory_space<vmem>> -> memref<1x128x128xf32, #tpu.memory_space<vmem>>
            %dma_start3A_101 = tpu.memref_squeeze %dma_start3A_100 : memref<1x128x128xf32, #tpu.memory_space<vmem>> -> memref<128x128xf32, #tpu.memory_space<vmem>>
            %dma_start3A_102 = arith.constant 0 : i32
            %dma_start3A_103 = tpu.memref_slice %arg8[%mul3A_74, %dma_start3A_102] : memref<40x128xi32, #tpu.memory_space<vmem>> -> memref<1x128xi32, #tpu.memory_space<vmem>>
            %dma_start3A_104 = tpu.memref_squeeze %dma_start3A_103 : memref<1x128xi32, #tpu.memory_space<vmem>> -> memref<128xi32, #tpu.memory_space<vmem>>
            %dma_start3A_105 = arith.constant 0 : i32
            %dma_start3A_106 = arith.constant 0 : i32
            %dma_start3A_107 = tpu.memref_slice %arg10[%dma_start3A_105, %dma_start3A_106] : memref<10240x128xf32, #tpu.memory_space<vmem_shared>> -> memref<10240x128xf32, #tpu.memory_space<vmem_shared>>
            tpu.enqueue_indirect_dma source(%dma_start3A_101 : memref<128x128xf32, #tpu.memory_space<vmem>>) target(%dma_start3A_107 : memref<10240x128xf32, #tpu.memory_space<vmem_shared>>) offsets(%dma_start3A_104 : memref<128xi32, #tpu.memory_space<vmem>>) semaphore(%run_scoped3A_97 : memref<!tpu.dma_semaphore, #tpu.memory_space<semaphore_mem>>) {add = true}
            %dma_wait3A_108 = arith.constant 0 : i32
            %dma_wait3A_109 = arith.constant 0 : i32
            %dma_wait3A_110 = tpu.memref_slice %arg9[%run_scoped3A, %dma_wait3A_108, %dma_wait3A_109] : memref<2x128x128xf32, #tpu.memory_space<vmem>> -> memref<1x128x128xf32, #tpu.memory_space<vmem>>
            %dma_wait3A_111 = tpu.memref_squeeze %dma_wait3A_110 : memref<1x128x128xf32, #tpu.memory_space<vmem>> -> memref<128x128xf32, #tpu.memory_space<vmem>>
            %dma_wait3A_112 = arith.constant 0 : i32
            %dma_wait3A_113 = tpu.memref_slice %arg8[%mul3A_74, %dma_wait3A_112] : memref<40x128xi32, #tpu.memory_space<vmem>> -> memref<1x128xi32, #tpu.memory_space<vmem>>
            %dma_wait3A_114 = tpu.memref_squeeze %dma_wait3A_113 : memref<1x128xi32, #tpu.memory_space<vmem>> -> memref<128xi32, #tpu.memory_space<vmem>>
            %dma_wait3A_115 = arith.constant 0 : i32
            %dma_wait3A_116 = arith.constant 0 : i32
            %dma_wait3A_117 = tpu.memref_slice %arg10[%dma_wait3A_115, %dma_wait3A_116] : memref<10240x128xf32, #tpu.memory_space<vmem_shared>> -> memref<10240x128xf32, #tpu.memory_space<vmem_shared>>
            tpu.wait_indirect_dma semaphore(%run_scoped3A_97 : memref<!tpu.dma_semaphore, #tpu.memory_space<semaphore_mem>>) src(%dma_wait3A_111 : memref<128x128xf32, #tpu.memory_space<vmem>>) dst(%dma_wait3A_117 : memref<10240x128xf32, #tpu.memory_space<vmem_shared>>)
            tpu.yield
          }) : () -> ()
          %lt3A = arith.constant 19 : i32
          %lt3A_75 = arith.cmpi slt, %scan3A_45, %lt3A : i32
          %convert_element_type3A_76 = arith.extui %lt3A_75 : i1 to i32
          %cond3A_77 = arith.constant 0 : i32
          %cond3A_78 = arith.cmpi ne, %convert_element_type3A_76, %cond3A_77 : i32
          scf.if %cond3A_78 {
            %mul3A_97 = arith.constant 2 : i32
            %mul3A_98 = arith.muli %mul3A_97, %scan3A_45 : i32
            %add3A_99 = arith.constant 2 : i32
            %add3A_100 = arith.addi %mul3A_98, %add3A_99 : i32
            %dma_start3A_101 = arith.constant 0 : i32
            %dma_start3A_102 = arith.constant 0 : i32
            %dma_start3A_103 = arith.constant 0 : i32
            %dma_start3A_104 = tpu.memref_slice %arg9[%dma_start3A_101, %dma_start3A_102, %dma_start3A_103] : memref<2x128x128xf32, #tpu.memory_space<vmem>> -> memref<1x128x128xf32, #tpu.memory_space<vmem>>
            %dma_start3A_105 = tpu.memref_squeeze %dma_start3A_104 : memref<1x128x128xf32, #tpu.memory_space<vmem>> -> memref<128x128xf32, #tpu.memory_space<vmem>>
            %dma_start3A_106 = arith.constant 0 : i32
            %dma_start3A_107 = tpu.memref_slice %arg7[%add3A_100, %dma_start3A_106] : memref<40x128xi32, #tpu.memory_space<vmem>> -> memref<1x128xi32, #tpu.memory_space<vmem>>
            %dma_start3A_108 = tpu.memref_squeeze %dma_start3A_107 : memref<1x128xi32, #tpu.memory_space<vmem>> -> memref<128xi32, #tpu.memory_space<vmem>>
            %dma_start3A_109 = arith.constant 0 : i32
            %dma_start3A_110 = arith.constant 0 : i32
            %dma_start3A_111 = tpu.memref_slice %arg2[%dma_start3A_109, %dma_start3A_110] : memref<10240x128xf32, #tpu.memory_space<hbm>> -> memref<10240x128xf32, #tpu.memory_space<hbm>>
            tpu.enqueue_indirect_dma source(%dma_start3A_111 : memref<10240x128xf32, #tpu.memory_space<hbm>>) target(%dma_start3A_105 : memref<128x128xf32, #tpu.memory_space<vmem>>) offsets(%dma_start3A_108 : memref<128xi32, #tpu.memory_space<vmem>>) semaphore(%arg11 : memref<!tpu.dma_semaphore, #tpu.memory_space<semaphore_mem>>)
          } else {
          }
          %dma_wait3A_79 = arith.constant 0 : i32
          %dma_wait3A_80 = arith.constant 1 : i32
          %dma_wait3A_81 = arith.constant 0 : i32
          %dma_wait3A_82 = arith.constant 0 : i32
          %dma_wait3A_83 = tpu.memref_slice %arg9[%dma_wait3A_80, %dma_wait3A_81, %dma_wait3A_82] : memref<2x128x128xf32, #tpu.memory_space<vmem>> -> memref<1x128x128xf32, #tpu.memory_space<vmem>>
          %dma_wait3A_84 = tpu.memref_squeeze %dma_wait3A_83 : memref<1x128x128xf32, #tpu.memory_space<vmem>> -> memref<128x128xf32, #tpu.memory_space<vmem>>
          %dma_wait3A_85 = arith.constant 0 : i32
          %dma_wait3A_86 = tpu.memref_slice %arg7[%dma_wait3A_79, %dma_wait3A_85] : memref<40x128xi32, #tpu.memory_space<vmem>> -> memref<1x128xi32, #tpu.memory_space<vmem>>
          %dma_wait3A_87 = tpu.memref_squeeze %dma_wait3A_86 : memref<1x128xi32, #tpu.memory_space<vmem>> -> memref<128xi32, #tpu.memory_space<vmem>>
          %dma_wait3A_88 = arith.constant 0 : i32
          %dma_wait3A_89 = arith.constant 0 : i32
          %dma_wait3A_90 = tpu.memref_slice %arg2[%dma_wait3A_88, %dma_wait3A_89] : memref<10240x128xf32, #tpu.memory_space<hbm>> -> memref<10240x128xf32, #tpu.memory_space<hbm>>
          tpu.wait_indirect_dma semaphore(%arg12 : memref<!tpu.dma_semaphore, #tpu.memory_space<semaphore_mem>>) src(%dma_wait3A_90 : memref<10240x128xf32, #tpu.memory_space<hbm>>) dst(%dma_wait3A_84 : memref<128x128xf32, #tpu.memory_space<vmem>>)
          %mul3A_91 = arith.constant 2 : i32
          %mul3A_92 = arith.muli %mul3A_91, %scan3A_45 : i32
          %add3A_93 = arith.constant 1 : i32
          %add3A_94 = arith.addi %mul3A_92, %add3A_93 : i32
          %run_scoped3A_95 = arith.constant 1 : i32
          "tpu.region"() ({
            %run_scoped3A_97 = tpu.sem_alloc : memref<!tpu.dma_semaphore, #tpu.memory_space<semaphore_mem>>
            %dma_start3A_98 = arith.constant 0 : i32
            %dma_start3A_99 = arith.constant 0 : i32
            %dma_start3A_100 = tpu.memref_slice %arg9[%run_scoped3A_95, %dma_start3A_98, %dma_start3A_99] : memref<2x128x128xf32, #tpu.memory_space<vmem>> -> memref<1x128x128xf32, #tpu.memory_space<vmem>>
            %dma_start3A_101 = tpu.memref_squeeze %dma_start3A_100 : memref<1x128x128xf32, #tpu.memory_space<vmem>> -> memref<128x128xf32, #tpu.memory_space<vmem>>
            %dma_start3A_102 = arith.constant 0 : i32
            %dma_start3A_103 = tpu.memref_slice %arg8[%add3A_94, %dma_start3A_102] : memref<40x128xi32, #tpu.memory_space<vmem>> -> memref<1x128xi32, #tpu.memory_space<vmem>>
            %dma_start3A_104 = tpu.memref_squeeze %dma_start3A_103 : memref<1x128xi32, #tpu.memory_space<vmem>> -> memref<128xi32, #tpu.memory_space<vmem>>
            %dma_start3A_105 = arith.constant 0 : i32
            %dma_start3A_106 = arith.constant 0 : i32
            %dma_start3A_107 = tpu.memref_slice %arg10[%dma_start3A_105, %dma_start3A_106] : memref<10240x128xf32, #tpu.memory_space<vmem_shared>> -> memref<10240x128xf32, #tpu.memory_space<vmem_shared>>
            tpu.enqueue_indirect_dma source(%dma_start3A_101 : memref<128x128xf32, #tpu.memory_space<vmem>>) target(%dma_start3A_107 : memref<10240x128xf32, #tpu.memory_space<vmem_shared>>) offsets(%dma_start3A_104 : memref<128xi32, #tpu.memory_space<vmem>>) semaphore(%run_scoped3A_97 : memref<!tpu.dma_semaphore, #tpu.memory_space<semaphore_mem>>) {add = true}
            %dma_wait3A_108 = arith.constant 0 : i32
            %dma_wait3A_109 = arith.constant 0 : i32
            %dma_wait3A_110 = tpu.memref_slice %arg9[%run_scoped3A_95, %dma_wait3A_108, %dma_wait3A_109] : memref<2x128x128xf32, #tpu.memory_space<vmem>> -> memref<1x128x128xf32, #tpu.memory_space<vmem>>
            %dma_wait3A_111 = tpu.memref_squeeze %dma_wait3A_110 : memref<1x128x128xf32, #tpu.memory_space<vmem>> -> memref<128x128xf32, #tpu.memory_space<vmem>>
            %dma_wait3A_112 = arith.constant 0 : i32
            %dma_wait3A_113 = tpu.memref_slice %arg8[%add3A_94, %dma_wait3A_112] : memref<40x128xi32, #tpu.memory_space<vmem>> -> memref<1x128xi32, #tpu.memory_space<vmem>>
            %dma_wait3A_114 = tpu.memref_squeeze %dma_wait3A_113 : memref<1x128xi32, #tpu.memory_space<vmem>> -> memref<128xi32, #tpu.memory_space<vmem>>
            %dma_wait3A_115 = arith.constant 0 : i32
            %dma_wait3A_116 = arith.constant 0 : i32
            %dma_wait3A_117 = tpu.memref_slice %arg10[%dma_wait3A_115, %dma_wait3A_116] : memref<10240x128xf32, #tpu.memory_space<vmem_shared>> -> memref<10240x128xf32, #tpu.memory_space<vmem_shared>>
            tpu.wait_indirect_dma semaphore(%run_scoped3A_97 : memref<!tpu.dma_semaphore, #tpu.memory_space<semaphore_mem>>) src(%dma_wait3A_111 : memref<128x128xf32, #tpu.memory_space<vmem>>) dst(%dma_wait3A_117 : memref<10240x128xf32, #tpu.memory_space<vmem_shared>>)
            tpu.yield
          }) : () -> ()
          %scan3A_96 = arith.constant 0 : i32
          scf.yield %scan3A_96 : i32
        }
        %scan3A_43 = arith.constant 20 : i32
        %scan3A_44 = arith.constant 0 : i32
        scf.yield %scan3A_44 : i32
      }
      %scan3A_20 = arith.constant 3 : i32
    } else {
    }
    %eq3A_5 = arith.constant 1 : i32
    %eq3A_6 = arith.cmpi eq, %arg0, %eq3A_5 : i32
    %convert_element_type3A_7 = arith.extui %eq3A_6 : i1 to i32
    %cond3A_8 = arith.constant 0 : i32
    %cond3A_9 = arith.cmpi ne, %convert_element_type3A_7, %cond3A_8 : i32
    scf.if %cond3A_9 {
      %mul3A_13 = arith.constant 40 : i32
      %mul3A_14 = arith.muli %arg1, %mul3A_13 : i32
      %add3A_15 = arith.constant 1920 : i32
      %add3A_16 = arith.addi %add3A_15, %mul3A_14 : i32
      %scan3A = arith.constant 0 : i32
      %scan3A_17 = arith.constant 0 : i32
      %mul3A_18 = arith.constant 40 : i32
      %mul3A_19 = arith.muli %scan3A_17, %mul3A_18 : i32
      %add3A_20 = arith.addi %add3A_16, %mul3A_19 : i32
      "tpu.region"() ({
        %run_scoped3A = tpu.sem_alloc : memref<!tpu.dma_semaphore, #tpu.memory_space<semaphore_mem>>
        %dma_start3A_41 = arith.constant 0 : i32
        %dma_start3A_42 = tpu.memref_slice %arg3[%add3A_20, %dma_start3A_41] : memref<2560x128xi32, #tpu.memory_space<hbm>> -> memref<40x128xi32, #tpu.memory_space<hbm>>
        %dma_start3A_43 = arith.constant 0 : i32
        %dma_start3A_44 = tpu.memref_slice %arg3[%add3A_20, %dma_start3A_43] : memref<2560x128xi32, #tpu.memory_space<hbm>> -> memref<40x128xi32, #tpu.memory_space<hbm>>
        tpu.enqueue_dma source(%dma_start3A_44 : memref<40x128xi32, #tpu.memory_space<hbm>>) target(%arg7 : memref<40x128xi32, #tpu.memory_space<vmem>>) target_semaphore(%run_scoped3A : memref<!tpu.dma_semaphore, #tpu.memory_space<semaphore_mem>>)
        %dma_wait3A = arith.constant 0 : i32
        %dma_wait3A_45 = tpu.memref_slice %arg3[%add3A_20, %dma_wait3A] : memref<2560x128xi32, #tpu.memory_space<hbm>> -> memref<40x128xi32, #tpu.memory_space<hbm>>
        %dma_wait3A_46 = arith.constant 0 : i32
        %dma_wait3A_47 = tpu.memref_slice %arg3[%add3A_20, %dma_wait3A_46] : memref<2560x128xi32, #tpu.memory_space<hbm>> -> memref<40x128xi32, #tpu.memory_space<hbm>>
        tpu.wait_dma2 semaphore(%run_scoped3A : memref<!tpu.dma_semaphore, #tpu.memory_space<semaphore_mem>>) src(%dma_wait3A_47 : memref<40x128xi32, #tpu.memory_space<hbm>>) dst(%arg7 : memref<40x128xi32, #tpu.memory_space<vmem>>)
        tpu.yield
      }) : () -> ()
      "tpu.region"() ({
        %run_scoped3A = tpu.sem_alloc : memref<!tpu.dma_semaphore, #tpu.memory_space<semaphore_mem>>
        %dma_start3A_41 = arith.constant 0 : i32
        %dma_start3A_42 = tpu.memref_slice %arg4[%add3A_20, %dma_start3A_41] : memref<2560x128xi32, #tpu.memory_space<hbm>> -> memref<40x128xi32, #tpu.memory_space<hbm>>
        %dma_start3A_43 = arith.constant 0 : i32
        %dma_start3A_44 = tpu.memref_slice %arg4[%add3A_20, %dma_start3A_43] : memref<2560x128xi32, #tpu.memory_space<hbm>> -> memref<40x128xi32, #tpu.memory_space<hbm>>
        tpu.enqueue_dma source(%dma_start3A_44 : memref<40x128xi32, #tpu.memory_space<hbm>>) target(%arg8 : memref<40x128xi32, #tpu.memory_space<vmem>>) target_semaphore(%run_scoped3A : memref<!tpu.dma_semaphore, #tpu.memory_space<semaphore_mem>>)
        %dma_wait3A = arith.constant 0 : i32
        %dma_wait3A_45 = tpu.memref_slice %arg4[%add3A_20, %dma_wait3A] : memref<2560x128xi32, #tpu.memory_space<hbm>> -> memref<40x128xi32, #tpu.memory_space<hbm>>
        %dma_wait3A_46 = arith.constant 0 : i32
        %dma_wait3A_47 = tpu.memref_slice %arg4[%add3A_20, %dma_wait3A_46] : memref<2560x128xi32, #tpu.memory_space<hbm>> -> memref<40x128xi32, #tpu.memory_space<hbm>>
        tpu.wait_dma2 semaphore(%run_scoped3A : memref<!tpu.dma_semaphore, #tpu.memory_space<semaphore_mem>>) src(%dma_wait3A_47 : memref<40x128xi32, #tpu.memory_space<hbm>>) dst(%arg8 : memref<40x128xi32, #tpu.memory_space<vmem>>)
        tpu.yield
      }) : () -> ()
      %dma_start3A = arith.constant 0 : i32
      %dma_start3A_21 = arith.constant 0 : i32
      %dma_start3A_22 = arith.constant 0 : i32
      %dma_start3A_23 = arith.constant 0 : i32
      %dma_start3A_24 = tpu.memref_slice %arg9[%dma_start3A_21, %dma_start3A_22, %dma_start3A_23] : memref<2x128x128xf32, #tpu.memory_space<vmem>> -> memref<1x128x128xf32, #tpu.memory_space<vmem>>
      %dma_start3A_25 = tpu.memref_squeeze %dma_start3A_24 : memref<1x128x128xf32, #tpu.memory_space<vmem>> -> memref<128x128xf32, #tpu.memory_space<vmem>>
      %dma_start3A_26 = arith.constant 0 : i32
      %dma_start3A_27 = tpu.memref_slice %arg7[%dma_start3A, %dma_start3A_26] : memref<40x128xi32, #tpu.memory_space<vmem>> -> memref<1x128xi32, #tpu.memory_space<vmem>>
      %dma_start3A_28 = tpu.memref_squeeze %dma_start3A_27 : memref<1x128xi32, #tpu.memory_space<vmem>> -> memref<128xi32, #tpu.memory_space<vmem>>
      %dma_start3A_29 = arith.constant 0 : i32
      %dma_start3A_30 = arith.constant 0 : i32
      %dma_start3A_31 = tpu.memref_slice %arg2[%dma_start3A_29, %dma_start3A_30] : memref<10240x128xf32, #tpu.memory_space<hbm>> -> memref<10240x128xf32, #tpu.memory_space<hbm>>
      tpu.enqueue_indirect_dma source(%dma_start3A_31 : memref<10240x128xf32, #tpu.memory_space<hbm>>) target(%dma_start3A_25 : memref<128x128xf32, #tpu.memory_space<vmem>>) offsets(%dma_start3A_28 : memref<128xi32, #tpu.memory_space<vmem>>) semaphore(%arg11 : memref<!tpu.dma_semaphore, #tpu.memory_space<semaphore_mem>>)
      %scan3A_32 = arith.constant 0 : i32
      %scan3A_33 = arith.constant 0 : i32
      %scan3A_34 = arith.constant 20 : i32
      %scan3A_35 = arith.addi %scan3A_33, %scan3A_34 : i32
      %scan3A_36 = arith.constant 1 : i32
      %scan3A_37 = scf.for %scan3A_41 = %scan3A_33 to %scan3A_35 step %scan3A_36 iter_args(%scan3A_42 = %scan3A_32) -> (i32)  : i32 {
        %mul3A_43 = arith.constant 2 : i32
        %mul3A_44 = arith.muli %mul3A_43, %scan3A_41 : i32
        %add3A_45 = arith.constant 1 : i32
        %add3A_46 = arith.addi %mul3A_44, %add3A_45 : i32
        %dma_start3A_47 = arith.constant 1 : i32
        %dma_start3A_48 = arith.constant 0 : i32
        %dma_start3A_49 = arith.constant 0 : i32
        %dma_start3A_50 = tpu.memref_slice %arg9[%dma_start3A_47, %dma_start3A_48, %dma_start3A_49] : memref<2x128x128xf32, #tpu.memory_space<vmem>> -> memref<1x128x128xf32, #tpu.memory_space<vmem>>
        %dma_start3A_51 = tpu.memref_squeeze %dma_start3A_50 : memref<1x128x128xf32, #tpu.memory_space<vmem>> -> memref<128x128xf32, #tpu.memory_space<vmem>>
        %dma_start3A_52 = arith.constant 0 : i32
        %dma_start3A_53 = tpu.memref_slice %arg7[%add3A_46, %dma_start3A_52] : memref<40x128xi32, #tpu.memory_space<vmem>> -> memref<1x128xi32, #tpu.memory_space<vmem>>
        %dma_start3A_54 = tpu.memref_squeeze %dma_start3A_53 : memref<1x128xi32, #tpu.memory_space<vmem>> -> memref<128xi32, #tpu.memory_space<vmem>>
        %dma_start3A_55 = arith.constant 0 : i32
        %dma_start3A_56 = arith.constant 0 : i32
        %dma_start3A_57 = tpu.memref_slice %arg2[%dma_start3A_55, %dma_start3A_56] : memref<10240x128xf32, #tpu.memory_space<hbm>> -> memref<10240x128xf32, #tpu.memory_space<hbm>>
        tpu.enqueue_indirect_dma source(%dma_start3A_57 : memref<10240x128xf32, #tpu.memory_space<hbm>>) target(%dma_start3A_51 : memref<128x128xf32, #tpu.memory_space<vmem>>) offsets(%dma_start3A_54 : memref<128xi32, #tpu.memory_space<vmem>>) semaphore(%arg12 : memref<!tpu.dma_semaphore, #tpu.memory_space<semaphore_mem>>)
        %dma_wait3A = arith.constant 0 : i32
        %dma_wait3A_58 = arith.constant 0 : i32
        %dma_wait3A_59 = arith.constant 0 : i32
        %dma_wait3A_60 = arith.constant 0 : i32
        %dma_wait3A_61 = tpu.memref_slice %arg9[%dma_wait3A_58, %dma_wait3A_59, %dma_wait3A_60] : memref<2x128x128xf32, #tpu.memory_space<vmem>> -> memref<1x128x128xf32, #tpu.memory_space<vmem>>
        %dma_wait3A_62 = tpu.memref_squeeze %dma_wait3A_61 : memref<1x128x128xf32, #tpu.memory_space<vmem>> -> memref<128x128xf32, #tpu.memory_space<vmem>>
        %dma_wait3A_63 = arith.constant 0 : i32
        %dma_wait3A_64 = tpu.memref_slice %arg7[%dma_wait3A, %dma_wait3A_63] : memref<40x128xi32, #tpu.memory_space<vmem>> -> memref<1x128xi32, #tpu.memory_space<vmem>>
        %dma_wait3A_65 = tpu.memref_squeeze %dma_wait3A_64 : memref<1x128xi32, #tpu.memory_space<vmem>> -> memref<128xi32, #tpu.memory_space<vmem>>
        %dma_wait3A_66 = arith.constant 0 : i32
        %dma_wait3A_67 = arith.constant 0 : i32
        %dma_wait3A_68 = tpu.memref_slice %arg2[%dma_wait3A_66, %dma_wait3A_67] : memref<10240x128xf32, #tpu.memory_space<hbm>> -> memref<10240x128xf32, #tpu.memory_space<hbm>>
        tpu.wait_indirect_dma semaphore(%arg11 : memref<!tpu.dma_semaphore, #tpu.memory_space<semaphore_mem>>) src(%dma_wait3A_68 : memref<10240x128xf32, #tpu.memory_space<hbm>>) dst(%dma_wait3A_62 : memref<128x128xf32, #tpu.memory_space<vmem>>)
        %mul3A_69 = arith.constant 2 : i32
        %mul3A_70 = arith.muli %mul3A_69, %scan3A_41 : i32
        %run_scoped3A = arith.constant 0 : i32
        "tpu.region"() ({
          %run_scoped3A_93 = tpu.sem_alloc : memref<!tpu.dma_semaphore, #tpu.memory_space<semaphore_mem>>
          %dma_start3A_94 = arith.constant 0 : i32
          %dma_start3A_95 = arith.constant 0 : i32
          %dma_start3A_96 = tpu.memref_slice %arg9[%run_scoped3A, %dma_start3A_94, %dma_start3A_95] : memref<2x128x128xf32, #tpu.memory_space<vmem>> -> memref<1x128x128xf32, #tpu.memory_space<vmem>>
          %dma_start3A_97 = tpu.memref_squeeze %dma_start3A_96 : memref<1x128x128xf32, #tpu.memory_space<vmem>> -> memref<128x128xf32, #tpu.memory_space<vmem>>
          %dma_start3A_98 = arith.constant 0 : i32
          %dma_start3A_99 = tpu.memref_slice %arg8[%mul3A_70, %dma_start3A_98] : memref<40x128xi32, #tpu.memory_space<vmem>> -> memref<1x128xi32, #tpu.memory_space<vmem>>
          %dma_start3A_100 = tpu.memref_squeeze %dma_start3A_99 : memref<1x128xi32, #tpu.memory_space<vmem>> -> memref<128xi32, #tpu.memory_space<vmem>>
          %dma_start3A_101 = arith.constant 0 : i32
          %dma_start3A_102 = arith.constant 0 : i32
          %dma_start3A_103 = tpu.memref_slice %arg10[%dma_start3A_101, %dma_start3A_102] : memref<10240x128xf32, #tpu.memory_space<vmem_shared>> -> memref<10240x128xf32, #tpu.memory_space<vmem_shared>>
          tpu.enqueue_indirect_dma source(%dma_start3A_97 : memref<128x128xf32, #tpu.memory_space<vmem>>) target(%dma_start3A_103 : memref<10240x128xf32, #tpu.memory_space<vmem_shared>>) offsets(%dma_start3A_100 : memref<128xi32, #tpu.memory_space<vmem>>) semaphore(%run_scoped3A_93 : memref<!tpu.dma_semaphore, #tpu.memory_space<semaphore_mem>>) {add = true}
          %dma_wait3A_104 = arith.constant 0 : i32
          %dma_wait3A_105 = arith.constant 0 : i32
          %dma_wait3A_106 = tpu.memref_slice %arg9[%run_scoped3A, %dma_wait3A_104, %dma_wait3A_105] : memref<2x128x128xf32, #tpu.memory_space<vmem>> -> memref<1x128x128xf32, #tpu.memory_space<vmem>>
          %dma_wait3A_107 = tpu.memref_squeeze %dma_wait3A_106 : memref<1x128x128xf32, #tpu.memory_space<vmem>> -> memref<128x128xf32, #tpu.memory_space<vmem>>
          %dma_wait3A_108 = arith.constant 0 : i32
          %dma_wait3A_109 = tpu.memref_slice %arg8[%mul3A_70, %dma_wait3A_108] : memref<40x128xi32, #tpu.memory_space<vmem>> -> memref<1x128xi32, #tpu.memory_space<vmem>>
          %dma_wait3A_110 = tpu.memref_squeeze %dma_wait3A_109 : memref<1x128xi32, #tpu.memory_space<vmem>> -> memref<128xi32, #tpu.memory_space<vmem>>
          %dma_wait3A_111 = arith.constant 0 : i32
          %dma_wait3A_112 = arith.constant 0 : i32
          %dma_wait3A_113 = tpu.memref_slice %arg10[%dma_wait3A_111, %dma_wait3A_112] : memref<10240x128xf32, #tpu.memory_space<vmem_shared>> -> memref<10240x128xf32, #tpu.memory_space<vmem_shared>>
          tpu.wait_indirect_dma semaphore(%run_scoped3A_93 : memref<!tpu.dma_semaphore, #tpu.memory_space<semaphore_mem>>) src(%dma_wait3A_107 : memref<128x128xf32, #tpu.memory_space<vmem>>) dst(%dma_wait3A_113 : memref<10240x128xf32, #tpu.memory_space<vmem_shared>>)
          tpu.yield
        }) : () -> ()
        %lt3A = arith.constant 19 : i32
        %lt3A_71 = arith.cmpi slt, %scan3A_41, %lt3A : i32
        %convert_element_type3A_72 = arith.extui %lt3A_71 : i1 to i32
        %cond3A_73 = arith.constant 0 : i32
        %cond3A_74 = arith.cmpi ne, %convert_element_type3A_72, %cond3A_73 : i32
        scf.if %cond3A_74 {
          %mul3A_93 = arith.constant 2 : i32
          %mul3A_94 = arith.muli %mul3A_93, %scan3A_41 : i32
          %add3A_95 = arith.constant 2 : i32
          %add3A_96 = arith.addi %mul3A_94, %add3A_95 : i32
          %dma_start3A_97 = arith.constant 0 : i32
          %dma_start3A_98 = arith.constant 0 : i32
          %dma_start3A_99 = arith.constant 0 : i32
          %dma_start3A_100 = tpu.memref_slice %arg9[%dma_start3A_97, %dma_start3A_98, %dma_start3A_99] : memref<2x128x128xf32, #tpu.memory_space<vmem>> -> memref<1x128x128xf32, #tpu.memory_space<vmem>>
          %dma_start3A_101 = tpu.memref_squeeze %dma_start3A_100 : memref<1x128x128xf32, #tpu.memory_space<vmem>> -> memref<128x128xf32, #tpu.memory_space<vmem>>
          %dma_start3A_102 = arith.constant 0 : i32
          %dma_start3A_103 = tpu.memref_slice %arg7[%add3A_96, %dma_start3A_102] : memref<40x128xi32, #tpu.memory_space<vmem>> -> memref<1x128xi32, #tpu.memory_space<vmem>>
          %dma_start3A_104 = tpu.memref_squeeze %dma_start3A_103 : memref<1x128xi32, #tpu.memory_space<vmem>> -> memref<128xi32, #tpu.memory_space<vmem>>
          %dma_start3A_105 = arith.constant 0 : i32
          %dma_start3A_106 = arith.constant 0 : i32
          %dma_start3A_107 = tpu.memref_slice %arg2[%dma_start3A_105, %dma_start3A_106] : memref<10240x128xf32, #tpu.memory_space<hbm>> -> memref<10240x128xf32, #tpu.memory_space<hbm>>
          tpu.enqueue_indirect_dma source(%dma_start3A_107 : memref<10240x128xf32, #tpu.memory_space<hbm>>) target(%dma_start3A_101 : memref<128x128xf32, #tpu.memory_space<vmem>>) offsets(%dma_start3A_104 : memref<128xi32, #tpu.memory_space<vmem>>) semaphore(%arg11 : memref<!tpu.dma_semaphore, #tpu.memory_space<semaphore_mem>>)
        } else {
        }
        %dma_wait3A_75 = arith.constant 0 : i32
        %dma_wait3A_76 = arith.constant 1 : i32
        %dma_wait3A_77 = arith.constant 0 : i32
        %dma_wait3A_78 = arith.constant 0 : i32
        %dma_wait3A_79 = tpu.memref_slice %arg9[%dma_wait3A_76, %dma_wait3A_77, %dma_wait3A_78] : memref<2x128x128xf32, #tpu.memory_space<vmem>> -> memref<1x128x128xf32, #tpu.memory_space<vmem>>
        %dma_wait3A_80 = tpu.memref_squeeze %dma_wait3A_79 : memref<1x128x128xf32, #tpu.memory_space<vmem>> -> memref<128x128xf32, #tpu.memory_space<vmem>>
        %dma_wait3A_81 = arith.constant 0 : i32
        %dma_wait3A_82 = tpu.memref_slice %arg7[%dma_wait3A_75, %dma_wait3A_81] : memref<40x128xi32, #tpu.memory_space<vmem>> -> memref<1x128xi32, #tpu.memory_space<vmem>>
        %dma_wait3A_83 = tpu.memref_squeeze %dma_wait3A_82 : memref<1x128xi32, #tpu.memory_space<vmem>> -> memref<128xi32, #tpu.memory_space<vmem>>
        %dma_wait3A_84 = arith.constant 0 : i32
        %dma_wait3A_85 = arith.constant 0 : i32
        %dma_wait3A_86 = tpu.memref_slice %arg2[%dma_wait3A_84, %dma_wait3A_85] : memref<10240x128xf32, #tpu.memory_space<hbm>> -> memref<10240x128xf32, #tpu.memory_space<hbm>>
        tpu.wait_indirect_dma semaphore(%arg12 : memref<!tpu.dma_semaphore, #tpu.memory_space<semaphore_mem>>) src(%dma_wait3A_86 : memref<10240x128xf32, #tpu.memory_space<hbm>>) dst(%dma_wait3A_80 : memref<128x128xf32, #tpu.memory_space<vmem>>)
        %mul3A_87 = arith.constant 2 : i32
        %mul3A_88 = arith.muli %mul3A_87, %scan3A_41 : i32
        %add3A_89 = arith.constant 1 : i32
        %add3A_90 = arith.addi %mul3A_88, %add3A_89 : i32
        %run_scoped3A_91 = arith.constant 1 : i32
        "tpu.region"() ({
          %run_scoped3A_93 = tpu.sem_alloc : memref<!tpu.dma_semaphore, #tpu.memory_space<semaphore_mem>>
          %dma_start3A_94 = arith.constant 0 : i32
          %dma_start3A_95 = arith.constant 0 : i32
          %dma_start3A_96 = tpu.memref_slice %arg9[%run_scoped3A_91, %dma_start3A_94, %dma_start3A_95] : memref<2x128x128xf32, #tpu.memory_space<vmem>> -> memref<1x128x128xf32, #tpu.memory_space<vmem>>
          %dma_start3A_97 = tpu.memref_squeeze %dma_start3A_96 : memref<1x128x128xf32, #tpu.memory_space<vmem>> -> memref<128x128xf32, #tpu.memory_space<vmem>>
          %dma_start3A_98 = arith.constant 0 : i32
          %dma_start3A_99 = tpu.memref_slice %arg8[%add3A_90, %dma_start3A_98] : memref<40x128xi32, #tpu.memory_space<vmem>> -> memref<1x128xi32, #tpu.memory_space<vmem>>
          %dma_start3A_100 = tpu.memref_squeeze %dma_start3A_99 : memref<1x128xi32, #tpu.memory_space<vmem>> -> memref<128xi32, #tpu.memory_space<vmem>>
          %dma_start3A_101 = arith.constant 0 : i32
          %dma_start3A_102 = arith.constant 0 : i32
          %dma_start3A_103 = tpu.memref_slice %arg10[%dma_start3A_101, %dma_start3A_102] : memref<10240x128xf32, #tpu.memory_space<vmem_shared>> -> memref<10240x128xf32, #tpu.memory_space<vmem_shared>>
          tpu.enqueue_indirect_dma source(%dma_start3A_97 : memref<128x128xf32, #tpu.memory_space<vmem>>) target(%dma_start3A_103 : memref<10240x128xf32, #tpu.memory_space<vmem_shared>>) offsets(%dma_start3A_100 : memref<128xi32, #tpu.memory_space<vmem>>) semaphore(%run_scoped3A_93 : memref<!tpu.dma_semaphore, #tpu.memory_space<semaphore_mem>>) {add = true}
          %dma_wait3A_104 = arith.constant 0 : i32
          %dma_wait3A_105 = arith.constant 0 : i32
          %dma_wait3A_106 = tpu.memref_slice %arg9[%run_scoped3A_91, %dma_wait3A_104, %dma_wait3A_105] : memref<2x128x128xf32, #tpu.memory_space<vmem>> -> memref<1x128x128xf32, #tpu.memory_space<vmem>>
          %dma_wait3A_107 = tpu.memref_squeeze %dma_wait3A_106 : memref<1x128x128xf32, #tpu.memory_space<vmem>> -> memref<128x128xf32, #tpu.memory_space<vmem>>
          %dma_wait3A_108 = arith.constant 0 : i32
          %dma_wait3A_109 = tpu.memref_slice %arg8[%add3A_90, %dma_wait3A_108] : memref<40x128xi32, #tpu.memory_space<vmem>> -> memref<1x128xi32, #tpu.memory_space<vmem>>
          %dma_wait3A_110 = tpu.memref_squeeze %dma_wait3A_109 : memref<1x128xi32, #tpu.memory_space<vmem>> -> memref<128xi32, #tpu.memory_space<vmem>>
          %dma_wait3A_111 = arith.constant 0 : i32
          %dma_wait3A_112 = arith.constant 0 : i32
          %dma_wait3A_113 = tpu.memref_slice %arg10[%dma_wait3A_111, %dma_wait3A_112] : memref<10240x128xf32, #tpu.memory_space<vmem_shared>> -> memref<10240x128xf32, #tpu.memory_space<vmem_shared>>
          tpu.wait_indirect_dma semaphore(%run_scoped3A_93 : memref<!tpu.dma_semaphore, #tpu.memory_space<semaphore_mem>>) src(%dma_wait3A_107 : memref<128x128xf32, #tpu.memory_space<vmem>>) dst(%dma_wait3A_113 : memref<10240x128xf32, #tpu.memory_space<vmem_shared>>)
          tpu.yield
        }) : () -> ()
        %scan3A_92 = arith.constant 0 : i32
        scf.yield %scan3A_92 : i32
      }
      %scan3A_38 = arith.constant 20 : i32
      %scan3A_39 = arith.constant 0 : i32
      %scan3A_40 = arith.constant 1 : i32
    } else {
    }
    %barrier3A_10 = arith.constant 0 : index
    tpu.barrier barrier_id(%barrier3A_10)
    %mul3A_11 = arith.constant 640 : i32
    %mul3A_12 = arith.muli %arg1, %mul3A_11 : i32
    "tpu.region"() ({
      %run_scoped3A = tpu.sem_alloc : memref<!tpu.dma_semaphore, #tpu.memory_space<semaphore_mem>>
      %dma_start3A = arith.constant 0 : i32
      %dma_start3A_13 = tpu.memref_slice %arg6[%arg0, %mul3A_12, %dma_start3A] : memref<2x10240x128xf32, #tpu.memory_space<hbm>> -> memref<1x640x128xf32, #tpu.memory_space<hbm>>
      %dma_start3A_14 = tpu.memref_squeeze %dma_start3A_13 : memref<1x640x128xf32, #tpu.memory_space<hbm>> -> memref<640x128xf32, #tpu.memory_space<hbm>>
      %dma_start3A_15 = arith.constant 0 : i32
      %dma_start3A_16 = tpu.memref_slice %arg10[%mul3A_12, %dma_start3A_15] : memref<10240x128xf32, #tpu.memory_space<vmem_shared>> -> memref<640x128xf32, #tpu.memory_space<vmem_shared>>
      tpu.enqueue_dma source(%dma_start3A_16 : memref<640x128xf32, #tpu.memory_space<vmem_shared>>) target(%dma_start3A_14 : memref<640x128xf32, #tpu.memory_space<hbm>>) target_semaphore(%run_scoped3A : memref<!tpu.dma_semaphore, #tpu.memory_space<semaphore_mem>>)
      %dma_wait3A = arith.constant 0 : i32
      %dma_wait3A_17 = tpu.memref_slice %arg6[%arg0, %mul3A_12, %dma_wait3A] : memref<2x10240x128xf32, #tpu.memory_space<hbm>> -> memref<1x640x128xf32, #tpu.memory_space<hbm>>
      %dma_wait3A_18 = tpu.memref_squeeze %dma_wait3A_17 : memref<1x640x128xf32, #tpu.memory_space<hbm>> -> memref<640x128xf32, #tpu.memory_space<hbm>>
      %dma_wait3A_19 = arith.constant 0 : i32
      %dma_wait3A_20 = tpu.memref_slice %arg10[%mul3A_12, %dma_wait3A_19] : memref<10240x128xf32, #tpu.memory_space<vmem_shared>> -> memref<640x128xf32, #tpu.memory_space<vmem_shared>>
      tpu.wait_dma2 semaphore(%run_scoped3A : memref<!tpu.dma_semaphore, #tpu.memory_space<semaphore_mem>>) src(%dma_wait3A_20 : memref<640x128xf32, #tpu.memory_space<vmem_shared>>) dst(%dma_wait3A_18 : memref<640x128xf32, #tpu.memory_space<hbm>>)
      tpu.yield
    }) : () -> ()
    return
  }
}

#map = affine_map<(d0, d1) -> (0, 0)>
#map1 = affine_map<(d0, d1) -> (0, 0, 0)>
module attributes {stable_mosaic.version = 14 : i64} {
  func.func @_deg_body(%arg0: i32, %arg1: i32, %arg2: memref<2560x128xi32, #tpu.memory_space<hbm>>, %arg3: memref<640x128xf32, #tpu.memory_space<hbm>>, %arg4: memref<128x128xf32, #tpu.memory_space<hbm>>, %arg5: memref<2x10240x128xf32, #tpu.memory_space<hbm>>, %arg6: memref<80x128xi32, #tpu.memory_space<vmem>>, %arg7: memref<128x128xf32, #tpu.memory_space<vmem>>, %arg8: memref<10240x128xf32, #tpu.memory_space<vmem_shared>>) attributes {dimension_semantics = [#tpu.dimension_semantics<core_parallel>, #tpu.dimension_semantics<subcore_parallel>], iteration_bounds = array<i64: 2, 16>, scalar_prefetch = 0 : i64, scratch_operands = 3 : i64, tpu.core_type = #tpu.core_type<sc_vector_subcore>, window_params = [{transform_indices = #map}, {transform_indices = #map}, {transform_indices = #map}, {transform_indices = #map1}]} {
    %mul3A = arith.constant 16 : i32
    %mul3A_0 = arith.muli %arg0, %mul3A : i32
    %add3A = arith.addi %mul3A_0, %arg1 : i32
    "tpu.region"() ({
      %run_scoped3A = tpu.sem_alloc : memref<!tpu.dma_semaphore, #tpu.memory_space<semaphore_mem>>
      tpu.enqueue_dma source(%arg4 : memref<128x128xf32, #tpu.memory_space<hbm>>) target(%arg7 : memref<128x128xf32, #tpu.memory_space<vmem>>) target_semaphore(%run_scoped3A : memref<!tpu.dma_semaphore, #tpu.memory_space<semaphore_mem>>)
      tpu.wait_dma2 semaphore(%run_scoped3A : memref<!tpu.dma_semaphore, #tpu.memory_space<semaphore_mem>>) src(%arg4 : memref<128x128xf32, #tpu.memory_space<hbm>>) dst(%arg7 : memref<128x128xf32, #tpu.memory_space<vmem>>)
      tpu.yield
    }) : () -> ()
    %mul3A_1 = arith.constant 640 : i32
    %mul3A_2 = arith.muli %arg1, %mul3A_1 : i32
    "tpu.region"() ({
      %run_scoped3A = tpu.sem_alloc : memref<!tpu.dma_semaphore, #tpu.memory_space<semaphore_mem>>
      %dma_start3A = arith.constant 0 : i32
      %dma_start3A_14 = tpu.memref_slice %arg8[%mul3A_2, %dma_start3A] : memref<10240x128xf32, #tpu.memory_space<vmem_shared>> -> memref<640x128xf32, #tpu.memory_space<vmem_shared>>
      tpu.enqueue_dma source(%arg3 : memref<640x128xf32, #tpu.memory_space<hbm>>) target(%dma_start3A_14 : memref<640x128xf32, #tpu.memory_space<vmem_shared>>) target_semaphore(%run_scoped3A : memref<!tpu.dma_semaphore, #tpu.memory_space<semaphore_mem>>)
      %dma_wait3A = arith.constant 0 : i32
      %dma_wait3A_15 = tpu.memref_slice %arg8[%mul3A_2, %dma_wait3A] : memref<10240x128xf32, #tpu.memory_space<vmem_shared>> -> memref<640x128xf32, #tpu.memory_space<vmem_shared>>
      tpu.wait_dma2 semaphore(%run_scoped3A : memref<!tpu.dma_semaphore, #tpu.memory_space<semaphore_mem>>) src(%arg3 : memref<640x128xf32, #tpu.memory_space<hbm>>) dst(%dma_wait3A_15 : memref<640x128xf32, #tpu.memory_space<vmem_shared>>)
      tpu.yield
    }) : () -> ()
    %barrier3A = arith.constant 0 : index
    tpu.barrier barrier_id(%barrier3A)
    %mul3A_3 = arith.constant 80 : i32
    %mul3A_4 = arith.muli %add3A, %mul3A_3 : i32
    "tpu.region"() ({
      %run_scoped3A = tpu.sem_alloc : memref<!tpu.dma_semaphore, #tpu.memory_space<semaphore_mem>>
      %dma_start3A = arith.constant 0 : i32
      %dma_start3A_14 = tpu.memref_slice %arg2[%mul3A_4, %dma_start3A] : memref<2560x128xi32, #tpu.memory_space<hbm>> -> memref<80x128xi32, #tpu.memory_space<hbm>>
      %dma_start3A_15 = arith.constant 0 : i32
      %dma_start3A_16 = tpu.memref_slice %arg2[%mul3A_4, %dma_start3A_15] : memref<2560x128xi32, #tpu.memory_space<hbm>> -> memref<80x128xi32, #tpu.memory_space<hbm>>
      tpu.enqueue_dma source(%dma_start3A_16 : memref<80x128xi32, #tpu.memory_space<hbm>>) target(%arg6 : memref<80x128xi32, #tpu.memory_space<vmem>>) target_semaphore(%run_scoped3A : memref<!tpu.dma_semaphore, #tpu.memory_space<semaphore_mem>>)
      %dma_wait3A = arith.constant 0 : i32
      %dma_wait3A_17 = tpu.memref_slice %arg2[%mul3A_4, %dma_wait3A] : memref<2560x128xi32, #tpu.memory_space<hbm>> -> memref<80x128xi32, #tpu.memory_space<hbm>>
      %dma_wait3A_18 = arith.constant 0 : i32
      %dma_wait3A_19 = tpu.memref_slice %arg2[%mul3A_4, %dma_wait3A_18] : memref<2560x128xi32, #tpu.memory_space<hbm>> -> memref<80x128xi32, #tpu.memory_space<hbm>>
      tpu.wait_dma2 semaphore(%run_scoped3A : memref<!tpu.dma_semaphore, #tpu.memory_space<semaphore_mem>>) src(%dma_wait3A_19 : memref<80x128xi32, #tpu.memory_space<hbm>>) dst(%arg6 : memref<80x128xi32, #tpu.memory_space<vmem>>)
      tpu.yield
    }) : () -> ()
    %scan3A = arith.constant 0 : i32
    %scan3A_5 = arith.constant 0 : i32
    %scan3A_6 = arith.constant 80 : i32
    %scan3A_7 = arith.addi %scan3A_5, %scan3A_6 : i32
    %scan3A_8 = arith.constant 1 : i32
    %scan3A_9 = scf.for %scan3A_14 = %scan3A_5 to %scan3A_7 step %scan3A_8 iter_args(%scan3A_15 = %scan3A) -> (i32)  : i32 {
      "tpu.region"() ({
        %run_scoped3A = tpu.sem_alloc : memref<!tpu.dma_semaphore, #tpu.memory_space<semaphore_mem>>
        %dma_start3A = arith.constant 0 : i32
        %dma_start3A_17 = tpu.memref_slice %arg6[%scan3A_14, %dma_start3A] : memref<80x128xi32, #tpu.memory_space<vmem>> -> memref<1x128xi32, #tpu.memory_space<vmem>>
        %dma_start3A_18 = tpu.memref_squeeze %dma_start3A_17 : memref<1x128xi32, #tpu.memory_space<vmem>> -> memref<128xi32, #tpu.memory_space<vmem>>
        %dma_start3A_19 = arith.constant 0 : i32
        %dma_start3A_20 = arith.constant 0 : i32
        %dma_start3A_21 = tpu.memref_slice %arg8[%dma_start3A_19, %dma_start3A_20] : memref<10240x128xf32, #tpu.memory_space<vmem_shared>> -> memref<10240x128xf32, #tpu.memory_space<vmem_shared>>
        tpu.enqueue_indirect_dma source(%arg7 : memref<128x128xf32, #tpu.memory_space<vmem>>) target(%dma_start3A_21 : memref<10240x128xf32, #tpu.memory_space<vmem_shared>>) offsets(%dma_start3A_18 : memref<128xi32, #tpu.memory_space<vmem>>) semaphore(%run_scoped3A : memref<!tpu.dma_semaphore, #tpu.memory_space<semaphore_mem>>) {add = true}
        %dma_wait3A = arith.constant 0 : i32
        %dma_wait3A_22 = tpu.memref_slice %arg6[%scan3A_14, %dma_wait3A] : memref<80x128xi32, #tpu.memory_space<vmem>> -> memref<1x128xi32, #tpu.memory_space<vmem>>
        %dma_wait3A_23 = tpu.memref_squeeze %dma_wait3A_22 : memref<1x128xi32, #tpu.memory_space<vmem>> -> memref<128xi32, #tpu.memory_space<vmem>>
        %dma_wait3A_24 = arith.constant 0 : i32
        %dma_wait3A_25 = arith.constant 0 : i32
        %dma_wait3A_26 = tpu.memref_slice %arg8[%dma_wait3A_24, %dma_wait3A_25] : memref<10240x128xf32, #tpu.memory_space<vmem_shared>> -> memref<10240x128xf32, #tpu.memory_space<vmem_shared>>
        tpu.wait_indirect_dma semaphore(%run_scoped3A : memref<!tpu.dma_semaphore, #tpu.memory_space<semaphore_mem>>) src(%arg7 : memref<128x128xf32, #tpu.memory_space<vmem>>) dst(%dma_wait3A_26 : memref<10240x128xf32, #tpu.memory_space<vmem_shared>>)
        tpu.yield
      }) : () -> ()
      %scan3A_16 = arith.constant 0 : i32
      scf.yield %scan3A_16 : i32
    }
    %scan3A_10 = arith.constant 80 : i32
    %barrier3A_11 = arith.constant 0 : index
    tpu.barrier barrier_id(%barrier3A_11)
    %mul3A_12 = arith.constant 640 : i32
    %mul3A_13 = arith.muli %arg1, %mul3A_12 : i32
    "tpu.region"() ({
      %run_scoped3A = tpu.sem_alloc : memref<!tpu.dma_semaphore, #tpu.memory_space<semaphore_mem>>
      %dma_start3A = arith.constant 0 : i32
      %dma_start3A_14 = tpu.memref_slice %arg5[%arg0, %mul3A_13, %dma_start3A] : memref<2x10240x128xf32, #tpu.memory_space<hbm>> -> memref<1x640x128xf32, #tpu.memory_space<hbm>>
      %dma_start3A_15 = tpu.memref_squeeze %dma_start3A_14 : memref<1x640x128xf32, #tpu.memory_space<hbm>> -> memref<640x128xf32, #tpu.memory_space<hbm>>
      %dma_start3A_16 = arith.constant 0 : i32
      %dma_start3A_17 = tpu.memref_slice %arg8[%mul3A_13, %dma_start3A_16] : memref<10240x128xf32, #tpu.memory_space<vmem_shared>> -> memref<640x128xf32, #tpu.memory_space<vmem_shared>>
      tpu.enqueue_dma source(%dma_start3A_17 : memref<640x128xf32, #tpu.memory_space<vmem_shared>>) target(%dma_start3A_15 : memref<640x128xf32, #tpu.memory_space<hbm>>) target_semaphore(%run_scoped3A : memref<!tpu.dma_semaphore, #tpu.memory_space<semaphore_mem>>)
      %dma_wait3A = arith.constant 0 : i32
      %dma_wait3A_18 = tpu.memref_slice %arg5[%arg0, %mul3A_13, %dma_wait3A] : memref<2x10240x128xf32, #tpu.memory_space<hbm>> -> memref<1x640x128xf32, #tpu.memory_space<hbm>>
      %dma_wait3A_19 = tpu.memref_squeeze %dma_wait3A_18 : memref<1x640x128xf32, #tpu.memory_space<hbm>> -> memref<640x128xf32, #tpu.memory_space<hbm>>
      %dma_wait3A_20 = arith.constant 0 : i32
      %dma_wait3A_21 = tpu.memref_slice %arg8[%mul3A_13, %dma_wait3A_20] : memref<10240x128xf32, #tpu.memory_space<vmem_shared>> -> memref<640x128xf32, #tpu.memory_space<vmem_shared>>
      tpu.wait_dma2 semaphore(%run_scoped3A : memref<!tpu.dma_semaphore, #tpu.memory_space<semaphore_mem>>) src(%dma_wait3A_21 : memref<640x128xf32, #tpu.memory_space<vmem_shared>>) dst(%dma_wait3A_19 : memref<640x128xf32, #tpu.memory_space<hbm>>)
      tpu.yield
    }) : () -> ()
    return
  }
}

#map = affine_map<(d0, d1) -> (0, 0)>
#map1 = affine_map<(d0, d1) -> (0, 0, 0)>
module attributes {stable_mosaic.version = 14 : i64} {
  func.func @_agg_body(%arg0: i32, %arg1: i32, %arg2: memref<10240x128xf32, #tpu.memory_space<hbm>>, %arg3: memref<2560x128xi32, #tpu.memory_space<hbm>>, %arg4: memref<2560x128xi32, #tpu.memory_space<hbm>>, %arg5: memref<640x128xf32, #tpu.memory_space<hbm>>, %arg6: memref<2x10240x128xf32, #tpu.memory_space<hbm>>, %arg7: memref<40x128xi32, #tpu.memory_space<vmem>>, %arg8: memref<40x128xi32, #tpu.memory_space<vmem>>, %arg9: memref<2x128x128xf32, #tpu.memory_space<vmem>>, %arg10: memref<10240x128xf32, #tpu.memory_space<vmem_shared>>, %arg11: memref<!tpu.dma_semaphore, #tpu.memory_space<semaphore_mem>>, %arg12: memref<!tpu.dma_semaphore, #tpu.memory_space<semaphore_mem>>) attributes {dimension_semantics = [#tpu.dimension_semantics<core_parallel>, #tpu.dimension_semantics<subcore_parallel>], iteration_bounds = array<i64: 2, 16>, scalar_prefetch = 0 : i64, scratch_operands = 6 : i64, tpu.core_type = #tpu.core_type<sc_vector_subcore>, window_params = [{transform_indices = #map}, {transform_indices = #map}, {transform_indices = #map}, {transform_indices = #map}, {transform_indices = #map1}]} {
    %mul3A = arith.constant 16 : i32
    %mul3A_0 = arith.muli %arg0, %mul3A : i32
    %add3A = arith.addi %mul3A_0, %arg1 : i32
    %mul3A_1 = arith.constant 640 : i32
    %mul3A_2 = arith.muli %arg1, %mul3A_1 : i32
    "tpu.region"() ({
      %run_scoped3A = tpu.sem_alloc : memref<!tpu.dma_semaphore, #tpu.memory_space<semaphore_mem>>
      %dma_start3A = arith.constant 0 : i32
      %dma_start3A_13 = tpu.memref_slice %arg10[%mul3A_2, %dma_start3A] : memref<10240x128xf32, #tpu.memory_space<vmem_shared>> -> memref<640x128xf32, #tpu.memory_space<vmem_shared>>
      tpu.enqueue_dma source(%arg5 : memref<640x128xf32, #tpu.memory_space<hbm>>) target(%dma_start3A_13 : memref<640x128xf32, #tpu.memory_space<vmem_shared>>) target_semaphore(%run_scoped3A : memref<!tpu.dma_semaphore, #tpu.memory_space<semaphore_mem>>)
      %dma_wait3A = arith.constant 0 : i32
      %dma_wait3A_14 = tpu.memref_slice %arg10[%mul3A_2, %dma_wait3A] : memref<10240x128xf32, #tpu.memory_space<vmem_shared>> -> memref<640x128xf32, #tpu.memory_space<vmem_shared>>
      tpu.wait_dma2 semaphore(%run_scoped3A : memref<!tpu.dma_semaphore, #tpu.memory_space<semaphore_mem>>) src(%arg5 : memref<640x128xf32, #tpu.memory_space<hbm>>) dst(%dma_wait3A_14 : memref<640x128xf32, #tpu.memory_space<vmem_shared>>)
      tpu.yield
    }) : () -> ()
    %barrier3A = arith.constant 0 : index
    tpu.barrier barrier_id(%barrier3A)
    %eq3A = arith.constant 0 : i32
    %eq3A_3 = arith.cmpi eq, %arg0, %eq3A : i32
    %convert_element_type3A = arith.extui %eq3A_3 : i1 to i32
    %cond3A = arith.constant 0 : i32
    %cond3A_4 = arith.cmpi ne, %convert_element_type3A, %cond3A : i32
    scf.if %cond3A_4 {
      %mul3A_13 = arith.constant 120 : i32
      %mul3A_14 = arith.muli %arg1, %mul3A_13 : i32
      %scan3A = arith.constant 0 : i32
      %scan3A_15 = arith.constant 0 : i32
      %scan3A_16 = arith.constant 3 : i32
      %scan3A_17 = arith.addi %scan3A_15, %scan3A_16 : i32
      %scan3A_18 = arith.constant 1 : i32
      %scan3A_19 = scf.for %scan3A_21 = %scan3A_15 to %scan3A_17 step %scan3A_18 iter_args(%scan3A_22 = %scan3A) -> (i32)  : i32 {
        %mul3A_23 = arith.constant 40 : i32
        %mul3A_24 = arith.muli %scan3A_21, %mul3A_23 : i32
        %add3A_25 = arith.addi %mul3A_14, %mul3A_24 : i32
        "tpu.region"() ({
          %run_scoped3A = tpu.sem_alloc : memref<!tpu.dma_semaphore, #tpu.memory_space<semaphore_mem>>
          %dma_start3A_45 = arith.constant 0 : i32
          %dma_start3A_46 = tpu.memref_slice %arg3[%add3A_25, %dma_start3A_45] : memref<2560x128xi32, #tpu.memory_space<hbm>> -> memref<40x128xi32, #tpu.memory_space<hbm>>
          %dma_start3A_47 = arith.constant 0 : i32
          %dma_start3A_48 = tpu.memref_slice %arg3[%add3A_25, %dma_start3A_47] : memref<2560x128xi32, #tpu.memory_space<hbm>> -> memref<40x128xi32, #tpu.memory_space<hbm>>
          tpu.enqueue_dma source(%dma_start3A_48 : memref<40x128xi32, #tpu.memory_space<hbm>>) target(%arg7 : memref<40x128xi32, #tpu.memory_space<vmem>>) target_semaphore(%run_scoped3A : memref<!tpu.dma_semaphore, #tpu.memory_space<semaphore_mem>>)
          %dma_wait3A = arith.constant 0 : i32
          %dma_wait3A_49 = tpu.memref_slice %arg3[%add3A_25, %dma_wait3A] : memref<2560x128xi32, #tpu.memory_space<hbm>> -> memref<40x128xi32, #tpu.memory_space<hbm>>
          %dma_wait3A_50 = arith.constant 0 : i32
          %dma_wait3A_51 = tpu.memref_slice %arg3[%add3A_25, %dma_wait3A_50] : memref<2560x128xi32, #tpu.memory_space<hbm>> -> memref<40x128xi32, #tpu.memory_space<hbm>>
          tpu.wait_dma2 semaphore(%run_scoped3A : memref<!tpu.dma_semaphore, #tpu.memory_space<semaphore_mem>>) src(%dma_wait3A_51 : memref<40x128xi32, #tpu.memory_space<hbm>>) dst(%arg7 : memref<40x128xi32, #tpu.memory_space<vmem>>)
          tpu.yield
        }) : () -> ()
        "tpu.region"() ({
          %run_scoped3A = tpu.sem_alloc : memref<!tpu.dma_semaphore, #tpu.memory_space<semaphore_mem>>
          %dma_start3A_45 = arith.constant 0 : i32
          %dma_start3A_46 = tpu.memref_slice %arg4[%add3A_25, %dma_start3A_45] : memref<2560x128xi32, #tpu.memory_space<hbm>> -> memref<40x128xi32, #tpu.memory_space<hbm>>
          %dma_start3A_47 = arith.constant 0 : i32
          %dma_start3A_48 = tpu.memref_slice %arg4[%add3A_25, %dma_start3A_47] : memref<2560x128xi32, #tpu.memory_space<hbm>> -> memref<40x128xi32, #tpu.memory_space<hbm>>
          tpu.enqueue_dma source(%dma_start3A_48 : memref<40x128xi32, #tpu.memory_space<hbm>>) target(%arg8 : memref<40x128xi32, #tpu.memory_space<vmem>>) target_semaphore(%run_scoped3A : memref<!tpu.dma_semaphore, #tpu.memory_space<semaphore_mem>>)
          %dma_wait3A = arith.constant 0 : i32
          %dma_wait3A_49 = tpu.memref_slice %arg4[%add3A_25, %dma_wait3A] : memref<2560x128xi32, #tpu.memory_space<hbm>> -> memref<40x128xi32, #tpu.memory_space<hbm>>
          %dma_wait3A_50 = arith.constant 0 : i32
          %dma_wait3A_51 = tpu.memref_slice %arg4[%add3A_25, %dma_wait3A_50] : memref<2560x128xi32, #tpu.memory_space<hbm>> -> memref<40x128xi32, #tpu.memory_space<hbm>>
          tpu.wait_dma2 semaphore(%run_scoped3A : memref<!tpu.dma_semaphore, #tpu.memory_space<semaphore_mem>>) src(%dma_wait3A_51 : memref<40x128xi32, #tpu.memory_space<hbm>>) dst(%arg8 : memref<40x128xi32, #tpu.memory_space<vmem>>)
          tpu.yield
        }) : () -> ()
        %dma_start3A = arith.constant 0 : i32
        %dma_start3A_26 = arith.constant 0 : i32
        %dma_start3A_27 = arith.constant 0 : i32
        %dma_start3A_28 = arith.constant 0 : i32
        %dma_start3A_29 = tpu.memref_slice %arg9[%dma_start3A_26, %dma_start3A_27, %dma_start3A_28] : memref<2x128x128xf32, #tpu.memory_space<vmem>> -> memref<1x128x128xf32, #tpu.memory_space<vmem>>
        %dma_start3A_30 = tpu.memref_squeeze %dma_start3A_29 : memref<1x128x128xf32, #tpu.memory_space<vmem>> -> memref<128x128xf32, #tpu.memory_space<vmem>>
        %dma_start3A_31 = arith.constant 0 : i32
        %dma_start3A_32 = tpu.memref_slice %arg7[%dma_start3A, %dma_start3A_31] : memref<40x128xi32, #tpu.memory_space<vmem>> -> memref<1x128xi32, #tpu.memory_space<vmem>>
        %dma_start3A_33 = tpu.memref_squeeze %dma_start3A_32 : memref<1x128xi32, #tpu.memory_space<vmem>> -> memref<128xi32, #tpu.memory_space<vmem>>
        %dma_start3A_34 = arith.constant 0 : i32
        %dma_start3A_35 = arith.constant 0 : i32
        %dma_start3A_36 = tpu.memref_slice %arg2[%dma_start3A_34, %dma_start3A_35] : memref<10240x128xf32, #tpu.memory_space<hbm>> -> memref<10240x128xf32, #tpu.memory_space<hbm>>
        tpu.enqueue_indirect_dma source(%dma_start3A_36 : memref<10240x128xf32, #tpu.memory_space<hbm>>) target(%dma_start3A_30 : memref<128x128xf32, #tpu.memory_space<vmem>>) offsets(%dma_start3A_33 : memref<128xi32, #tpu.memory_space<vmem>>) semaphore(%arg11 : memref<!tpu.dma_semaphore, #tpu.memory_space<semaphore_mem>>)
        %scan3A_37 = arith.constant 0 : i32
        %scan3A_38 = arith.constant 0 : i32
        %scan3A_39 = arith.constant 20 : i32
        %scan3A_40 = arith.addi %scan3A_38, %scan3A_39 : i32
        %scan3A_41 = arith.constant 1 : i32
        %scan3A_42 = scf.for %scan3A_45 = %scan3A_38 to %scan3A_40 step %scan3A_41 iter_args(%scan3A_46 = %scan3A_37) -> (i32)  : i32 {
          %mul3A_47 = arith.constant 2 : i32
          %mul3A_48 = arith.muli %mul3A_47, %scan3A_45 : i32
          %add3A_49 = arith.constant 1 : i32
          %add3A_50 = arith.addi %mul3A_48, %add3A_49 : i32
          %dma_start3A_51 = arith.constant 1 : i32
          %dma_start3A_52 = arith.constant 0 : i32
          %dma_start3A_53 = arith.constant 0 : i32
          %dma_start3A_54 = tpu.memref_slice %arg9[%dma_start3A_51, %dma_start3A_52, %dma_start3A_53] : memref<2x128x128xf32, #tpu.memory_space<vmem>> -> memref<1x128x128xf32, #tpu.memory_space<vmem>>
          %dma_start3A_55 = tpu.memref_squeeze %dma_start3A_54 : memref<1x128x128xf32, #tpu.memory_space<vmem>> -> memref<128x128xf32, #tpu.memory_space<vmem>>
          %dma_start3A_56 = arith.constant 0 : i32
          %dma_start3A_57 = tpu.memref_slice %arg7[%add3A_50, %dma_start3A_56] : memref<40x128xi32, #tpu.memory_space<vmem>> -> memref<1x128xi32, #tpu.memory_space<vmem>>
          %dma_start3A_58 = tpu.memref_squeeze %dma_start3A_57 : memref<1x128xi32, #tpu.memory_space<vmem>> -> memref<128xi32, #tpu.memory_space<vmem>>
          %dma_start3A_59 = arith.constant 0 : i32
          %dma_start3A_60 = arith.constant 0 : i32
          %dma_start3A_61 = tpu.memref_slice %arg2[%dma_start3A_59, %dma_start3A_60] : memref<10240x128xf32, #tpu.memory_space<hbm>> -> memref<10240x128xf32, #tpu.memory_space<hbm>>
          tpu.enqueue_indirect_dma source(%dma_start3A_61 : memref<10240x128xf32, #tpu.memory_space<hbm>>) target(%dma_start3A_55 : memref<128x128xf32, #tpu.memory_space<vmem>>) offsets(%dma_start3A_58 : memref<128xi32, #tpu.memory_space<vmem>>) semaphore(%arg12 : memref<!tpu.dma_semaphore, #tpu.memory_space<semaphore_mem>>)
          %dma_wait3A = arith.constant 0 : i32
          %dma_wait3A_62 = arith.constant 0 : i32
          %dma_wait3A_63 = arith.constant 0 : i32
          %dma_wait3A_64 = arith.constant 0 : i32
          %dma_wait3A_65 = tpu.memref_slice %arg9[%dma_wait3A_62, %dma_wait3A_63, %dma_wait3A_64] : memref<2x128x128xf32, #tpu.memory_space<vmem>> -> memref<1x128x128xf32, #tpu.memory_space<vmem>>
          %dma_wait3A_66 = tpu.memref_squeeze %dma_wait3A_65 : memref<1x128x128xf32, #tpu.memory_space<vmem>> -> memref<128x128xf32, #tpu.memory_space<vmem>>
          %dma_wait3A_67 = arith.constant 0 : i32
          %dma_wait3A_68 = tpu.memref_slice %arg7[%dma_wait3A, %dma_wait3A_67] : memref<40x128xi32, #tpu.memory_space<vmem>> -> memref<1x128xi32, #tpu.memory_space<vmem>>
          %dma_wait3A_69 = tpu.memref_squeeze %dma_wait3A_68 : memref<1x128xi32, #tpu.memory_space<vmem>> -> memref<128xi32, #tpu.memory_space<vmem>>
          %dma_wait3A_70 = arith.constant 0 : i32
          %dma_wait3A_71 = arith.constant 0 : i32
          %dma_wait3A_72 = tpu.memref_slice %arg2[%dma_wait3A_70, %dma_wait3A_71] : memref<10240x128xf32, #tpu.memory_space<hbm>> -> memref<10240x128xf32, #tpu.memory_space<hbm>>
          tpu.wait_indirect_dma semaphore(%arg11 : memref<!tpu.dma_semaphore, #tpu.memory_space<semaphore_mem>>) src(%dma_wait3A_72 : memref<10240x128xf32, #tpu.memory_space<hbm>>) dst(%dma_wait3A_66 : memref<128x128xf32, #tpu.memory_space<vmem>>)
          %mul3A_73 = arith.constant 2 : i32
          %mul3A_74 = arith.muli %mul3A_73, %scan3A_45 : i32
          %run_scoped3A = arith.constant 0 : i32
          "tpu.region"() ({
            %run_scoped3A_97 = tpu.sem_alloc : memref<!tpu.dma_semaphore, #tpu.memory_space<semaphore_mem>>
            %dma_start3A_98 = arith.constant 0 : i32
            %dma_start3A_99 = arith.constant 0 : i32
            %dma_start3A_100 = tpu.memref_slice %arg9[%run_scoped3A, %dma_start3A_98, %dma_start3A_99] : memref<2x128x128xf32, #tpu.memory_space<vmem>> -> memref<1x128x128xf32, #tpu.memory_space<vmem>>
            %dma_start3A_101 = tpu.memref_squeeze %dma_start3A_100 : memref<1x128x128xf32, #tpu.memory_space<vmem>> -> memref<128x128xf32, #tpu.memory_space<vmem>>
            %dma_start3A_102 = arith.constant 0 : i32
            %dma_start3A_103 = tpu.memref_slice %arg8[%mul3A_74, %dma_start3A_102] : memref<40x128xi32, #tpu.memory_space<vmem>> -> memref<1x128xi32, #tpu.memory_space<vmem>>
            %dma_start3A_104 = tpu.memref_squeeze %dma_start3A_103 : memref<1x128xi32, #tpu.memory_space<vmem>> -> memref<128xi32, #tpu.memory_space<vmem>>
            %dma_start3A_105 = arith.constant 0 : i32
            %dma_start3A_106 = arith.constant 0 : i32
            %dma_start3A_107 = tpu.memref_slice %arg10[%dma_start3A_105, %dma_start3A_106] : memref<10240x128xf32, #tpu.memory_space<vmem_shared>> -> memref<10240x128xf32, #tpu.memory_space<vmem_shared>>
            tpu.enqueue_indirect_dma source(%dma_start3A_101 : memref<128x128xf32, #tpu.memory_space<vmem>>) target(%dma_start3A_107 : memref<10240x128xf32, #tpu.memory_space<vmem_shared>>) offsets(%dma_start3A_104 : memref<128xi32, #tpu.memory_space<vmem>>) semaphore(%run_scoped3A_97 : memref<!tpu.dma_semaphore, #tpu.memory_space<semaphore_mem>>) {add = true}
            %dma_wait3A_108 = arith.constant 0 : i32
            %dma_wait3A_109 = arith.constant 0 : i32
            %dma_wait3A_110 = tpu.memref_slice %arg9[%run_scoped3A, %dma_wait3A_108, %dma_wait3A_109] : memref<2x128x128xf32, #tpu.memory_space<vmem>> -> memref<1x128x128xf32, #tpu.memory_space<vmem>>
            %dma_wait3A_111 = tpu.memref_squeeze %dma_wait3A_110 : memref<1x128x128xf32, #tpu.memory_space<vmem>> -> memref<128x128xf32, #tpu.memory_space<vmem>>
            %dma_wait3A_112 = arith.constant 0 : i32
            %dma_wait3A_113 = tpu.memref_slice %arg8[%mul3A_74, %dma_wait3A_112] : memref<40x128xi32, #tpu.memory_space<vmem>> -> memref<1x128xi32, #tpu.memory_space<vmem>>
            %dma_wait3A_114 = tpu.memref_squeeze %dma_wait3A_113 : memref<1x128xi32, #tpu.memory_space<vmem>> -> memref<128xi32, #tpu.memory_space<vmem>>
            %dma_wait3A_115 = arith.constant 0 : i32
            %dma_wait3A_116 = arith.constant 0 : i32
            %dma_wait3A_117 = tpu.memref_slice %arg10[%dma_wait3A_115, %dma_wait3A_116] : memref<10240x128xf32, #tpu.memory_space<vmem_shared>> -> memref<10240x128xf32, #tpu.memory_space<vmem_shared>>
            tpu.wait_indirect_dma semaphore(%run_scoped3A_97 : memref<!tpu.dma_semaphore, #tpu.memory_space<semaphore_mem>>) src(%dma_wait3A_111 : memref<128x128xf32, #tpu.memory_space<vmem>>) dst(%dma_wait3A_117 : memref<10240x128xf32, #tpu.memory_space<vmem_shared>>)
            tpu.yield
          }) : () -> ()
          %lt3A = arith.constant 19 : i32
          %lt3A_75 = arith.cmpi slt, %scan3A_45, %lt3A : i32
          %convert_element_type3A_76 = arith.extui %lt3A_75 : i1 to i32
          %cond3A_77 = arith.constant 0 : i32
          %cond3A_78 = arith.cmpi ne, %convert_element_type3A_76, %cond3A_77 : i32
          scf.if %cond3A_78 {
            %mul3A_97 = arith.constant 2 : i32
            %mul3A_98 = arith.muli %mul3A_97, %scan3A_45 : i32
            %add3A_99 = arith.constant 2 : i32
            %add3A_100 = arith.addi %mul3A_98, %add3A_99 : i32
            %dma_start3A_101 = arith.constant 0 : i32
            %dma_start3A_102 = arith.constant 0 : i32
            %dma_start3A_103 = arith.constant 0 : i32
            %dma_start3A_104 = tpu.memref_slice %arg9[%dma_start3A_101, %dma_start3A_102, %dma_start3A_103] : memref<2x128x128xf32, #tpu.memory_space<vmem>> -> memref<1x128x128xf32, #tpu.memory_space<vmem>>
            %dma_start3A_105 = tpu.memref_squeeze %dma_start3A_104 : memref<1x128x128xf32, #tpu.memory_space<vmem>> -> memref<128x128xf32, #tpu.memory_space<vmem>>
            %dma_start3A_106 = arith.constant 0 : i32
            %dma_start3A_107 = tpu.memref_slice %arg7[%add3A_100, %dma_start3A_106] : memref<40x128xi32, #tpu.memory_space<vmem>> -> memref<1x128xi32, #tpu.memory_space<vmem>>
            %dma_start3A_108 = tpu.memref_squeeze %dma_start3A_107 : memref<1x128xi32, #tpu.memory_space<vmem>> -> memref<128xi32, #tpu.memory_space<vmem>>
            %dma_start3A_109 = arith.constant 0 : i32
            %dma_start3A_110 = arith.constant 0 : i32
            %dma_start3A_111 = tpu.memref_slice %arg2[%dma_start3A_109, %dma_start3A_110] : memref<10240x128xf32, #tpu.memory_space<hbm>> -> memref<10240x128xf32, #tpu.memory_space<hbm>>
            tpu.enqueue_indirect_dma source(%dma_start3A_111 : memref<10240x128xf32, #tpu.memory_space<hbm>>) target(%dma_start3A_105 : memref<128x128xf32, #tpu.memory_space<vmem>>) offsets(%dma_start3A_108 : memref<128xi32, #tpu.memory_space<vmem>>) semaphore(%arg11 : memref<!tpu.dma_semaphore, #tpu.memory_space<semaphore_mem>>)
          } else {
          }
          %dma_wait3A_79 = arith.constant 0 : i32
          %dma_wait3A_80 = arith.constant 1 : i32
          %dma_wait3A_81 = arith.constant 0 : i32
          %dma_wait3A_82 = arith.constant 0 : i32
          %dma_wait3A_83 = tpu.memref_slice %arg9[%dma_wait3A_80, %dma_wait3A_81, %dma_wait3A_82] : memref<2x128x128xf32, #tpu.memory_space<vmem>> -> memref<1x128x128xf32, #tpu.memory_space<vmem>>
          %dma_wait3A_84 = tpu.memref_squeeze %dma_wait3A_83 : memref<1x128x128xf32, #tpu.memory_space<vmem>> -> memref<128x128xf32, #tpu.memory_space<vmem>>
          %dma_wait3A_85 = arith.constant 0 : i32
          %dma_wait3A_86 = tpu.memref_slice %arg7[%dma_wait3A_79, %dma_wait3A_85] : memref<40x128xi32, #tpu.memory_space<vmem>> -> memref<1x128xi32, #tpu.memory_space<vmem>>
          %dma_wait3A_87 = tpu.memref_squeeze %dma_wait3A_86 : memref<1x128xi32, #tpu.memory_space<vmem>> -> memref<128xi32, #tpu.memory_space<vmem>>
          %dma_wait3A_88 = arith.constant 0 : i32
          %dma_wait3A_89 = arith.constant 0 : i32
          %dma_wait3A_90 = tpu.memref_slice %arg2[%dma_wait3A_88, %dma_wait3A_89] : memref<10240x128xf32, #tpu.memory_space<hbm>> -> memref<10240x128xf32, #tpu.memory_space<hbm>>
          tpu.wait_indirect_dma semaphore(%arg12 : memref<!tpu.dma_semaphore, #tpu.memory_space<semaphore_mem>>) src(%dma_wait3A_90 : memref<10240x128xf32, #tpu.memory_space<hbm>>) dst(%dma_wait3A_84 : memref<128x128xf32, #tpu.memory_space<vmem>>)
          %mul3A_91 = arith.constant 2 : i32
          %mul3A_92 = arith.muli %mul3A_91, %scan3A_45 : i32
          %add3A_93 = arith.constant 1 : i32
          %add3A_94 = arith.addi %mul3A_92, %add3A_93 : i32
          %run_scoped3A_95 = arith.constant 1 : i32
          "tpu.region"() ({
            %run_scoped3A_97 = tpu.sem_alloc : memref<!tpu.dma_semaphore, #tpu.memory_space<semaphore_mem>>
            %dma_start3A_98 = arith.constant 0 : i32
            %dma_start3A_99 = arith.constant 0 : i32
            %dma_start3A_100 = tpu.memref_slice %arg9[%run_scoped3A_95, %dma_start3A_98, %dma_start3A_99] : memref<2x128x128xf32, #tpu.memory_space<vmem>> -> memref<1x128x128xf32, #tpu.memory_space<vmem>>
            %dma_start3A_101 = tpu.memref_squeeze %dma_start3A_100 : memref<1x128x128xf32, #tpu.memory_space<vmem>> -> memref<128x128xf32, #tpu.memory_space<vmem>>
            %dma_start3A_102 = arith.constant 0 : i32
            %dma_start3A_103 = tpu.memref_slice %arg8[%add3A_94, %dma_start3A_102] : memref<40x128xi32, #tpu.memory_space<vmem>> -> memref<1x128xi32, #tpu.memory_space<vmem>>
            %dma_start3A_104 = tpu.memref_squeeze %dma_start3A_103 : memref<1x128xi32, #tpu.memory_space<vmem>> -> memref<128xi32, #tpu.memory_space<vmem>>
            %dma_start3A_105 = arith.constant 0 : i32
            %dma_start3A_106 = arith.constant 0 : i32
            %dma_start3A_107 = tpu.memref_slice %arg10[%dma_start3A_105, %dma_start3A_106] : memref<10240x128xf32, #tpu.memory_space<vmem_shared>> -> memref<10240x128xf32, #tpu.memory_space<vmem_shared>>
            tpu.enqueue_indirect_dma source(%dma_start3A_101 : memref<128x128xf32, #tpu.memory_space<vmem>>) target(%dma_start3A_107 : memref<10240x128xf32, #tpu.memory_space<vmem_shared>>) offsets(%dma_start3A_104 : memref<128xi32, #tpu.memory_space<vmem>>) semaphore(%run_scoped3A_97 : memref<!tpu.dma_semaphore, #tpu.memory_space<semaphore_mem>>) {add = true}
            %dma_wait3A_108 = arith.constant 0 : i32
            %dma_wait3A_109 = arith.constant 0 : i32
            %dma_wait3A_110 = tpu.memref_slice %arg9[%run_scoped3A_95, %dma_wait3A_108, %dma_wait3A_109] : memref<2x128x128xf32, #tpu.memory_space<vmem>> -> memref<1x128x128xf32, #tpu.memory_space<vmem>>
            %dma_wait3A_111 = tpu.memref_squeeze %dma_wait3A_110 : memref<1x128x128xf32, #tpu.memory_space<vmem>> -> memref<128x128xf32, #tpu.memory_space<vmem>>
            %dma_wait3A_112 = arith.constant 0 : i32
            %dma_wait3A_113 = tpu.memref_slice %arg8[%add3A_94, %dma_wait3A_112] : memref<40x128xi32, #tpu.memory_space<vmem>> -> memref<1x128xi32, #tpu.memory_space<vmem>>
            %dma_wait3A_114 = tpu.memref_squeeze %dma_wait3A_113 : memref<1x128xi32, #tpu.memory_space<vmem>> -> memref<128xi32, #tpu.memory_space<vmem>>
            %dma_wait3A_115 = arith.constant 0 : i32
            %dma_wait3A_116 = arith.constant 0 : i32
            %dma_wait3A_117 = tpu.memref_slice %arg10[%dma_wait3A_115, %dma_wait3A_116] : memref<10240x128xf32, #tpu.memory_space<vmem_shared>> -> memref<10240x128xf32, #tpu.memory_space<vmem_shared>>
            tpu.wait_indirect_dma semaphore(%run_scoped3A_97 : memref<!tpu.dma_semaphore, #tpu.memory_space<semaphore_mem>>) src(%dma_wait3A_111 : memref<128x128xf32, #tpu.memory_space<vmem>>) dst(%dma_wait3A_117 : memref<10240x128xf32, #tpu.memory_space<vmem_shared>>)
            tpu.yield
          }) : () -> ()
          %scan3A_96 = arith.constant 0 : i32
          scf.yield %scan3A_96 : i32
        }
        %scan3A_43 = arith.constant 20 : i32
        %scan3A_44 = arith.constant 0 : i32
        scf.yield %scan3A_44 : i32
      }
      %scan3A_20 = arith.constant 3 : i32
    } else {
    }
    %eq3A_5 = arith.constant 1 : i32
    %eq3A_6 = arith.cmpi eq, %arg0, %eq3A_5 : i32
    %convert_element_type3A_7 = arith.extui %eq3A_6 : i1 to i32
    %cond3A_8 = arith.constant 0 : i32
    %cond3A_9 = arith.cmpi ne, %convert_element_type3A_7, %cond3A_8 : i32
    scf.if %cond3A_9 {
      %mul3A_13 = arith.constant 40 : i32
      %mul3A_14 = arith.muli %arg1, %mul3A_13 : i32
      %add3A_15 = arith.constant 1920 : i32
      %add3A_16 = arith.addi %add3A_15, %mul3A_14 : i32
      %scan3A = arith.constant 0 : i32
      %scan3A_17 = arith.constant 0 : i32
      %mul3A_18 = arith.constant 40 : i32
      %mul3A_19 = arith.muli %scan3A_17, %mul3A_18 : i32
      %add3A_20 = arith.addi %add3A_16, %mul3A_19 : i32
      "tpu.region"() ({
        %run_scoped3A = tpu.sem_alloc : memref<!tpu.dma_semaphore, #tpu.memory_space<semaphore_mem>>
        %dma_start3A_41 = arith.constant 0 : i32
        %dma_start3A_42 = tpu.memref_slice %arg3[%add3A_20, %dma_start3A_41] : memref<2560x128xi32, #tpu.memory_space<hbm>> -> memref<40x128xi32, #tpu.memory_space<hbm>>
        %dma_start3A_43 = arith.constant 0 : i32
        %dma_start3A_44 = tpu.memref_slice %arg3[%add3A_20, %dma_start3A_43] : memref<2560x128xi32, #tpu.memory_space<hbm>> -> memref<40x128xi32, #tpu.memory_space<hbm>>
        tpu.enqueue_dma source(%dma_start3A_44 : memref<40x128xi32, #tpu.memory_space<hbm>>) target(%arg7 : memref<40x128xi32, #tpu.memory_space<vmem>>) target_semaphore(%run_scoped3A : memref<!tpu.dma_semaphore, #tpu.memory_space<semaphore_mem>>)
        %dma_wait3A = arith.constant 0 : i32
        %dma_wait3A_45 = tpu.memref_slice %arg3[%add3A_20, %dma_wait3A] : memref<2560x128xi32, #tpu.memory_space<hbm>> -> memref<40x128xi32, #tpu.memory_space<hbm>>
        %dma_wait3A_46 = arith.constant 0 : i32
        %dma_wait3A_47 = tpu.memref_slice %arg3[%add3A_20, %dma_wait3A_46] : memref<2560x128xi32, #tpu.memory_space<hbm>> -> memref<40x128xi32, #tpu.memory_space<hbm>>
        tpu.wait_dma2 semaphore(%run_scoped3A : memref<!tpu.dma_semaphore, #tpu.memory_space<semaphore_mem>>) src(%dma_wait3A_47 : memref<40x128xi32, #tpu.memory_space<hbm>>) dst(%arg7 : memref<40x128xi32, #tpu.memory_space<vmem>>)
        tpu.yield
      }) : () -> ()
      "tpu.region"() ({
        %run_scoped3A = tpu.sem_alloc : memref<!tpu.dma_semaphore, #tpu.memory_space<semaphore_mem>>
        %dma_start3A_41 = arith.constant 0 : i32
        %dma_start3A_42 = tpu.memref_slice %arg4[%add3A_20, %dma_start3A_41] : memref<2560x128xi32, #tpu.memory_space<hbm>> -> memref<40x128xi32, #tpu.memory_space<hbm>>
        %dma_start3A_43 = arith.constant 0 : i32
        %dma_start3A_44 = tpu.memref_slice %arg4[%add3A_20, %dma_start3A_43] : memref<2560x128xi32, #tpu.memory_space<hbm>> -> memref<40x128xi32, #tpu.memory_space<hbm>>
        tpu.enqueue_dma source(%dma_start3A_44 : memref<40x128xi32, #tpu.memory_space<hbm>>) target(%arg8 : memref<40x128xi32, #tpu.memory_space<vmem>>) target_semaphore(%run_scoped3A : memref<!tpu.dma_semaphore, #tpu.memory_space<semaphore_mem>>)
        %dma_wait3A = arith.constant 0 : i32
        %dma_wait3A_45 = tpu.memref_slice %arg4[%add3A_20, %dma_wait3A] : memref<2560x128xi32, #tpu.memory_space<hbm>> -> memref<40x128xi32, #tpu.memory_space<hbm>>
        %dma_wait3A_46 = arith.constant 0 : i32
        %dma_wait3A_47 = tpu.memref_slice %arg4[%add3A_20, %dma_wait3A_46] : memref<2560x128xi32, #tpu.memory_space<hbm>> -> memref<40x128xi32, #tpu.memory_space<hbm>>
        tpu.wait_dma2 semaphore(%run_scoped3A : memref<!tpu.dma_semaphore, #tpu.memory_space<semaphore_mem>>) src(%dma_wait3A_47 : memref<40x128xi32, #tpu.memory_space<hbm>>) dst(%arg8 : memref<40x128xi32, #tpu.memory_space<vmem>>)
        tpu.yield
      }) : () -> ()
      %dma_start3A = arith.constant 0 : i32
      %dma_start3A_21 = arith.constant 0 : i32
      %dma_start3A_22 = arith.constant 0 : i32
      %dma_start3A_23 = arith.constant 0 : i32
      %dma_start3A_24 = tpu.memref_slice %arg9[%dma_start3A_21, %dma_start3A_22, %dma_start3A_23] : memref<2x128x128xf32, #tpu.memory_space<vmem>> -> memref<1x128x128xf32, #tpu.memory_space<vmem>>
      %dma_start3A_25 = tpu.memref_squeeze %dma_start3A_24 : memref<1x128x128xf32, #tpu.memory_space<vmem>> -> memref<128x128xf32, #tpu.memory_space<vmem>>
      %dma_start3A_26 = arith.constant 0 : i32
      %dma_start3A_27 = tpu.memref_slice %arg7[%dma_start3A, %dma_start3A_26] : memref<40x128xi32, #tpu.memory_space<vmem>> -> memref<1x128xi32, #tpu.memory_space<vmem>>
      %dma_start3A_28 = tpu.memref_squeeze %dma_start3A_27 : memref<1x128xi32, #tpu.memory_space<vmem>> -> memref<128xi32, #tpu.memory_space<vmem>>
      %dma_start3A_29 = arith.constant 0 : i32
      %dma_start3A_30 = arith.constant 0 : i32
      %dma_start3A_31 = tpu.memref_slice %arg2[%dma_start3A_29, %dma_start3A_30] : memref<10240x128xf32, #tpu.memory_space<hbm>> -> memref<10240x128xf32, #tpu.memory_space<hbm>>
      tpu.enqueue_indirect_dma source(%dma_start3A_31 : memref<10240x128xf32, #tpu.memory_space<hbm>>) target(%dma_start3A_25 : memref<128x128xf32, #tpu.memory_space<vmem>>) offsets(%dma_start3A_28 : memref<128xi32, #tpu.memory_space<vmem>>) semaphore(%arg11 : memref<!tpu.dma_semaphore, #tpu.memory_space<semaphore_mem>>)
      %scan3A_32 = arith.constant 0 : i32
      %scan3A_33 = arith.constant 0 : i32
      %scan3A_34 = arith.constant 20 : i32
      %scan3A_35 = arith.addi %scan3A_33, %scan3A_34 : i32
      %scan3A_36 = arith.constant 1 : i32
      %scan3A_37 = scf.for %scan3A_41 = %scan3A_33 to %scan3A_35 step %scan3A_36 iter_args(%scan3A_42 = %scan3A_32) -> (i32)  : i32 {
        %mul3A_43 = arith.constant 2 : i32
        %mul3A_44 = arith.muli %mul3A_43, %scan3A_41 : i32
        %add3A_45 = arith.constant 1 : i32
        %add3A_46 = arith.addi %mul3A_44, %add3A_45 : i32
        %dma_start3A_47 = arith.constant 1 : i32
        %dma_start3A_48 = arith.constant 0 : i32
        %dma_start3A_49 = arith.constant 0 : i32
        %dma_start3A_50 = tpu.memref_slice %arg9[%dma_start3A_47, %dma_start3A_48, %dma_start3A_49] : memref<2x128x128xf32, #tpu.memory_space<vmem>> -> memref<1x128x128xf32, #tpu.memory_space<vmem>>
        %dma_start3A_51 = tpu.memref_squeeze %dma_start3A_50 : memref<1x128x128xf32, #tpu.memory_space<vmem>> -> memref<128x128xf32, #tpu.memory_space<vmem>>
        %dma_start3A_52 = arith.constant 0 : i32
        %dma_start3A_53 = tpu.memref_slice %arg7[%add3A_46, %dma_start3A_52] : memref<40x128xi32, #tpu.memory_space<vmem>> -> memref<1x128xi32, #tpu.memory_space<vmem>>
        %dma_start3A_54 = tpu.memref_squeeze %dma_start3A_53 : memref<1x128xi32, #tpu.memory_space<vmem>> -> memref<128xi32, #tpu.memory_space<vmem>>
        %dma_start3A_55 = arith.constant 0 : i32
        %dma_start3A_56 = arith.constant 0 : i32
        %dma_start3A_57 = tpu.memref_slice %arg2[%dma_start3A_55, %dma_start3A_56] : memref<10240x128xf32, #tpu.memory_space<hbm>> -> memref<10240x128xf32, #tpu.memory_space<hbm>>
        tpu.enqueue_indirect_dma source(%dma_start3A_57 : memref<10240x128xf32, #tpu.memory_space<hbm>>) target(%dma_start3A_51 : memref<128x128xf32, #tpu.memory_space<vmem>>) offsets(%dma_start3A_54 : memref<128xi32, #tpu.memory_space<vmem>>) semaphore(%arg12 : memref<!tpu.dma_semaphore, #tpu.memory_space<semaphore_mem>>)
        %dma_wait3A = arith.constant 0 : i32
        %dma_wait3A_58 = arith.constant 0 : i32
        %dma_wait3A_59 = arith.constant 0 : i32
        %dma_wait3A_60 = arith.constant 0 : i32
        %dma_wait3A_61 = tpu.memref_slice %arg9[%dma_wait3A_58, %dma_wait3A_59, %dma_wait3A_60] : memref<2x128x128xf32, #tpu.memory_space<vmem>> -> memref<1x128x128xf32, #tpu.memory_space<vmem>>
        %dma_wait3A_62 = tpu.memref_squeeze %dma_wait3A_61 : memref<1x128x128xf32, #tpu.memory_space<vmem>> -> memref<128x128xf32, #tpu.memory_space<vmem>>
        %dma_wait3A_63 = arith.constant 0 : i32
        %dma_wait3A_64 = tpu.memref_slice %arg7[%dma_wait3A, %dma_wait3A_63] : memref<40x128xi32, #tpu.memory_space<vmem>> -> memref<1x128xi32, #tpu.memory_space<vmem>>
        %dma_wait3A_65 = tpu.memref_squeeze %dma_wait3A_64 : memref<1x128xi32, #tpu.memory_space<vmem>> -> memref<128xi32, #tpu.memory_space<vmem>>
        %dma_wait3A_66 = arith.constant 0 : i32
        %dma_wait3A_67 = arith.constant 0 : i32
        %dma_wait3A_68 = tpu.memref_slice %arg2[%dma_wait3A_66, %dma_wait3A_67] : memref<10240x128xf32, #tpu.memory_space<hbm>> -> memref<10240x128xf32, #tpu.memory_space<hbm>>
        tpu.wait_indirect_dma semaphore(%arg11 : memref<!tpu.dma_semaphore, #tpu.memory_space<semaphore_mem>>) src(%dma_wait3A_68 : memref<10240x128xf32, #tpu.memory_space<hbm>>) dst(%dma_wait3A_62 : memref<128x128xf32, #tpu.memory_space<vmem>>)
        %mul3A_69 = arith.constant 2 : i32
        %mul3A_70 = arith.muli %mul3A_69, %scan3A_41 : i32
        %run_scoped3A = arith.constant 0 : i32
        "tpu.region"() ({
          %run_scoped3A_93 = tpu.sem_alloc : memref<!tpu.dma_semaphore, #tpu.memory_space<semaphore_mem>>
          %dma_start3A_94 = arith.constant 0 : i32
          %dma_start3A_95 = arith.constant 0 : i32
          %dma_start3A_96 = tpu.memref_slice %arg9[%run_scoped3A, %dma_start3A_94, %dma_start3A_95] : memref<2x128x128xf32, #tpu.memory_space<vmem>> -> memref<1x128x128xf32, #tpu.memory_space<vmem>>
          %dma_start3A_97 = tpu.memref_squeeze %dma_start3A_96 : memref<1x128x128xf32, #tpu.memory_space<vmem>> -> memref<128x128xf32, #tpu.memory_space<vmem>>
          %dma_start3A_98 = arith.constant 0 : i32
          %dma_start3A_99 = tpu.memref_slice %arg8[%mul3A_70, %dma_start3A_98] : memref<40x128xi32, #tpu.memory_space<vmem>> -> memref<1x128xi32, #tpu.memory_space<vmem>>
          %dma_start3A_100 = tpu.memref_squeeze %dma_start3A_99 : memref<1x128xi32, #tpu.memory_space<vmem>> -> memref<128xi32, #tpu.memory_space<vmem>>
          %dma_start3A_101 = arith.constant 0 : i32
          %dma_start3A_102 = arith.constant 0 : i32
          %dma_start3A_103 = tpu.memref_slice %arg10[%dma_start3A_101, %dma_start3A_102] : memref<10240x128xf32, #tpu.memory_space<vmem_shared>> -> memref<10240x128xf32, #tpu.memory_space<vmem_shared>>
          tpu.enqueue_indirect_dma source(%dma_start3A_97 : memref<128x128xf32, #tpu.memory_space<vmem>>) target(%dma_start3A_103 : memref<10240x128xf32, #tpu.memory_space<vmem_shared>>) offsets(%dma_start3A_100 : memref<128xi32, #tpu.memory_space<vmem>>) semaphore(%run_scoped3A_93 : memref<!tpu.dma_semaphore, #tpu.memory_space<semaphore_mem>>) {add = true}
          %dma_wait3A_104 = arith.constant 0 : i32
          %dma_wait3A_105 = arith.constant 0 : i32
          %dma_wait3A_106 = tpu.memref_slice %arg9[%run_scoped3A, %dma_wait3A_104, %dma_wait3A_105] : memref<2x128x128xf32, #tpu.memory_space<vmem>> -> memref<1x128x128xf32, #tpu.memory_space<vmem>>
          %dma_wait3A_107 = tpu.memref_squeeze %dma_wait3A_106 : memref<1x128x128xf32, #tpu.memory_space<vmem>> -> memref<128x128xf32, #tpu.memory_space<vmem>>
          %dma_wait3A_108 = arith.constant 0 : i32
          %dma_wait3A_109 = tpu.memref_slice %arg8[%mul3A_70, %dma_wait3A_108] : memref<40x128xi32, #tpu.memory_space<vmem>> -> memref<1x128xi32, #tpu.memory_space<vmem>>
          %dma_wait3A_110 = tpu.memref_squeeze %dma_wait3A_109 : memref<1x128xi32, #tpu.memory_space<vmem>> -> memref<128xi32, #tpu.memory_space<vmem>>
          %dma_wait3A_111 = arith.constant 0 : i32
          %dma_wait3A_112 = arith.constant 0 : i32
          %dma_wait3A_113 = tpu.memref_slice %arg10[%dma_wait3A_111, %dma_wait3A_112] : memref<10240x128xf32, #tpu.memory_space<vmem_shared>> -> memref<10240x128xf32, #tpu.memory_space<vmem_shared>>
          tpu.wait_indirect_dma semaphore(%run_scoped3A_93 : memref<!tpu.dma_semaphore, #tpu.memory_space<semaphore_mem>>) src(%dma_wait3A_107 : memref<128x128xf32, #tpu.memory_space<vmem>>) dst(%dma_wait3A_113 : memref<10240x128xf32, #tpu.memory_space<vmem_shared>>)
          tpu.yield
        }) : () -> ()
        %lt3A = arith.constant 19 : i32
        %lt3A_71 = arith.cmpi slt, %scan3A_41, %lt3A : i32
        %convert_element_type3A_72 = arith.extui %lt3A_71 : i1 to i32
        %cond3A_73 = arith.constant 0 : i32
        %cond3A_74 = arith.cmpi ne, %convert_element_type3A_72, %cond3A_73 : i32
        scf.if %cond3A_74 {
          %mul3A_93 = arith.constant 2 : i32
          %mul3A_94 = arith.muli %mul3A_93, %scan3A_41 : i32
          %add3A_95 = arith.constant 2 : i32
          %add3A_96 = arith.addi %mul3A_94, %add3A_95 : i32
          %dma_start3A_97 = arith.constant 0 : i32
          %dma_start3A_98 = arith.constant 0 : i32
          %dma_start3A_99 = arith.constant 0 : i32
          %dma_start3A_100 = tpu.memref_slice %arg9[%dma_start3A_97, %dma_start3A_98, %dma_start3A_99] : memref<2x128x128xf32, #tpu.memory_space<vmem>> -> memref<1x128x128xf32, #tpu.memory_space<vmem>>
          %dma_start3A_101 = tpu.memref_squeeze %dma_start3A_100 : memref<1x128x128xf32, #tpu.memory_space<vmem>> -> memref<128x128xf32, #tpu.memory_space<vmem>>
          %dma_start3A_102 = arith.constant 0 : i32
          %dma_start3A_103 = tpu.memref_slice %arg7[%add3A_96, %dma_start3A_102] : memref<40x128xi32, #tpu.memory_space<vmem>> -> memref<1x128xi32, #tpu.memory_space<vmem>>
          %dma_start3A_104 = tpu.memref_squeeze %dma_start3A_103 : memref<1x128xi32, #tpu.memory_space<vmem>> -> memref<128xi32, #tpu.memory_space<vmem>>
          %dma_start3A_105 = arith.constant 0 : i32
          %dma_start3A_106 = arith.constant 0 : i32
          %dma_start3A_107 = tpu.memref_slice %arg2[%dma_start3A_105, %dma_start3A_106] : memref<10240x128xf32, #tpu.memory_space<hbm>> -> memref<10240x128xf32, #tpu.memory_space<hbm>>
          tpu.enqueue_indirect_dma source(%dma_start3A_107 : memref<10240x128xf32, #tpu.memory_space<hbm>>) target(%dma_start3A_101 : memref<128x128xf32, #tpu.memory_space<vmem>>) offsets(%dma_start3A_104 : memref<128xi32, #tpu.memory_space<vmem>>) semaphore(%arg11 : memref<!tpu.dma_semaphore, #tpu.memory_space<semaphore_mem>>)
        } else {
        }
        %dma_wait3A_75 = arith.constant 0 : i32
        %dma_wait3A_76 = arith.constant 1 : i32
        %dma_wait3A_77 = arith.constant 0 : i32
        %dma_wait3A_78 = arith.constant 0 : i32
        %dma_wait3A_79 = tpu.memref_slice %arg9[%dma_wait3A_76, %dma_wait3A_77, %dma_wait3A_78] : memref<2x128x128xf32, #tpu.memory_space<vmem>> -> memref<1x128x128xf32, #tpu.memory_space<vmem>>
        %dma_wait3A_80 = tpu.memref_squeeze %dma_wait3A_79 : memref<1x128x128xf32, #tpu.memory_space<vmem>> -> memref<128x128xf32, #tpu.memory_space<vmem>>
        %dma_wait3A_81 = arith.constant 0 : i32
        %dma_wait3A_82 = tpu.memref_slice %arg7[%dma_wait3A_75, %dma_wait3A_81] : memref<40x128xi32, #tpu.memory_space<vmem>> -> memref<1x128xi32, #tpu.memory_space<vmem>>
        %dma_wait3A_83 = tpu.memref_squeeze %dma_wait3A_82 : memref<1x128xi32, #tpu.memory_space<vmem>> -> memref<128xi32, #tpu.memory_space<vmem>>
        %dma_wait3A_84 = arith.constant 0 : i32
        %dma_wait3A_85 = arith.constant 0 : i32
        %dma_wait3A_86 = tpu.memref_slice %arg2[%dma_wait3A_84, %dma_wait3A_85] : memref<10240x128xf32, #tpu.memory_space<hbm>> -> memref<10240x128xf32, #tpu.memory_space<hbm>>
        tpu.wait_indirect_dma semaphore(%arg12 : memref<!tpu.dma_semaphore, #tpu.memory_space<semaphore_mem>>) src(%dma_wait3A_86 : memref<10240x128xf32, #tpu.memory_space<hbm>>) dst(%dma_wait3A_80 : memref<128x128xf32, #tpu.memory_space<vmem>>)
        %mul3A_87 = arith.constant 2 : i32
        %mul3A_88 = arith.muli %mul3A_87, %scan3A_41 : i32
        %add3A_89 = arith.constant 1 : i32
        %add3A_90 = arith.addi %mul3A_88, %add3A_89 : i32
        %run_scoped3A_91 = arith.constant 1 : i32
        "tpu.region"() ({
          %run_scoped3A_93 = tpu.sem_alloc : memref<!tpu.dma_semaphore, #tpu.memory_space<semaphore_mem>>
          %dma_start3A_94 = arith.constant 0 : i32
          %dma_start3A_95 = arith.constant 0 : i32
          %dma_start3A_96 = tpu.memref_slice %arg9[%run_scoped3A_91, %dma_start3A_94, %dma_start3A_95] : memref<2x128x128xf32, #tpu.memory_space<vmem>> -> memref<1x128x128xf32, #tpu.memory_space<vmem>>
          %dma_start3A_97 = tpu.memref_squeeze %dma_start3A_96 : memref<1x128x128xf32, #tpu.memory_space<vmem>> -> memref<128x128xf32, #tpu.memory_space<vmem>>
          %dma_start3A_98 = arith.constant 0 : i32
          %dma_start3A_99 = tpu.memref_slice %arg8[%add3A_90, %dma_start3A_98] : memref<40x128xi32, #tpu.memory_space<vmem>> -> memref<1x128xi32, #tpu.memory_space<vmem>>
          %dma_start3A_100 = tpu.memref_squeeze %dma_start3A_99 : memref<1x128xi32, #tpu.memory_space<vmem>> -> memref<128xi32, #tpu.memory_space<vmem>>
          %dma_start3A_101 = arith.constant 0 : i32
          %dma_start3A_102 = arith.constant 0 : i32
          %dma_start3A_103 = tpu.memref_slice %arg10[%dma_start3A_101, %dma_start3A_102] : memref<10240x128xf32, #tpu.memory_space<vmem_shared>> -> memref<10240x128xf32, #tpu.memory_space<vmem_shared>>
          tpu.enqueue_indirect_dma source(%dma_start3A_97 : memref<128x128xf32, #tpu.memory_space<vmem>>) target(%dma_start3A_103 : memref<10240x128xf32, #tpu.memory_space<vmem_shared>>) offsets(%dma_start3A_100 : memref<128xi32, #tpu.memory_space<vmem>>) semaphore(%run_scoped3A_93 : memref<!tpu.dma_semaphore, #tpu.memory_space<semaphore_mem>>) {add = true}
          %dma_wait3A_104 = arith.constant 0 : i32
          %dma_wait3A_105 = arith.constant 0 : i32
          %dma_wait3A_106 = tpu.memref_slice %arg9[%run_scoped3A_91, %dma_wait3A_104, %dma_wait3A_105] : memref<2x128x128xf32, #tpu.memory_space<vmem>> -> memref<1x128x128xf32, #tpu.memory_space<vmem>>
          %dma_wait3A_107 = tpu.memref_squeeze %dma_wait3A_106 : memref<1x128x128xf32, #tpu.memory_space<vmem>> -> memref<128x128xf32, #tpu.memory_space<vmem>>
          %dma_wait3A_108 = arith.constant 0 : i32
          %dma_wait3A_109 = tpu.memref_slice %arg8[%add3A_90, %dma_wait3A_108] : memref<40x128xi32, #tpu.memory_space<vmem>> -> memref<1x128xi32, #tpu.memory_space<vmem>>
          %dma_wait3A_110 = tpu.memref_squeeze %dma_wait3A_109 : memref<1x128xi32, #tpu.memory_space<vmem>> -> memref<128xi32, #tpu.memory_space<vmem>>
          %dma_wait3A_111 = arith.constant 0 : i32
          %dma_wait3A_112 = arith.constant 0 : i32
          %dma_wait3A_113 = tpu.memref_slice %arg10[%dma_wait3A_111, %dma_wait3A_112] : memref<10240x128xf32, #tpu.memory_space<vmem_shared>> -> memref<10240x128xf32, #tpu.memory_space<vmem_shared>>
          tpu.wait_indirect_dma semaphore(%run_scoped3A_93 : memref<!tpu.dma_semaphore, #tpu.memory_space<semaphore_mem>>) src(%dma_wait3A_107 : memref<128x128xf32, #tpu.memory_space<vmem>>) dst(%dma_wait3A_113 : memref<10240x128xf32, #tpu.memory_space<vmem_shared>>)
          tpu.yield
        }) : () -> ()
        %scan3A_92 = arith.constant 0 : i32
        scf.yield %scan3A_92 : i32
      }
      %scan3A_38 = arith.constant 20 : i32
      %scan3A_39 = arith.constant 0 : i32
      %scan3A_40 = arith.constant 1 : i32
    } else {
    }
    %barrier3A_10 = arith.constant 0 : index
    tpu.barrier barrier_id(%barrier3A_10)
    %mul3A_11 = arith.constant 640 : i32
    %mul3A_12 = arith.muli %arg1, %mul3A_11 : i32
    "tpu.region"() ({
      %run_scoped3A = tpu.sem_alloc : memref<!tpu.dma_semaphore, #tpu.memory_space<semaphore_mem>>
      %dma_start3A = arith.constant 0 : i32
      %dma_start3A_13 = tpu.memref_slice %arg6[%arg0, %mul3A_12, %dma_start3A] : memref<2x10240x128xf32, #tpu.memory_space<hbm>> -> memref<1x640x128xf32, #tpu.memory_space<hbm>>
      %dma_start3A_14 = tpu.memref_squeeze %dma_start3A_13 : memref<1x640x128xf32, #tpu.memory_space<hbm>> -> memref<640x128xf32, #tpu.memory_space<hbm>>
      %dma_start3A_15 = arith.constant 0 : i32
      %dma_start3A_16 = tpu.memref_slice %arg10[%mul3A_12, %dma_start3A_15] : memref<10240x128xf32, #tpu.memory_space<vmem_shared>> -> memref<640x128xf32, #tpu.memory_space<vmem_shared>>
      tpu.enqueue_dma source(%dma_start3A_16 : memref<640x128xf32, #tpu.memory_space<vmem_shared>>) target(%dma_start3A_14 : memref<640x128xf32, #tpu.memory_space<hbm>>) target_semaphore(%run_scoped3A : memref<!tpu.dma_semaphore, #tpu.memory_space<semaphore_mem>>)
      %dma_wait3A = arith.constant 0 : i32
      %dma_wait3A_17 = tpu.memref_slice %arg6[%arg0, %mul3A_12, %dma_wait3A] : memref<2x10240x128xf32, #tpu.memory_space<hbm>> -> memref<1x640x128xf32, #tpu.memory_space<hbm>>
      %dma_wait3A_18 = tpu.memref_squeeze %dma_wait3A_17 : memref<1x640x128xf32, #tpu.memory_space<hbm>> -> memref<640x128xf32, #tpu.memory_space<hbm>>
      %dma_wait3A_19 = arith.constant 0 : i32
      %dma_wait3A_20 = tpu.memref_slice %arg10[%mul3A_12, %dma_wait3A_19] : memref<10240x128xf32, #tpu.memory_space<vmem_shared>> -> memref<640x128xf32, #tpu.memory_space<vmem_shared>>
      tpu.wait_dma2 semaphore(%run_scoped3A : memref<!tpu.dma_semaphore, #tpu.memory_space<semaphore_mem>>) src(%dma_wait3A_20 : memref<640x128xf32, #tpu.memory_space<vmem_shared>>) dst(%dma_wait3A_18 : memref<640x128xf32, #tpu.memory_space<hbm>>)
      tpu.yield
    }) : () -> ()
    return
  }
}

module attributes {stable_mosaic.version = 14 : i64} {
  func.func @_prep_body(%arg0: memref<80x128xf32, #tpu.memory_space<vmem>>, %arg1: memref<80x128xf32, #tpu.memory_space<vmem>>, %arg2: memref<80x128xf32, #tpu.memory_space<vmem>>) attributes {dimension_semantics = [], scalar_prefetch = 0 : i64, scratch_operands = 0 : i64, tpu.core_type = #tpu.core_type<tc>} {
    %get3A = arith.constant 0 : index
    %get3A_0 = arith.constant 0 : index
    %get3A_1 = vector.load %arg0[%get3A, %get3A_0] : memref<80x128xf32, #tpu.memory_space<vmem>>, vector<80x128xf32>
    %get3A_2 = arith.constant 0 : index
    %get3A_3 = arith.constant 0 : index
    %get3A_4 = vector.load %arg1[%get3A_2, %get3A_3] : memref<80x128xf32, #tpu.memory_space<vmem>>, vector<80x128xf32>
    %add3A = arith.addf %get3A_1, %get3A_4 : vector<80x128xf32>
    %add3A_5 = arith.constant 1.000000e+00 : f32
    %add3A_6 = vector.broadcast %add3A_5 : f32 to vector<80x128xf32>
    %add3A_7 = arith.addf %add3A, %add3A_6 : vector<80x128xf32>
    %rsqrt3A = math.rsqrt %add3A_7 : vector<80x128xf32>
    %swap3A = arith.constant 0 : index
    %swap3A_8 = arith.constant 0 : index
    %swap3A_9 = vector.load %arg2[%swap3A, %swap3A_8] : memref<80x128xf32, #tpu.memory_space<vmem>>, vector<80x128xf32>
    tpu.vector_store %arg2[%swap3A, %swap3A_8], %rsqrt3A {strides = array<i32>} : memref<80x128xf32, #tpu.memory_space<vmem>>, vector<80x128xf32>,
    return
  }
}

module attributes {stable_mosaic.version = 14 : i64} {
  func.func @_t1_body(%arg0: i32, %arg1: memref<1280x128xf32, #tpu.memory_space<vmem>>, %arg2: memref<1280x128xf32, #tpu.memory_space<vmem>>, %arg3: memref<128x128xf32, #tpu.memory_space<vmem>>, %arg4: memref<1280x128xf32, #tpu.memory_space<vmem>>) attributes {dimension_semantics = [#tpu.dimension_semantics<arbitrary>], iteration_bounds = array<i64: 8>, scalar_prefetch = 0 : i64, scratch_operands = 0 : i64, tpu.core_type = #tpu.core_type<tc>, window_params = [{transform_indices = @transform_0, window_bounds = array<i64: 1280, 128>}, {transform_indices = @transform_1, window_bounds = array<i64: 1280, 128>}, {pipeline_mode = #tpu.pipeline_mode<synchronous>, transform_indices = @transform_2, window_bounds = array<i64: 128, 128>}, {transform_indices = @transform_3, window_bounds = array<i64: 1280, 128>}]} {
    %get3A = arith.constant 0 : index
    %get3A_0 = arith.constant 0 : index
    %get3A_1 = vector.load %arg1[%get3A, %get3A_0] : memref<1280x128xf32, #tpu.memory_space<vmem>>, vector<1280x128xf32>
    %get3A_2 = arith.constant 0 : index
    %get3A_3 = arith.constant 0 : index
    %get3A_4 = vector.load %arg2[%get3A_2, %get3A_3] : memref<1280x128xf32, #tpu.memory_space<vmem>>, vector<1280x128xf32>
    %mul3A = arith.mulf %get3A_1, %get3A_4 : vector<1280x128xf32>
    %get3A_5 = arith.constant 0 : index
    %get3A_6 = arith.constant 0 : index
    %get3A_7 = vector.load %arg3[%get3A_5, %get3A_6] : memref<128x128xf32, #tpu.memory_space<vmem>>, vector<128x128xf32>
    %dot_general3A = arith.constant dense<0.000000e+00> : vector<1280x128xf32>
    %dot_general3A_8 = tpu.matmul %mul3A, %get3A_7, %dot_general3A {dimension_numbers = #tpu.dot_dimension_numbers<[1], [0], [0], [1], [0, 0, 1, 1], [], []>, transpose_lhs_hint = false} : vector<1280x128xf32>, vector<128x128xf32>, vector<1280x128xf32> -> vector<1280x128xf32>
    %mul3A_9 = arith.constant 1280 : i32
    %mul3A_10 = arith.muli %arg0, %mul3A_9 : i32
    %iota3A = tpu.iota {dimensions = array<i32: 0>} : vector<1280x128xi32>
    %add3A = vector.broadcast %mul3A_10 : i32 to vector<1280x128xi32>
    %add3A_11 = arith.addi %add3A, %iota3A : vector<1280x128xi32>
    %lt3A = arith.constant 10000 : i32
    %lt3A_12 = vector.broadcast %lt3A : i32 to vector<1280x128xi32>
    %lt3A_13 = arith.cmpi slt, %add3A_11, %lt3A_12 : vector<1280x128xi32>
    %jit3A = arith.constant 0.000000e+00 : f32
    %broadcast_in_dim3A = vector.broadcast %jit3A : f32 to vector<1280x128xf32>
    %select_n3A = arith.select %lt3A_13, %dot_general3A_8, %broadcast_in_dim3A : vector<1280x128xi1>, vector<1280x128xf32>
    %swap3A = arith.constant 0 : index
    %swap3A_14 = arith.constant 0 : index
    %swap3A_15 = vector.load %arg4[%swap3A, %swap3A_14] : memref<1280x128xf32, #tpu.memory_space<vmem>>, vector<1280x128xf32>
    tpu.vector_store %arg4[%swap3A, %swap3A_14], %select_n3A {strides = array<i32>} : memref<1280x128xf32, #tpu.memory_space<vmem>>, vector<1280x128xf32>,
    return
  }
  func.func @transform_0(%arg0: i32) -> (i32, i32) {
    %c0_i32 = arith.constant 0 : i32
    %c0_i32_0 = arith.constant 0 : i32
    return %arg0, %c0_i32 : i32, i32
  }
  func.func @transform_1(%arg0: i32) -> (i32, i32) {
    %c0_i32 = arith.constant 0 : i32
    %c0_i32_0 = arith.constant 0 : i32
    return %arg0, %c0_i32 : i32, i32
  }
  func.func @transform_2(%arg0: i32) -> (i32, i32) {
    %c0_i32 = arith.constant 0 : i32
    %c0_i32_0 = arith.constant 0 : i32
    %c0_i32_1 = arith.constant 0 : i32
    return %c0_i32, %c0_i32_0 : i32, i32
  }
  func.func @transform_3(%arg0: i32) -> (i32, i32) {
    %c0_i32 = arith.constant 0 : i32
    %c0_i32_0 = arith.constant 0 : i32
    return %arg0, %c0_i32 : i32, i32
  }
}

module attributes {stable_mosaic.version = 14 : i64} {
  func.func @_t2_body(%arg0: i32, %arg1: memref<2x1280x128xf32, #tpu.memory_space<vmem>>, %arg2: memref<1280x128xf32, #tpu.memory_space<vmem>>, %arg3: memref<1280x128xf32, #tpu.memory_space<vmem>>, %arg4: memref<1x128xf32, #tpu.memory_space<vmem>>, %arg5: memref<1x1x1280xi32, #tpu.memory_space<vmem>>, %arg6: memref<1280x128xf32, #tpu.memory_space<vmem>>, %arg7: memref<16x128xf32, #tpu.memory_space<vmem>>, %arg8: memref<16x128xf32, #tpu.memory_space<vmem>>) attributes {dimension_semantics = [#tpu.dimension_semantics<arbitrary>], iteration_bounds = array<i64: 8>, scalar_prefetch = 0 : i64, scratch_operands = 0 : i64, tpu.core_type = #tpu.core_type<tc>, window_params = [{transform_indices = @transform_0, window_bounds = array<i64: 2, 1280, 128>}, {transform_indices = @transform_1, window_bounds = array<i64: 1280, 128>}, {transform_indices = @transform_2, window_bounds = array<i64: 1280, 128>}, {pipeline_mode = #tpu.pipeline_mode<synchronous>, transform_indices = @transform_3, window_bounds = array<i64: 1, 128>}, {transform_indices = @transform_4, window_bounds = array<i64: 1, 1, 1280>}, {transform_indices = @transform_5, window_bounds = array<i64: 1280, 128>}, {pipeline_mode = #tpu.pipeline_mode<synchronous>, transform_indices = @transform_6, window_bounds = array<i64: 16, 128>}, {pipeline_mode = #tpu.pipeline_mode<synchronous>, transform_indices = @transform_7, window_bounds = array<i64: 16, 128>}]} {
    %get3A = arith.constant 0 : index
    %get3A_0 = arith.constant 0 : index
    %get3A_1 = vector.load %arg3[%get3A, %get3A_0] : memref<1280x128xf32, #tpu.memory_space<vmem>>, vector<1280x128xf32>
    %get3A_2 = arith.constant 0 : index
    %get3A_3 = arith.constant 0 : index
    %get3A_4 = arith.constant 0 : index
    %get3A_5 = vector.load %arg1[%get3A_2, %get3A_3, %get3A_4] : memref<2x1280x128xf32, #tpu.memory_space<vmem>>, vector<1x1280x128xf32>
    %get3A_6 = vector.shape_cast %get3A_5 : vector<1x1280x128xf32> to vector<1280x128xf32>
    %get3A_7 = arith.constant 1 : index
    %get3A_8 = arith.constant 0 : index
    %get3A_9 = arith.constant 0 : index
    %get3A_10 = vector.load %arg1[%get3A_7, %get3A_8, %get3A_9] : memref<2x1280x128xf32, #tpu.memory_space<vmem>>, vector<1x1280x128xf32>
    %get3A_11 = vector.shape_cast %get3A_10 : vector<1x1280x128xf32> to vector<1280x128xf32>
    %add3A = arith.addf %get3A_6, %get3A_11 : vector<1280x128xf32>
    %get3A_12 = arith.constant 0 : index
    %get3A_13 = arith.constant 0 : index
    %get3A_14 = vector.load %arg2[%get3A_12, %get3A_13] : memref<1280x128xf32, #tpu.memory_space<vmem>>, vector<1280x128xf32>
    %add3A_15 = arith.addf %add3A, %get3A_14 : vector<1280x128xf32>
    %mul3A = arith.mulf %get3A_1, %add3A_15 : vector<1280x128xf32>
    %get3A_16 = arith.constant 0 : index
    %get3A_17 = arith.constant 0 : index
    %get3A_18 = vector.load %arg4[%get3A_16, %get3A_17] : memref<1x128xf32, #tpu.memory_space<vmem>>, vector<1x128xf32>
    %add3A_19 = vector.broadcast %get3A_18 : vector<1x128xf32> to vector<1280x128xf32>
    %add3A_20 = arith.addf %mul3A, %add3A_19 : vector<1280x128xf32>
    %max3A = arith.constant 0.000000e+00 : f32
    %max3A_21 = vector.broadcast %max3A : f32 to vector<1280x128xf32>
    %max3A_22 = arith.maximumf %add3A_20, %max3A_21 : vector<1280x128xf32>
    %mul3A_23 = arith.constant 1280 : i32
    %mul3A_24 = arith.muli %arg0, %mul3A_23 : i32
    %iota3A = tpu.iota {dimensions = array<i32: 0>} : vector<1280x128xi32>
    %add3A_25 = vector.broadcast %mul3A_24 : i32 to vector<1280x128xi32>
    %add3A_26 = arith.addi %add3A_25, %iota3A : vector<1280x128xi32>
    %lt3A = arith.constant 10000 : i32
    %lt3A_27 = vector.broadcast %lt3A : i32 to vector<1280x128xi32>
    %lt3A_28 = arith.cmpi slt, %add3A_26, %lt3A_27 : vector<1280x128xi32>
    %jit3A = arith.constant 0.000000e+00 : f32
    %broadcast_in_dim3A = vector.broadcast %jit3A : f32 to vector<1280x128xf32>
    %select_n3A = arith.select %lt3A_28, %max3A_22, %broadcast_in_dim3A : vector<1280x128xi1>, vector<1280x128xf32>
    %swap3A = arith.constant 0 : index
    %swap3A_29 = arith.constant 0 : index
    %swap3A_30 = vector.load %arg6[%swap3A, %swap3A_29] : memref<1280x128xf32, #tpu.memory_space<vmem>>, vector<1280x128xf32>
    tpu.vector_store %arg6[%swap3A, %swap3A_29], %select_n3A {strides = array<i32>} : memref<1280x128xf32, #tpu.memory_space<vmem>>, vector<1280x128xf32>,
    %get3A_31 = arith.constant 0 : index
    %get3A_32 = arith.constant 0 : index
    %get3A_33 = arith.constant 0 : index
    %get3A_34 = vector.load %arg5[%get3A_31, %get3A_32, %get3A_33] : memref<1x1x1280xi32, #tpu.memory_space<vmem>>, vector<1x1x1280xi32>
    %get3A_35 = vector.shape_cast %get3A_34 : vector<1x1x1280xi32> to vector<1280xi32>
    %iota3A_36 = tpu.iota {dimensions = array<i32: 0>} : vector<16x1280xi32>
    %broadcast_in_dim3A_37 = vector.shape_cast %get3A_35 : vector<1280xi32> to vector<1x1280xi32>
    %eq3A = vector.broadcast %broadcast_in_dim3A_37 : vector<1x1280xi32> to vector<16x1280xi32>
    %eq3A_38 = arith.cmpi eq, %iota3A_36, %eq3A : vector<16x1280xi32>
    %convert_element_type3A = arith.extui %eq3A_38 : vector<16x1280xi1> to vector<16x1280xi32>
    %convert_element_type3A_39 = arith.sitofp %convert_element_type3A : vector<16x1280xi32> to vector<16x1280xf32>
    %dot_general3A = arith.constant dense<0.000000e+00> : vector<16x128xf32>
    %dot_general3A_40 = tpu.matmul %convert_element_type3A_39, %select_n3A, %dot_general3A {dimension_numbers = #tpu.dot_dimension_numbers<[1], [0], [0], [1], [0, 0, 1, 1], [], []>, transpose_lhs_hint = false} : vector<16x1280xf32>, vector<1280x128xf32>, vector<16x128xf32> -> vector<16x128xf32>
    %reduce_sum3A = arith.constant dense<0.000000e+00> : vector<16xf32>
    %reduce_sum3A_41 = vector.multi_reduction <add>, %convert_element_type3A_39, %reduce_sum3A [1] : vector<16x1280xf32> to vector<16xf32>
    %broadcast_in_dim3A_42 = vector.shape_cast %reduce_sum3A_41 : vector<16xf32> to vector<16x1xf32>
    %broadcast_in_dim3A_43 = vector.shape_cast %broadcast_in_dim3A_42 : vector<16x1xf32> to vector<16x1xf32>
    %broadcast_in_dim3A_44 = vector.broadcast %broadcast_in_dim3A_43 : vector<16x1xf32> to vector<16x128xf32>
    %eq3A_45 = arith.constant 0 : i32
    %eq3A_46 = arith.cmpi eq, %arg0, %eq3A_45 : i32
    %convert_element_type3A_47 = arith.extui %eq3A_46 : i1 to i32
    %cond3A = arith.constant 0 : i32
    %cond3A_48 = arith.cmpi ne, %convert_element_type3A_47, %cond3A : i32
    scf.if %cond3A_48 {
      %broadcast_in_dim3A_63 = arith.constant 0.000000e+00 : f32
      %broadcast_in_dim3A_64 = vector.broadcast %broadcast_in_dim3A_63 : f32 to vector<16x128xf32>
      %swap3A_65 = arith.constant 0 : index
      %swap3A_66 = arith.constant 0 : index
      %swap3A_67 = vector.load %arg7[%swap3A_65, %swap3A_66] : memref<16x128xf32, #tpu.memory_space<vmem>>, vector<16x128xf32>
      tpu.vector_store %arg7[%swap3A_65, %swap3A_66], %broadcast_in_dim3A_64 {strides = array<i32>} : memref<16x128xf32, #tpu.memory_space<vmem>>, vector<16x128xf32>,
      %broadcast_in_dim3A_68 = arith.constant 0.000000e+00 : f32
      %broadcast_in_dim3A_69 = vector.broadcast %broadcast_in_dim3A_68 : f32 to vector<16x128xf32>
      %swap3A_70 = arith.constant 0 : index
      %swap3A_71 = arith.constant 0 : index
      %swap3A_72 = vector.load %arg8[%swap3A_70, %swap3A_71] : memref<16x128xf32, #tpu.memory_space<vmem>>, vector<16x128xf32>
      tpu.vector_store %arg8[%swap3A_70, %swap3A_71], %broadcast_in_dim3A_69 {strides = array<i32>} : memref<16x128xf32, #tpu.memory_space<vmem>>, vector<16x128xf32>,
    } else {
    }
    %get3A_49 = arith.constant 0 : index
    %get3A_50 = arith.constant 0 : index
    %get3A_51 = vector.load %arg7[%get3A_49, %get3A_50] : memref<16x128xf32, #tpu.memory_space<vmem>>, vector<16x128xf32>
    %add3A_52 = arith.addf %get3A_51, %dot_general3A_40 : vector<16x128xf32>
    %swap3A_53 = arith.constant 0 : index
    %swap3A_54 = arith.constant 0 : index
    %swap3A_55 = vector.load %arg7[%swap3A_53, %swap3A_54] : memref<16x128xf32, #tpu.memory_space<vmem>>, vector<16x128xf32>
    tpu.vector_store %arg7[%swap3A_53, %swap3A_54], %add3A_52 {strides = array<i32>} : memref<16x128xf32, #tpu.memory_space<vmem>>, vector<16x128xf32>,
    %get3A_56 = arith.constant 0 : index
    %get3A_57 = arith.constant 0 : index
    %get3A_58 = vector.load %arg8[%get3A_56, %get3A_57] : memref<16x128xf32, #tpu.memory_space<vmem>>, vector<16x128xf32>
    %add3A_59 = arith.addf %get3A_58, %broadcast_in_dim3A_44 : vector<16x128xf32>
    %swap3A_60 = arith.constant 0 : index
    %swap3A_61 = arith.constant 0 : index
    %swap3A_62 = vector.load %arg8[%swap3A_60, %swap3A_61] : memref<16x128xf32, #tpu.memory_space<vmem>>, vector<16x128xf32>
    tpu.vector_store %arg8[%swap3A_60, %swap3A_61], %add3A_59 {strides = array<i32>} : memref<16x128xf32, #tpu.memory_space<vmem>>, vector<16x128xf32>,
    return
  }
  func.func @transform_0(%arg0: i32) -> (i32, i32, i32) {
    %c0_i32 = arith.constant 0 : i32
    %c0_i32_0 = arith.constant 0 : i32
    %c0_i32_1 = arith.constant 0 : i32
    return %c0_i32, %arg0, %c0_i32_0 : i32, i32, i32
  }
  func.func @transform_1(%arg0: i32) -> (i32, i32) {
    %c0_i32 = arith.constant 0 : i32
    %c0_i32_0 = arith.constant 0 : i32
    return %arg0, %c0_i32 : i32, i32
  }
  func.func @transform_2(%arg0: i32) -> (i32, i32) {
    %c0_i32 = arith.constant 0 : i32
    %c0_i32_0 = arith.constant 0 : i32
    return %arg0, %c0_i32 : i32, i32
  }
  func.func @transform_3(%arg0: i32) -> (i32, i32) {
    %c0_i32 = arith.constant 0 : i32
    %c0_i32_0 = arith.constant 0 : i32
    %c0_i32_1 = arith.constant 0 : i32
    return %c0_i32, %c0_i32_0 : i32, i32
  }
  func.func @transform_4(%arg0: i32) -> (i32, i32, i32) {
    %c0_i32 = arith.constant 0 : i32
    %c0_i32_0 = arith.constant 0 : i32
    %c0_i32_1 = arith.constant 0 : i32
    return %arg0, %c0_i32, %c0_i32_0 : i32, i32, i32
  }
  func.func @transform_5(%arg0: i32) -> (i32, i32) {
    %c0_i32 = arith.constant 0 : i32
    %c0_i32_0 = arith.constant 0 : i32
    return %arg0, %c0_i32 : i32, i32
  }
  func.func @transform_6(%arg0: i32) -> (i32, i32) {
    %c0_i32 = arith.constant 0 : i32
    %c0_i32_0 = arith.constant 0 : i32
    %c0_i32_1 = arith.constant 0 : i32
    return %c0_i32, %c0_i32_0 : i32, i32
  }
  func.func @transform_7(%arg0: i32) -> (i32, i32) {
    %c0_i32 = arith.constant 0 : i32
    %c0_i32_0 = arith.constant 0 : i32
    %c0_i32_1 = arith.constant 0 : i32
    return %c0_i32, %c0_i32_0 : i32, i32
  }
}

module attributes {stable_mosaic.version = 14 : i64} {
  func.func @_t1_body(%arg0: i32, %arg1: memref<1280x128xf32, #tpu.memory_space<vmem>>, %arg2: memref<1280x128xf32, #tpu.memory_space<vmem>>, %arg3: memref<128x128xf32, #tpu.memory_space<vmem>>, %arg4: memref<1280x128xf32, #tpu.memory_space<vmem>>) attributes {dimension_semantics = [#tpu.dimension_semantics<arbitrary>], iteration_bounds = array<i64: 8>, scalar_prefetch = 0 : i64, scratch_operands = 0 : i64, tpu.core_type = #tpu.core_type<tc>, window_params = [{transform_indices = @transform_0, window_bounds = array<i64: 1280, 128>}, {transform_indices = @transform_1, window_bounds = array<i64: 1280, 128>}, {pipeline_mode = #tpu.pipeline_mode<synchronous>, transform_indices = @transform_2, window_bounds = array<i64: 128, 128>}, {transform_indices = @transform_3, window_bounds = array<i64: 1280, 128>}]} {
    %get3A = arith.constant 0 : index
    %get3A_0 = arith.constant 0 : index
    %get3A_1 = vector.load %arg1[%get3A, %get3A_0] : memref<1280x128xf32, #tpu.memory_space<vmem>>, vector<1280x128xf32>
    %get3A_2 = arith.constant 0 : index
    %get3A_3 = arith.constant 0 : index
    %get3A_4 = vector.load %arg2[%get3A_2, %get3A_3] : memref<1280x128xf32, #tpu.memory_space<vmem>>, vector<1280x128xf32>
    %mul3A = arith.mulf %get3A_1, %get3A_4 : vector<1280x128xf32>
    %get3A_5 = arith.constant 0 : index
    %get3A_6 = arith.constant 0 : index
    %get3A_7 = vector.load %arg3[%get3A_5, %get3A_6] : memref<128x128xf32, #tpu.memory_space<vmem>>, vector<128x128xf32>
    %dot_general3A = arith.constant dense<0.000000e+00> : vector<1280x128xf32>
    %dot_general3A_8 = tpu.matmul %mul3A, %get3A_7, %dot_general3A {dimension_numbers = #tpu.dot_dimension_numbers<[1], [0], [0], [1], [0, 0, 1, 1], [], []>, transpose_lhs_hint = false} : vector<1280x128xf32>, vector<128x128xf32>, vector<1280x128xf32> -> vector<1280x128xf32>
    %mul3A_9 = arith.constant 1280 : i32
    %mul3A_10 = arith.muli %arg0, %mul3A_9 : i32
    %iota3A = tpu.iota {dimensions = array<i32: 0>} : vector<1280x128xi32>
    %add3A = vector.broadcast %mul3A_10 : i32 to vector<1280x128xi32>
    %add3A_11 = arith.addi %add3A, %iota3A : vector<1280x128xi32>
    %lt3A = arith.constant 10000 : i32
    %lt3A_12 = vector.broadcast %lt3A : i32 to vector<1280x128xi32>
    %lt3A_13 = arith.cmpi slt, %add3A_11, %lt3A_12 : vector<1280x128xi32>
    %jit3A = arith.constant 0.000000e+00 : f32
    %broadcast_in_dim3A = vector.broadcast %jit3A : f32 to vector<1280x128xf32>
    %select_n3A = arith.select %lt3A_13, %dot_general3A_8, %broadcast_in_dim3A : vector<1280x128xi1>, vector<1280x128xf32>
    %swap3A = arith.constant 0 : index
    %swap3A_14 = arith.constant 0 : index
    %swap3A_15 = vector.load %arg4[%swap3A, %swap3A_14] : memref<1280x128xf32, #tpu.memory_space<vmem>>, vector<1280x128xf32>
    tpu.vector_store %arg4[%swap3A, %swap3A_14], %select_n3A {strides = array<i32>} : memref<1280x128xf32, #tpu.memory_space<vmem>>, vector<1280x128xf32>,
    return
  }
  func.func @transform_0(%arg0: i32) -> (i32, i32) {
    %c0_i32 = arith.constant 0 : i32
    %c0_i32_0 = arith.constant 0 : i32
    return %arg0, %c0_i32 : i32, i32
  }
  func.func @transform_1(%arg0: i32) -> (i32, i32) {
    %c0_i32 = arith.constant 0 : i32
    %c0_i32_0 = arith.constant 0 : i32
    return %arg0, %c0_i32 : i32, i32
  }
  func.func @transform_2(%arg0: i32) -> (i32, i32) {
    %c0_i32 = arith.constant 0 : i32
    %c0_i32_0 = arith.constant 0 : i32
    %c0_i32_1 = arith.constant 0 : i32
    return %c0_i32, %c0_i32_0 : i32, i32
  }
  func.func @transform_3(%arg0: i32) -> (i32, i32) {
    %c0_i32 = arith.constant 0 : i32
    %c0_i32_0 = arith.constant 0 : i32
    return %arg0, %c0_i32 : i32, i32
  }
}

module attributes {stable_mosaic.version = 14 : i64} {
  func.func @_t2_body(%arg0: i32, %arg1: memref<2x1280x128xf32, #tpu.memory_space<vmem>>, %arg2: memref<1280x128xf32, #tpu.memory_space<vmem>>, %arg3: memref<1280x128xf32, #tpu.memory_space<vmem>>, %arg4: memref<1x128xf32, #tpu.memory_space<vmem>>, %arg5: memref<1x1x1280xi32, #tpu.memory_space<vmem>>, %arg6: memref<1280x128xf32, #tpu.memory_space<vmem>>, %arg7: memref<16x128xf32, #tpu.memory_space<vmem>>, %arg8: memref<16x128xf32, #tpu.memory_space<vmem>>) attributes {dimension_semantics = [#tpu.dimension_semantics<arbitrary>], iteration_bounds = array<i64: 8>, scalar_prefetch = 0 : i64, scratch_operands = 0 : i64, tpu.core_type = #tpu.core_type<tc>, window_params = [{transform_indices = @transform_0, window_bounds = array<i64: 2, 1280, 128>}, {transform_indices = @transform_1, window_bounds = array<i64: 1280, 128>}, {transform_indices = @transform_2, window_bounds = array<i64: 1280, 128>}, {pipeline_mode = #tpu.pipeline_mode<synchronous>, transform_indices = @transform_3, window_bounds = array<i64: 1, 128>}, {transform_indices = @transform_4, window_bounds = array<i64: 1, 1, 1280>}, {transform_indices = @transform_5, window_bounds = array<i64: 1280, 128>}, {pipeline_mode = #tpu.pipeline_mode<synchronous>, transform_indices = @transform_6, window_bounds = array<i64: 16, 128>}, {pipeline_mode = #tpu.pipeline_mode<synchronous>, transform_indices = @transform_7, window_bounds = array<i64: 16, 128>}]} {
    %get3A = arith.constant 0 : index
    %get3A_0 = arith.constant 0 : index
    %get3A_1 = vector.load %arg3[%get3A, %get3A_0] : memref<1280x128xf32, #tpu.memory_space<vmem>>, vector<1280x128xf32>
    %get3A_2 = arith.constant 0 : index
    %get3A_3 = arith.constant 0 : index
    %get3A_4 = arith.constant 0 : index
    %get3A_5 = vector.load %arg1[%get3A_2, %get3A_3, %get3A_4] : memref<2x1280x128xf32, #tpu.memory_space<vmem>>, vector<1x1280x128xf32>
    %get3A_6 = vector.shape_cast %get3A_5 : vector<1x1280x128xf32> to vector<1280x128xf32>
    %get3A_7 = arith.constant 1 : index
    %get3A_8 = arith.constant 0 : index
    %get3A_9 = arith.constant 0 : index
    %get3A_10 = vector.load %arg1[%get3A_7, %get3A_8, %get3A_9] : memref<2x1280x128xf32, #tpu.memory_space<vmem>>, vector<1x1280x128xf32>
    %get3A_11 = vector.shape_cast %get3A_10 : vector<1x1280x128xf32> to vector<1280x128xf32>
    %add3A = arith.addf %get3A_6, %get3A_11 : vector<1280x128xf32>
    %get3A_12 = arith.constant 0 : index
    %get3A_13 = arith.constant 0 : index
    %get3A_14 = vector.load %arg2[%get3A_12, %get3A_13] : memref<1280x128xf32, #tpu.memory_space<vmem>>, vector<1280x128xf32>
    %add3A_15 = arith.addf %add3A, %get3A_14 : vector<1280x128xf32>
    %mul3A = arith.mulf %get3A_1, %add3A_15 : vector<1280x128xf32>
    %get3A_16 = arith.constant 0 : index
    %get3A_17 = arith.constant 0 : index
    %get3A_18 = vector.load %arg4[%get3A_16, %get3A_17] : memref<1x128xf32, #tpu.memory_space<vmem>>, vector<1x128xf32>
    %add3A_19 = vector.broadcast %get3A_18 : vector<1x128xf32> to vector<1280x128xf32>
    %add3A_20 = arith.addf %mul3A, %add3A_19 : vector<1280x128xf32>
    %max3A = arith.constant 0.000000e+00 : f32
    %max3A_21 = vector.broadcast %max3A : f32 to vector<1280x128xf32>
    %max3A_22 = arith.maximumf %add3A_20, %max3A_21 : vector<1280x128xf32>
    %mul3A_23 = arith.constant 1280 : i32
    %mul3A_24 = arith.muli %arg0, %mul3A_23 : i32
    %iota3A = tpu.iota {dimensions = array<i32: 0>} : vector<1280x128xi32>
    %add3A_25 = vector.broadcast %mul3A_24 : i32 to vector<1280x128xi32>
    %add3A_26 = arith.addi %add3A_25, %iota3A : vector<1280x128xi32>
    %lt3A = arith.constant 10000 : i32
    %lt3A_27 = vector.broadcast %lt3A : i32 to vector<1280x128xi32>
    %lt3A_28 = arith.cmpi slt, %add3A_26, %lt3A_27 : vector<1280x128xi32>
    %jit3A = arith.constant 0.000000e+00 : f32
    %broadcast_in_dim3A = vector.broadcast %jit3A : f32 to vector<1280x128xf32>
    %select_n3A = arith.select %lt3A_28, %max3A_22, %broadcast_in_dim3A : vector<1280x128xi1>, vector<1280x128xf32>
    %swap3A = arith.constant 0 : index
    %swap3A_29 = arith.constant 0 : index
    %swap3A_30 = vector.load %arg6[%swap3A, %swap3A_29] : memref<1280x128xf32, #tpu.memory_space<vmem>>, vector<1280x128xf32>
    tpu.vector_store %arg6[%swap3A, %swap3A_29], %select_n3A {strides = array<i32>} : memref<1280x128xf32, #tpu.memory_space<vmem>>, vector<1280x128xf32>,
    %get3A_31 = arith.constant 0 : index
    %get3A_32 = arith.constant 0 : index
    %get3A_33 = arith.constant 0 : index
    %get3A_34 = vector.load %arg5[%get3A_31, %get3A_32, %get3A_33] : memref<1x1x1280xi32, #tpu.memory_space<vmem>>, vector<1x1x1280xi32>
    %get3A_35 = vector.shape_cast %get3A_34 : vector<1x1x1280xi32> to vector<1280xi32>
    %iota3A_36 = tpu.iota {dimensions = array<i32: 0>} : vector<16x1280xi32>
    %broadcast_in_dim3A_37 = vector.shape_cast %get3A_35 : vector<1280xi32> to vector<1x1280xi32>
    %eq3A = vector.broadcast %broadcast_in_dim3A_37 : vector<1x1280xi32> to vector<16x1280xi32>
    %eq3A_38 = arith.cmpi eq, %iota3A_36, %eq3A : vector<16x1280xi32>
    %convert_element_type3A = arith.extui %eq3A_38 : vector<16x1280xi1> to vector<16x1280xi32>
    %convert_element_type3A_39 = arith.sitofp %convert_element_type3A : vector<16x1280xi32> to vector<16x1280xf32>
    %dot_general3A = arith.constant dense<0.000000e+00> : vector<16x128xf32>
    %dot_general3A_40 = tpu.matmul %convert_element_type3A_39, %select_n3A, %dot_general3A {dimension_numbers = #tpu.dot_dimension_numbers<[1], [0], [0], [1], [0, 0, 1, 1], [], []>, transpose_lhs_hint = false} : vector<16x1280xf32>, vector<1280x128xf32>, vector<16x128xf32> -> vector<16x128xf32>
    %reduce_sum3A = arith.constant dense<0.000000e+00> : vector<16xf32>
    %reduce_sum3A_41 = vector.multi_reduction <add>, %convert_element_type3A_39, %reduce_sum3A [1] : vector<16x1280xf32> to vector<16xf32>
    %broadcast_in_dim3A_42 = vector.shape_cast %reduce_sum3A_41 : vector<16xf32> to vector<16x1xf32>
    %broadcast_in_dim3A_43 = vector.shape_cast %broadcast_in_dim3A_42 : vector<16x1xf32> to vector<16x1xf32>
    %broadcast_in_dim3A_44 = vector.broadcast %broadcast_in_dim3A_43 : vector<16x1xf32> to vector<16x128xf32>
    %eq3A_45 = arith.constant 0 : i32
    %eq3A_46 = arith.cmpi eq, %arg0, %eq3A_45 : i32
    %convert_element_type3A_47 = arith.extui %eq3A_46 : i1 to i32
    %cond3A = arith.constant 0 : i32
    %cond3A_48 = arith.cmpi ne, %convert_element_type3A_47, %cond3A : i32
    scf.if %cond3A_48 {
      %broadcast_in_dim3A_63 = arith.constant 0.000000e+00 : f32
      %broadcast_in_dim3A_64 = vector.broadcast %broadcast_in_dim3A_63 : f32 to vector<16x128xf32>
      %swap3A_65 = arith.constant 0 : index
      %swap3A_66 = arith.constant 0 : index
      %swap3A_67 = vector.load %arg7[%swap3A_65, %swap3A_66] : memref<16x128xf32, #tpu.memory_space<vmem>>, vector<16x128xf32>
      tpu.vector_store %arg7[%swap3A_65, %swap3A_66], %broadcast_in_dim3A_64 {strides = array<i32>} : memref<16x128xf32, #tpu.memory_space<vmem>>, vector<16x128xf32>,
      %broadcast_in_dim3A_68 = arith.constant 0.000000e+00 : f32
      %broadcast_in_dim3A_69 = vector.broadcast %broadcast_in_dim3A_68 : f32 to vector<16x128xf32>
      %swap3A_70 = arith.constant 0 : index
      %swap3A_71 = arith.constant 0 : index
      %swap3A_72 = vector.load %arg8[%swap3A_70, %swap3A_71] : memref<16x128xf32, #tpu.memory_space<vmem>>, vector<16x128xf32>
      tpu.vector_store %arg8[%swap3A_70, %swap3A_71], %broadcast_in_dim3A_69 {strides = array<i32>} : memref<16x128xf32, #tpu.memory_space<vmem>>, vector<16x128xf32>,
    } else {
    }
    %get3A_49 = arith.constant 0 : index
    %get3A_50 = arith.constant 0 : index
    %get3A_51 = vector.load %arg7[%get3A_49, %get3A_50] : memref<16x128xf32, #tpu.memory_space<vmem>>, vector<16x128xf32>
    %add3A_52 = arith.addf %get3A_51, %dot_general3A_40 : vector<16x128xf32>
    %swap3A_53 = arith.constant 0 : index
    %swap3A_54 = arith.constant 0 : index
    %swap3A_55 = vector.load %arg7[%swap3A_53, %swap3A_54] : memref<16x128xf32, #tpu.memory_space<vmem>>, vector<16x128xf32>
    tpu.vector_store %arg7[%swap3A_53, %swap3A_54], %add3A_52 {strides = array<i32>} : memref<16x128xf32, #tpu.memory_space<vmem>>, vector<16x128xf32>,
    %get3A_56 = arith.constant 0 : index
    %get3A_57 = arith.constant 0 : index
    %get3A_58 = vector.load %arg8[%get3A_56, %get3A_57] : memref<16x128xf32, #tpu.memory_space<vmem>>, vector<16x128xf32>
    %add3A_59 = arith.addf %get3A_58, %broadcast_in_dim3A_44 : vector<16x128xf32>
    %swap3A_60 = arith.constant 0 : index
    %swap3A_61 = arith.constant 0 : index
    %swap3A_62 = vector.load %arg8[%swap3A_60, %swap3A_61] : memref<16x128xf32, #tpu.memory_space<vmem>>, vector<16x128xf32>
    tpu.vector_store %arg8[%swap3A_60, %swap3A_61], %add3A_59 {strides = array<i32>} : memref<16x128xf32, #tpu.memory_space<vmem>>, vector<16x128xf32>,
    return
  }
  func.func @transform_0(%arg0: i32) -> (i32, i32, i32) {
    %c0_i32 = arith.constant 0 : i32
    %c0_i32_0 = arith.constant 0 : i32
    %c0_i32_1 = arith.constant 0 : i32
    return %c0_i32, %arg0, %c0_i32_0 : i32, i32, i32
  }
  func.func @transform_1(%arg0: i32) -> (i32, i32) {
    %c0_i32 = arith.constant 0 : i32
    %c0_i32_0 = arith.constant 0 : i32
    return %arg0, %c0_i32 : i32, i32
  }
  func.func @transform_2(%arg0: i32) -> (i32, i32) {
    %c0_i32 = arith.constant 0 : i32
    %c0_i32_0 = arith.constant 0 : i32
    return %arg0, %c0_i32 : i32, i32
  }
  func.func @transform_3(%arg0: i32) -> (i32, i32) {
    %c0_i32 = arith.constant 0 : i32
    %c0_i32_0 = arith.constant 0 : i32
    %c0_i32_1 = arith.constant 0 : i32
    return %c0_i32, %c0_i32_0 : i32, i32
  }
  func.func @transform_4(%arg0: i32) -> (i32, i32, i32) {
    %c0_i32 = arith.constant 0 : i32
    %c0_i32_0 = arith.constant 0 : i32
    %c0_i32_1 = arith.constant 0 : i32
    return %arg0, %c0_i32, %c0_i32_0 : i32, i32, i32
  }
  func.func @transform_5(%arg0: i32) -> (i32, i32) {
    %c0_i32 = arith.constant 0 : i32
    %c0_i32_0 = arith.constant 0 : i32
    return %arg0, %c0_i32 : i32, i32
  }
  func.func @transform_6(%arg0: i32) -> (i32, i32) {
    %c0_i32 = arith.constant 0 : i32
    %c0_i32_0 = arith.constant 0 : i32
    %c0_i32_1 = arith.constant 0 : i32
    return %c0_i32, %c0_i32_0 : i32, i32
  }
  func.func @transform_7(%arg0: i32) -> (i32, i32) {
    %c0_i32 = arith.constant 0 : i32
    %c0_i32_0 = arith.constant 0 : i32
    %c0_i32_1 = arith.constant 0 : i32
    return %c0_i32, %c0_i32_0 : i32, i32
  }
}

module attributes {stable_mosaic.version = 14 : i64} {
  func.func @_t2_body(%arg0: i32, %arg1: memref<2x1280x128xf32, #tpu.memory_space<vmem>>, %arg2: memref<1280x128xf32, #tpu.memory_space<vmem>>, %arg3: memref<1280x128xf32, #tpu.memory_space<vmem>>, %arg4: memref<1x128xf32, #tpu.memory_space<vmem>>, %arg5: memref<1x1x1280xi32, #tpu.memory_space<vmem>>, %arg6: memref<1280x128xf32, #tpu.memory_space<vmem>>, %arg7: memref<16x128xf32, #tpu.memory_space<vmem>>, %arg8: memref<16x128xf32, #tpu.memory_space<vmem>>) attributes {dimension_semantics = [#tpu.dimension_semantics<arbitrary>], iteration_bounds = array<i64: 8>, scalar_prefetch = 0 : i64, scratch_operands = 0 : i64, tpu.core_type = #tpu.core_type<tc>, window_params = [{transform_indices = @transform_0, window_bounds = array<i64: 2, 1280, 128>}, {transform_indices = @transform_1, window_bounds = array<i64: 1280, 128>}, {transform_indices = @transform_2, window_bounds = array<i64: 1280, 128>}, {pipeline_mode = #tpu.pipeline_mode<synchronous>, transform_indices = @transform_3, window_bounds = array<i64: 1, 128>}, {transform_indices = @transform_4, window_bounds = array<i64: 1, 1, 1280>}, {transform_indices = @transform_5, window_bounds = array<i64: 1280, 128>}, {pipeline_mode = #tpu.pipeline_mode<synchronous>, transform_indices = @transform_6, window_bounds = array<i64: 16, 128>}, {pipeline_mode = #tpu.pipeline_mode<synchronous>, transform_indices = @transform_7, window_bounds = array<i64: 16, 128>}]} {
    %get3A = arith.constant 0 : index
    %get3A_0 = arith.constant 0 : index
    %get3A_1 = vector.load %arg3[%get3A, %get3A_0] : memref<1280x128xf32, #tpu.memory_space<vmem>>, vector<1280x128xf32>
    %get3A_2 = arith.constant 0 : index
    %get3A_3 = arith.constant 0 : index
    %get3A_4 = arith.constant 0 : index
    %get3A_5 = vector.load %arg1[%get3A_2, %get3A_3, %get3A_4] : memref<2x1280x128xf32, #tpu.memory_space<vmem>>, vector<1x1280x128xf32>
    %get3A_6 = vector.shape_cast %get3A_5 : vector<1x1280x128xf32> to vector<1280x128xf32>
    %get3A_7 = arith.constant 1 : index
    %get3A_8 = arith.constant 0 : index
    %get3A_9 = arith.constant 0 : index
    %get3A_10 = vector.load %arg1[%get3A_7, %get3A_8, %get3A_9] : memref<2x1280x128xf32, #tpu.memory_space<vmem>>, vector<1x1280x128xf32>
    %get3A_11 = vector.shape_cast %get3A_10 : vector<1x1280x128xf32> to vector<1280x128xf32>
    %add3A = arith.addf %get3A_6, %get3A_11 : vector<1280x128xf32>
    %get3A_12 = arith.constant 0 : index
    %get3A_13 = arith.constant 0 : index
    %get3A_14 = vector.load %arg2[%get3A_12, %get3A_13] : memref<1280x128xf32, #tpu.memory_space<vmem>>, vector<1280x128xf32>
    %add3A_15 = arith.addf %add3A, %get3A_14 : vector<1280x128xf32>
    %mul3A = arith.mulf %get3A_1, %add3A_15 : vector<1280x128xf32>
    %get3A_16 = arith.constant 0 : index
    %get3A_17 = arith.constant 0 : index
    %get3A_18 = vector.load %arg4[%get3A_16, %get3A_17] : memref<1x128xf32, #tpu.memory_space<vmem>>, vector<1x128xf32>
    %add3A_19 = vector.broadcast %get3A_18 : vector<1x128xf32> to vector<1280x128xf32>
    %add3A_20 = arith.addf %mul3A, %add3A_19 : vector<1280x128xf32>
    %max3A = arith.constant 0.000000e+00 : f32
    %max3A_21 = vector.broadcast %max3A : f32 to vector<1280x128xf32>
    %max3A_22 = arith.maximumf %add3A_20, %max3A_21 : vector<1280x128xf32>
    %mul3A_23 = arith.constant 1280 : i32
    %mul3A_24 = arith.muli %arg0, %mul3A_23 : i32
    %iota3A = tpu.iota {dimensions = array<i32: 0>} : vector<1280x128xi32>
    %add3A_25 = vector.broadcast %mul3A_24 : i32 to vector<1280x128xi32>
    %add3A_26 = arith.addi %add3A_25, %iota3A : vector<1280x128xi32>
    %lt3A = arith.constant 10000 : i32
    %lt3A_27 = vector.broadcast %lt3A : i32 to vector<1280x128xi32>
    %lt3A_28 = arith.cmpi slt, %add3A_26, %lt3A_27 : vector<1280x128xi32>
    %jit3A = arith.constant 0.000000e+00 : f32
    %broadcast_in_dim3A = vector.broadcast %jit3A : f32 to vector<1280x128xf32>
    %select_n3A = arith.select %lt3A_28, %max3A_22, %broadcast_in_dim3A : vector<1280x128xi1>, vector<1280x128xf32>
    %swap3A = arith.constant 0 : index
    %swap3A_29 = arith.constant 0 : index
    %swap3A_30 = vector.load %arg6[%swap3A, %swap3A_29] : memref<1280x128xf32, #tpu.memory_space<vmem>>, vector<1280x128xf32>
    tpu.vector_store %arg6[%swap3A, %swap3A_29], %select_n3A {strides = array<i32>} : memref<1280x128xf32, #tpu.memory_space<vmem>>, vector<1280x128xf32>,
    %get3A_31 = arith.constant 0 : index
    %get3A_32 = arith.constant 0 : index
    %get3A_33 = arith.constant 0 : index
    %get3A_34 = vector.load %arg5[%get3A_31, %get3A_32, %get3A_33] : memref<1x1x1280xi32, #tpu.memory_space<vmem>>, vector<1x1x1280xi32>
    %get3A_35 = vector.shape_cast %get3A_34 : vector<1x1x1280xi32> to vector<1280xi32>
    %iota3A_36 = tpu.iota {dimensions = array<i32: 0>} : vector<16x1280xi32>
    %broadcast_in_dim3A_37 = vector.shape_cast %get3A_35 : vector<1280xi32> to vector<1x1280xi32>
    %eq3A = vector.broadcast %broadcast_in_dim3A_37 : vector<1x1280xi32> to vector<16x1280xi32>
    %eq3A_38 = arith.cmpi eq, %iota3A_36, %eq3A : vector<16x1280xi32>
    %convert_element_type3A = arith.extui %eq3A_38 : vector<16x1280xi1> to vector<16x1280xi32>
    %convert_element_type3A_39 = arith.sitofp %convert_element_type3A : vector<16x1280xi32> to vector<16x1280xf32>
    %dot_general3A = arith.constant dense<0.000000e+00> : vector<16x128xf32>
    %dot_general3A_40 = tpu.matmul %convert_element_type3A_39, %select_n3A, %dot_general3A {dimension_numbers = #tpu.dot_dimension_numbers<[1], [0], [0], [1], [0, 0, 1, 1], [], []>, transpose_lhs_hint = false} : vector<16x1280xf32>, vector<1280x128xf32>, vector<16x128xf32> -> vector<16x128xf32>
    %reduce_sum3A = arith.constant dense<0.000000e+00> : vector<16xf32>
    %reduce_sum3A_41 = vector.multi_reduction <add>, %convert_element_type3A_39, %reduce_sum3A [1] : vector<16x1280xf32> to vector<16xf32>
    %broadcast_in_dim3A_42 = vector.shape_cast %reduce_sum3A_41 : vector<16xf32> to vector<16x1xf32>
    %broadcast_in_dim3A_43 = vector.shape_cast %broadcast_in_dim3A_42 : vector<16x1xf32> to vector<16x1xf32>
    %broadcast_in_dim3A_44 = vector.broadcast %broadcast_in_dim3A_43 : vector<16x1xf32> to vector<16x128xf32>
    %eq3A_45 = arith.constant 0 : i32
    %eq3A_46 = arith.cmpi eq, %arg0, %eq3A_45 : i32
    %convert_element_type3A_47 = arith.extui %eq3A_46 : i1 to i32
    %cond3A = arith.constant 0 : i32
    %cond3A_48 = arith.cmpi ne, %convert_element_type3A_47, %cond3A : i32
    scf.if %cond3A_48 {
      %broadcast_in_dim3A_63 = arith.constant 0.000000e+00 : f32
      %broadcast_in_dim3A_64 = vector.broadcast %broadcast_in_dim3A_63 : f32 to vector<16x128xf32>
      %swap3A_65 = arith.constant 0 : index
      %swap3A_66 = arith.constant 0 : index
      %swap3A_67 = vector.load %arg7[%swap3A_65, %swap3A_66] : memref<16x128xf32, #tpu.memory_space<vmem>>, vector<16x128xf32>
      tpu.vector_store %arg7[%swap3A_65, %swap3A_66], %broadcast_in_dim3A_64 {strides = array<i32>} : memref<16x128xf32, #tpu.memory_space<vmem>>, vector<16x128xf32>,
      %broadcast_in_dim3A_68 = arith.constant 0.000000e+00 : f32
      %broadcast_in_dim3A_69 = vector.broadcast %broadcast_in_dim3A_68 : f32 to vector<16x128xf32>
      %swap3A_70 = arith.constant 0 : index
      %swap3A_71 = arith.constant 0 : index
      %swap3A_72 = vector.load %arg8[%swap3A_70, %swap3A_71] : memref<16x128xf32, #tpu.memory_space<vmem>>, vector<16x128xf32>
      tpu.vector_store %arg8[%swap3A_70, %swap3A_71], %broadcast_in_dim3A_69 {strides = array<i32>} : memref<16x128xf32, #tpu.memory_space<vmem>>, vector<16x128xf32>,
    } else {
    }
    %get3A_49 = arith.constant 0 : index
    %get3A_50 = arith.constant 0 : index
    %get3A_51 = vector.load %arg7[%get3A_49, %get3A_50] : memref<16x128xf32, #tpu.memory_space<vmem>>, vector<16x128xf32>
    %add3A_52 = arith.addf %get3A_51, %dot_general3A_40 : vector<16x128xf32>
    %swap3A_53 = arith.constant 0 : index
    %swap3A_54 = arith.constant 0 : index
    %swap3A_55 = vector.load %arg7[%swap3A_53, %swap3A_54] : memref<16x128xf32, #tpu.memory_space<vmem>>, vector<16x128xf32>
    tpu.vector_store %arg7[%swap3A_53, %swap3A_54], %add3A_52 {strides = array<i32>} : memref<16x128xf32, #tpu.memory_space<vmem>>, vector<16x128xf32>,
    %get3A_56 = arith.constant 0 : index
    %get3A_57 = arith.constant 0 : index
    %get3A_58 = vector.load %arg8[%get3A_56, %get3A_57] : memref<16x128xf32, #tpu.memory_space<vmem>>, vector<16x128xf32>
    %add3A_59 = arith.addf %get3A_58, %broadcast_in_dim3A_44 : vector<16x128xf32>
    %swap3A_60 = arith.constant 0 : index
    %swap3A_61 = arith.constant 0 : index
    %swap3A_62 = vector.load %arg8[%swap3A_60, %swap3A_61] : memref<16x128xf32, #tpu.memory_space<vmem>>, vector<16x128xf32>
    tpu.vector_store %arg8[%swap3A_60, %swap3A_61], %add3A_59 {strides = array<i32>} : memref<16x128xf32, #tpu.memory_space<vmem>>, vector<16x128xf32>,
    return
  }
  func.func @transform_0(%arg0: i32) -> (i32, i32, i32) {
    %c0_i32 = arith.constant 0 : i32
    %c0_i32_0 = arith.constant 0 : i32
    %c0_i32_1 = arith.constant 0 : i32
    return %c0_i32, %arg0, %c0_i32_0 : i32, i32, i32
  }
  func.func @transform_1(%arg0: i32) -> (i32, i32) {
    %c0_i32 = arith.constant 0 : i32
    %c0_i32_0 = arith.constant 0 : i32
    return %arg0, %c0_i32 : i32, i32
  }
  func.func @transform_2(%arg0: i32) -> (i32, i32) {
    %c0_i32 = arith.constant 0 : i32
    %c0_i32_0 = arith.constant 0 : i32
    return %arg0, %c0_i32 : i32, i32
  }
  func.func @transform_3(%arg0: i32) -> (i32, i32) {
    %c0_i32 = arith.constant 0 : i32
    %c0_i32_0 = arith.constant 0 : i32
    %c0_i32_1 = arith.constant 0 : i32
    return %c0_i32, %c0_i32_0 : i32, i32
  }
  func.func @transform_4(%arg0: i32) -> (i32, i32, i32) {
    %c0_i32 = arith.constant 0 : i32
    %c0_i32_0 = arith.constant 0 : i32
    %c0_i32_1 = arith.constant 0 : i32
    return %arg0, %c0_i32, %c0_i32_0 : i32, i32, i32
  }
  func.func @transform_5(%arg0: i32) -> (i32, i32) {
    %c0_i32 = arith.constant 0 : i32
    %c0_i32_0 = arith.constant 0 : i32
    return %arg0, %c0_i32 : i32, i32
  }
  func.func @transform_6(%arg0: i32) -> (i32, i32) {
    %c0_i32 = arith.constant 0 : i32
    %c0_i32_0 = arith.constant 0 : i32
    %c0_i32_1 = arith.constant 0 : i32
    return %c0_i32, %c0_i32_0 : i32, i32
  }
  func.func @transform_7(%arg0: i32) -> (i32, i32) {
    %c0_i32 = arith.constant 0 : i32
    %c0_i32_0 = arith.constant 0 : i32
    %c0_i32_1 = arith.constant 0 : i32
    return %c0_i32, %c0_i32_0 : i32, i32
  }
}

module attributes {stable_mosaic.version = 14 : i64} {
  func.func @_head_body(%arg0: memref<16x128xf32, #tpu.memory_space<vmem>>, %arg1: memref<16x128xf32, #tpu.memory_space<vmem>>, %arg2: memref<16x128xf32, #tpu.memory_space<vmem>>, %arg3: memref<16x128xf32, #tpu.memory_space<vmem>>, %arg4: memref<128x128xf32, #tpu.memory_space<vmem>>, %arg5: memref<1x128xf32, #tpu.memory_space<vmem>>, %arg6: memref<128x128xf32, #tpu.memory_space<vmem>>, %arg7: memref<1x128xf32, #tpu.memory_space<vmem>>, %arg8: memref<128x128xf32, #tpu.memory_space<vmem>>, %arg9: memref<1x128xf32, #tpu.memory_space<vmem>>, %arg10: memref<16x128xf32, #tpu.memory_space<vmem>>) attributes {dimension_semantics = [], scalar_prefetch = 0 : i64, scratch_operands = 0 : i64, tpu.core_type = #tpu.core_type<tc>} {
    %get3A = arith.constant 0 : index
    %get3A_0 = arith.constant 0 : index
    %get3A_1 = vector.load %arg0[%get3A, %get3A_0] : memref<16x128xf32, #tpu.memory_space<vmem>>, vector<16x128xf32>
    %get3A_2 = arith.constant 0 : index
    %get3A_3 = arith.constant 0 : index
    %get3A_4 = vector.load %arg1[%get3A_2, %get3A_3] : memref<16x128xf32, #tpu.memory_space<vmem>>, vector<16x128xf32>
    %add3A = arith.addf %get3A_1, %get3A_4 : vector<16x128xf32>
    %get3A_5 = arith.constant 0 : index
    %get3A_6 = arith.constant 0 : index
    %get3A_7 = vector.load %arg2[%get3A_5, %get3A_6] : memref<16x128xf32, #tpu.memory_space<vmem>>, vector<16x128xf32>
    %add3A_8 = arith.addf %add3A, %get3A_7 : vector<16x128xf32>
    %get3A_9 = arith.constant 0 : index
    %get3A_10 = arith.constant 0 : index
    %get3A_11 = vector.load %arg3[%get3A_9, %get3A_10] : memref<16x128xf32, #tpu.memory_space<vmem>>, vector<16x128xf32>
    %max3A = arith.constant 1.000000e+00 : f32
    %max3A_12 = vector.broadcast %max3A : f32 to vector<16x128xf32>
    %max3A_13 = arith.maximumf %get3A_11, %max3A_12 : vector<16x128xf32>
    %div3A = arith.divf %add3A_8, %max3A_13 : vector<16x128xf32>
    %get3A_14 = arith.constant 0 : index
    %get3A_15 = arith.constant 0 : index
    %get3A_16 = vector.load %arg4[%get3A_14, %get3A_15] : memref<128x128xf32, #tpu.memory_space<vmem>>, vector<128x128xf32>
    %dot_general3A = arith.constant dense<0.000000e+00> : vector<16x128xf32>
    %dot_general3A_17 = tpu.matmul %div3A, %get3A_16, %dot_general3A {dimension_numbers = #tpu.dot_dimension_numbers<[1], [0], [0], [1], [0, 0, 1, 1], [], []>, transpose_lhs_hint = false} : vector<16x128xf32>, vector<128x128xf32>, vector<16x128xf32> -> vector<16x128xf32>
    %get3A_18 = arith.constant 0 : index
    %get3A_19 = arith.constant 0 : index
    %get3A_20 = vector.load %arg5[%get3A_18, %get3A_19] : memref<1x128xf32, #tpu.memory_space<vmem>>, vector<1x128xf32>
    %add3A_21 = vector.broadcast %get3A_20 : vector<1x128xf32> to vector<16x128xf32>
    %add3A_22 = arith.addf %dot_general3A_17, %add3A_21 : vector<16x128xf32>
    %max3A_23 = arith.constant 0.000000e+00 : f32
    %max3A_24 = vector.broadcast %max3A_23 : f32 to vector<16x128xf32>
    %max3A_25 = arith.maximumf %add3A_22, %max3A_24 : vector<16x128xf32>
    %get3A_26 = arith.constant 0 : index
    %get3A_27 = arith.constant 0 : index
    %get3A_28 = vector.load %arg6[%get3A_26, %get3A_27] : memref<128x128xf32, #tpu.memory_space<vmem>>, vector<128x128xf32>
    %dot_general3A_29 = arith.constant dense<0.000000e+00> : vector<16x128xf32>
    %dot_general3A_30 = tpu.matmul %max3A_25, %get3A_28, %dot_general3A_29 {dimension_numbers = #tpu.dot_dimension_numbers<[1], [0], [0], [1], [0, 0, 1, 1], [], []>, transpose_lhs_hint = false} : vector<16x128xf32>, vector<128x128xf32>, vector<16x128xf32> -> vector<16x128xf32>
    %get3A_31 = arith.constant 0 : index
    %get3A_32 = arith.constant 0 : index
    %get3A_33 = vector.load %arg7[%get3A_31, %get3A_32] : memref<1x128xf32, #tpu.memory_space<vmem>>, vector<1x128xf32>
    %add3A_34 = vector.broadcast %get3A_33 : vector<1x128xf32> to vector<16x128xf32>
    %add3A_35 = arith.addf %dot_general3A_30, %add3A_34 : vector<16x128xf32>
    %max3A_36 = arith.constant 0.000000e+00 : f32
    %max3A_37 = vector.broadcast %max3A_36 : f32 to vector<16x128xf32>
    %max3A_38 = arith.maximumf %add3A_35, %max3A_37 : vector<16x128xf32>
    %get3A_39 = arith.constant 0 : index
    %get3A_40 = arith.constant 0 : index
    %get3A_41 = vector.load %arg8[%get3A_39, %get3A_40] : memref<128x128xf32, #tpu.memory_space<vmem>>, vector<128x128xf32>
    %dot_general3A_42 = arith.constant dense<0.000000e+00> : vector<16x128xf32>
    %dot_general3A_43 = tpu.matmul %max3A_38, %get3A_41, %dot_general3A_42 {dimension_numbers = #tpu.dot_dimension_numbers<[1], [0], [0], [1], [0, 0, 1, 1], [], []>, transpose_lhs_hint = false} : vector<16x128xf32>, vector<128x128xf32>, vector<16x128xf32> -> vector<16x128xf32>
    %get3A_44 = arith.constant 0 : index
    %get3A_45 = arith.constant 0 : index
    %get3A_46 = vector.load %arg9[%get3A_44, %get3A_45] : memref<1x128xf32, #tpu.memory_space<vmem>>, vector<1x128xf32>
    %add3A_47 = vector.broadcast %get3A_46 : vector<1x128xf32> to vector<16x128xf32>
    %add3A_48 = arith.addf %dot_general3A_43, %add3A_47 : vector<16x128xf32>
    %swap3A = arith.constant 0 : index
    %swap3A_49 = arith.constant 0 : index
    %swap3A_50 = vector.load %arg10[%swap3A, %swap3A_49] : memref<16x128xf32, #tpu.memory_space<vmem>>, vector<16x128xf32>
    tpu.vector_store %arg10[%swap3A, %swap3A_49], %add3A_48 {strides = array<i32>} : memref<16x128xf32, #tpu.memory_space<vmem>>, vector<16x128xf32>,
    return
  }
}

</mosaic_0001>

<sc_bundles>
// kernel: kernel.14.cloned.1.call-start
scs
__scs_entry_jumppad:
0x0: {  	(pc) =	sbr.rel $0x88, $3  }
0x1: {  	(tag) =	ssettag $0x0;
	lr =	simm.s32 $0x1  }
0x2: {  	[smem:$0x3F92] =	sst lr;
	_ =	strace $0xD0000000  }
0x3: {  	_ = 	snop  }
0x4: {  	_ = 	snop  }
0x5: {  	_ = 	snop  }
0x6: {  	_ = 	snop  }
0x7: {  	_ = 	snop  }
__scs_overlays_trampoline_lowered:
0x8: {  	[smem:$0x3FA1] =	sst s0  }
0x9: {  	[smem:$0x3FA2] =	sst s1  }
0xa: {  	[smem:$0x3FA3] =	sst s2  }
0xb: {  	[smem:$0x3FA4] =	sst s3  }
0xc: {  	[smem:$0x3FA5] =	sst s4  }
0xd: {  	[smem:$0x3FA6] =	sst s5  }
0xe: {  	[smem:$0x3FA7] =	sst s6  }
0xf: {  	[smem:$0x3FA8] =	sst s7  }
0x10: {  	[smem:$0x3FA9] =	sst s8  }
0x11: {  	[smem:$0x3FAA] =	sst s9;
	s0 =	simm.s32 @!p0 $0x0  }
0x12: {  	s1 =	sld [smem:$0x3F90];
	s0 =	simm.s32 @p0 $0x1  }
0x13: {  	[smem:$0x3FAB] =	sst s0;
	s0 =	simm.s32 @!p1 $0x0  }
0x14: {  	s2 =	sld [smem:$0x3F8F];
	s0 =	simm.s32 @p1 $0x1  }
0x15: {  	[smem:$0x3FAC] =	sst s0;
	s0 =	simm.s32 @!p2 $0x0  }
0x16: {  	s3 =	sld [smem:$0x3FDB];
	s0 =	simm.s32 @p2 $0x1  }
0x17: {  	s4 =	simm.s32 $0x1BF5;
	[smem:$0x3FAE] =	sst s0  }
0x18: {  	s0 =	sld [smem:$0x3F91];
	_ =	swait.ge [sflag:s4], $0x0  }
0x19: {  	s7 =	sld [smem:$0x3F92]  }
0x1a: {  	s8 =	sadd.s32 $0xFFFFE003, lr  }
0x1b: {  	s9 =	sadd.s32 $0xFFFFFEF7, lr;
	s5 =	simm.s32 $0xFFFFFFFF;
	p2 =	slt.u32 s8, $0xFFFFF086  }
0x1c: {  	p1 =	slt.u32 s9, $0xF7A;
	s5 =	simm.s32 @!p2 $0x0  }
0x1d: {  	s5 =	simm.s32 @p1 $0x1;
	p0 =	seq.s32 s7, s2  }
0x1e: {  	s7 =	smul.u32 @!p0 $0xF7A, s2;
	p2 =	seq.s32 @!p0 s5, $0x0  }
0x1f: {  	s9 =	smul.u32 $0xF7A, s1;
	s8 =	simm.s32 @!p0 $0x1BF5;
	p2 =	por !p2, p0  }
0x20: {  	[sflag:s8] =	ssyncset.s32 @!p0 $0xFFFFF086;
	s6 =	sadd.s32 @!p0 s3, s7;
	s7 =	simm.s32 @!p0 $0x108  }
0x21: {  	s3 =	sadd.s32 s3, s9;
	s6 =	sadd.s32 @!p0 $0x88, s6;
	s7 =	simm.s32 @p2 $0x1082  }
0x22: {  	[simem:s7], [sflag:s8] =	dma.local @!p0 [hbm:s6], $0xF7A  }
0x23: {  	s9 =	sor.u32 $0xD0000000, s2;
	s6 =	simm.s32 $0x108;
	_ =	swait.ge @!p0 [sflag:s8], $0x0  }
0x24: {  	s3 =	sadd.s32 $0x88, s3;
	s6 =	simm.s32 @!p1 $0x1082;
	[sflag:s4] =	ssyncset.s32 $0xFFFFF086  }
0x25: {  	[simem:s6], [sflag:s4] =	dma.local [hbm:s3], $0xF7A  }
0x26: {  	[smem:$0x3F92] =	sst s1;
	(tag) =	ssettag s2;
	_ =	strace s9  }
0x27: {  	s1 =	sld [smem:$0x3FA2]  }
0x28: {  	s2 =	sld [smem:$0x3FA3]  }
0x29: {  	s4 =	sld [smem:$0x3FA5]  }
0x2a: {  	p0 =	seq.s32 s5, $0x0;
	s5 =	sld [smem:$0x3FA6]  }
0x2b: {  	s6 =	sld [smem:$0x3FA7]  }
0x2c: {  	s7 =	sld [smem:$0x3FA8]  }
0x2d: {  	s3 =	simm.s32 $0x108;
	s8 =	sld [smem:$0x3FA9]  }
0x2e: {  	s3 =	simm.s32 @!p0 $0x1082;
	s9 =	sld [smem:$0x3FAA]  }
0x2f: {  	lr =	sadd.s32 s0, s3;
	s0 =	sld [smem:$0x3FA1]  }
0x30: {  	s3 =	sld [smem:$0x3FA4]  }
0x31: {  	[smem:$0x3FAD] =	sst s10  }
0x32: {  	s10 =	sld [smem:$0x3FAB];
	_ =	sdelay $0x3  }
0x33: {  	p0 =	seq.s32 s10, $0x1;
	s10 =	sld [smem:$0x3FAD];
	_ =	sdelay $0x3  }
0x34: {  	[smem:$0x3FAD] =	sst s10  }
0x35: {  	s10 =	sld [smem:$0x3FAC];
	_ =	sdelay $0x3  }
0x36: {  	p1 =	seq.s32 s10, $0x1;
	s10 =	sld [smem:$0x3FAD];
	_ =	sdelay $0x3  }
0x37: {  	[smem:$0x3FAD] =	sst s10  }
0x38: {  	s10 =	sld [smem:$0x3FAE]  }
0x39: {  	_ = 	snop;
	(pc) =	sbr.ind lr, $3  }
0x3a: {  	_ = 	snop  }
0x3b: {  	_ = 	snop  }
0x3c: {  	p2 =	seq.s32 s10, $0x1;
	s10 =	sld [smem:$0x3FAD]  }
0x3d: {  	_ =	shalt  }
0x3e: {  	_ =	shalt  }
0x3f: {  	_ =	shalt  }
0x40: {  	_ =	shalt  }
0x41: {  	_ =	shalt  }
0x42: {  	_ =	shalt  }
0x43: {  	_ =	shalt  }
0x44: {  	_ =	shalt  }
0x45: {  	_ =	shalt  }
0x46: {  	_ =	shalt  }
0x47: {  	_ =	shalt  }
0x48: {  	_ =	shalt  }
0x49: {  	_ =	shalt  }
0x4a: {  	_ =	shalt  }
0x4b: {  	_ =	shalt  }
0x4c: {  	_ =	shalt  }
0x4d: {  	_ =	shalt  }
0x4e: {  	_ =	shalt  }
0x4f: {  	_ =	shalt  }
0x50: {  	_ =	shalt  }
0x51: {  	_ =	shalt  }
0x52: {  	_ =	shalt  }
0x53: {  	_ =	shalt  }
0x54: {  	_ =	shalt  }
0x55: {  	_ =	shalt  }
0x56: {  	_ =	shalt  }
0x57: {  	_ =	shalt  }
0x58: {  	_ =	shalt  }
0x59: {  	_ =	shalt  }
0x5a: {  	_ =	shalt  }
0x5b: {  	_ =	shalt  }
0x5c: {  	_ =	shalt  }
0x5d: {  	_ =	shalt  }
0x5e: {  	_ =	shalt  }
0x5f: {  	_ =	shalt  }
0x60: {  	_ =	shalt  }
0x61: {  	_ =	shalt  }
0x62: {  	_ =	shalt  }
0x63: {  	_ =	shalt  }
0x64: {  	_ =	shalt  }
0x65: {  	_ =	shalt  }
0x66: {  	_ =	shalt  }
0x67: {  	_ =	shalt  }
0x68: {  	_ =	shalt  }
0x69: {  	_ =	shalt  }
0x6a: {  	_ =	shalt  }
0x6b: {  	_ =	shalt  }
0x6c: {  	_ =	shalt  }
0x6d: {  	_ =	shalt  }
0x6e: {  	_ =	shalt  }
0x6f: {  	_ =	shalt  }
0x70: {  	_ =	shalt  }
0x71: {  	_ =	shalt  }
0x72: {  	_ =	shalt  }
0x73: {  	_ =	shalt  }
0x74: {  	_ =	shalt  }
0x75: {  	_ =	shalt  }
0x76: {  	_ =	shalt  }
0x77: {  	_ =	shalt  }
0x78: {  	_ =	shalt  }
0x79: {  	_ =	shalt  }
0x7a: {  	_ =	shalt  }
0x7b: {  	_ =	shalt  }
0x7c: {  	_ =	shalt  }
0x7d: {  	_ =	shalt  }
0x7e: {  	_ =	shalt  }
0x7f: {  	_ =	shalt  }
0x80: {  	_ =	shalt  }
0x81: {  	_ =	shalt  }
0x82: {  	_ =	shalt  }
0x83: {  	_ =	shalt  }
0x84: {  	_ =	shalt  }
0x85: {  	_ =	shalt  }
0x86: {  	_ =	shalt  }
0x87: {  	_ =	shalt  }
.Lfunc_end0:
.L_simem_size_0:
called_computation_lowered:
.L_overlay_start_0:
0x88: {  	s2 =	sld [smem:$0x3FD9]  }
0x89: {  	s3 =	sld [smem:$0x3FFE];
	_ =	sdelay $0x1  }
0x8a: {  	s1 =	srdreg.scid  }
0x8b: {  	s0 =	sand.u32 $0x1, s1  }
0x8c: {  	s16 =	sshll.u32 s0, $0xA;
	s2 =	sadd.s32 s3, s2  }
0x8d: {  	s2 =	sadd.s32 s2, s16  }
0x8e: {  	[smem:$0x3FB9] =	sst s2  }
0x8f: {  	_ = 	snop  }
0x90: {  	(tm) =	ssettm $0x1  }
0x91: {  	s17 =	sld [smem:$0x3FFB];
	_ =	sdelay $0x3  }
0x92: {  	_ =	strace s17  }
0x93: {  	s2 =	sld [smem:$0x3FFC];
	_ =	sdelay $0x3  }
0x94: {  	_ =	strace s2  }
0x95: {  	s2 =	sld [smem:$0x3FFD];
	_ =	sdelay $0x3  }
0x96: {  	_ =	strace s2  }
0x97: {  	_ =	strace $0x8FFFFFFF  }
0x98: {  	s18 =	sld [smem:$0x3FDB];
	_ =	sdelay $0x1  }
0x99: {  	s19 =	simm.s32 $_scs_section_size  }
0x9a: {  	s4 =	simm.s32 $_size__tile_overlayer_lowered;
	s5 =	simm.s32 $_tile_overlayer_lowered  }
0x9b: {  	s22 =	simm.s32 $0x1BFF;
	s21 =	sshll.u32 s5, $0x1;
	s2 =	sadd.s32 s19, s18  }
0x9c: {  	s6 =	simm.s32 $0x0;
	s20 =	sshll.u32 s4, $0x1;
	s4 =	sadd.s32 s21, s2  }
0x9d: {  	[timem:s6], [sflag:s22] =	dma.local [hbm:s4], s20  }
0x9e: {  	_ =	swait.ge [sflag:s22], s20  }
0x9f: {  	s3 =	ssub.s32 $0x0, s20;
	[sflag:s22] =	ssyncset.done $0x0  }
0xa0: {  	[sflag:s22] =	ssyncadd.s32 s3;
	_ =	sdelay $0x1  }
0xa1: {  	s23 =	simm.s32 $0x1B8B  }
0xa2: {  	_ =	swait.ge [sflag:s23], $0x1  }
0xa3: {  	[sflag:s23] =	ssyncset.done $0x0  }
0xa4: {  	s25 =	simm.s32 $0x1B8E;
	s24 =	sld [smem:$0x3FFE];
	[sflag:s23] =	ssyncadd.s32 $0xFFFFFFFF  }
0xa5: {  	s26 =	simm.s32 $execute0_lowered;
	[smem:$0x3FD2] =	sst s25  }
0xa6: {  	s4 =	sshll.u32 s26, $0x1;
	_ =	strace $0x80000046;
	[dreg:$0x1] =	wrdreg $0xFFFFFFFF  }
0xa7: {  	s28 =	simm.s32 $_size_execute0_lowered;
	s2 =	sadd.s32 s2, s4;
	[dreg:$0x0] =	wrdreg $0x0  }
0xa8: {  	s4 =	sshll.u32 s28, $0x1;
	[dreg:$0x2] =	wrdreg s2  }
0xa9: {  	[dreg:$0x3] =	wrdreg s4  }
0xaa: {  	[dreg:$0x4] =	wrdreg $0xC0  }
0xab: {  	_ =	task [dreg:s6], $0x5FFFF  }
0xac: {  	[dreg:$0x1] =	wrdreg $0xFFFFFFFF  }
0xad: {  	[dreg:$0x0] =	wrdreg $0x60  }
0xae: {  	[dreg:$0x2] =	wrdreg s24  }
0xaf: {  	[dreg:$0x3] =	wrdreg $0x68000  }
0xb0: {  	[dreg:$0x4] =	wrdreg $0x9  }
0xb1: {  	_ =	task.clear_ibuf [dreg:s6], $0x5FFFF;
	_ =	strace $0x90000046  }
0xb2: {  	s29 =	simm.s32 $0x9;
	_ =	strace $0x80000048  }
0xb3: {  	_ =	swait.ge [sflag:s29], $0x1  }
0xb4: {  	[sflag:s29] =	ssyncadd.s32 $0xFFFFFFFF  }
0xb5: {  	_ =	strace $0x90000048  }
0xb6: {  	_ =	sfence  }
0xb7: {  	s30 =	sld [smem:$0x0];
	_ =	sdelay $0x2  }
0xb8: {  	s31 =	sshll.u32 s1, $0xD;
	s1 =	sshrl.u32 s1, $0x2  }
0xb9: {  	s3 =	sand.u32 $0x4000, s31;
	s1 =	sadd.s32 s1, s30  }
0xba: {  	s0 =	sor.u32 s3, s0;
	s1 =	sshll.u32 s1, $0x11  }
0xbb: {  	s0 =	sor.u32 s1, s0  }
0xbc: {  	s0 =	sadd.s32 $0x8F2B, s0  }
0xbd: {  	[sflag:s0] =	ssyncadd.remote.s32 $0x1  }
0xbe: {  	_ =	sfence.sel $0xFFFF  }
0xbf: {  	[dreg:$0x0] =	wrdreg $0xFFFFFFFF;
	(pc) =	sbr.abs _section_cstart, $3  }
0xc0: {  	[dreg:$0x1] =	wrdreg $0xFFFFFFFF  }
0xc1: {  	_ =	task.clear_ibuf [dreg:s6], $0x2FFFF;
	_ =	strace $0x9FFFFFFF  }
0xc2: {  	(tm) =	ssettm $0x7FFFFFFF  }
0xc3: {  	_ =	shalt  }
tec
execute0_lowered:
.L_overlay_start_1:
0x0: {  	(tag) =	ssettag $0x1  }
0x1: {  	s7 =	rddreg [dreg:$0x0]  }
0x2: {  	s0 =	srdreg.scid;
	s2 =	rddreg [dreg:$0x1]  }
0x3: {  	s3 =	simm.s32 $0x0;
	s13 =	simm.s32 $0x80;
	s6 =	sand.u32 $0x1, s0  }
0x4: {  	s14 =	simm.s32 $0x0;
	s0 =	stileid.u32;
	s5 =	smul.u32 $0x140000, s6  }
0x5: {  	[smem:$0x7FF] =	sst s3;
	s1 =	sshll.u32 s6, $0x4;
	s8 =	smul.u32 $0x14000, s0  }
0x6: {  	s10 =	smul.u32 $0x50000, s0;
	s6 =	ssub.s32 $0x2, s6;
	s11 =	sshll.u32 s0, $0x6  }
0x7: {  	s1 =	sor.u32 s0, s1;
	s31 =	sshrl.u32 s6, $0x1;
	s11 =	sor.u32 $0x1C01, s11  }
0x8: {  	s4 =	smul.u32 $0x500, s1;
	s1 =	rddreg [dreg:$0x2];
	_ =	strace $0x80000047  }
0x9: {  	s8 =	sadd.s32 s8, s5;
	s5 =	sadd.s32 $0x19E00, s7;
	s10 =	sshrl.u32 s10, $0x2  }
0xa: {  	s8 =	sshrl.u32 s8, $0x3;
	s12 =	sadd.s32 s10, s2;
	s10 =	simm.s32 $0x1  }
0xb: {  	s9 =	sadd.s32 s4, s7;
	s4 =	sadd.s32 $0x17600, s7;
	s7 =	sadd.s32 s8, s7  }
0xc: {  	s8 =	ssub.s32 s6, s31;
	s12 =	sshrl.u32 s12, $0x3;
	s6 =	sadd.s32 $0xD600, s9  }
0xd: {  	s7 =	sadd.s32 $0x1A600, s7;
	s8 =	smax.u32 s8, $0x1;
	s9 =	simm.s32 $0x2800  }
.LBB2_1:
0xe: {  	[tilespmem:s9], [sflag:$0x1] =	stream.linear.gather [hbm4b:s5+s3], $0x4000, $0x38;
	[tilespmem:$0x1A800] =	vst v63  }
0xf: {  	_ =	swait.ge [sflag:s10], $0x4000  }
0x10: {  	[sflag:s10] =	ssyncset.done $0x0  }
0x11: {  	[sflag:s10] =	ssyncadd.s32 $0xFFFFC000  }
0x12: {  	[spmem:s12], [sflag:s11] =	dma.local [hbm:s4], $0x2800  }
0x13: {  	_ =	swait.ge [sflag:s10], $0x2800  }
0x14: {  	[sflag:s10] =	ssyncset.done $0x0  }
0x15: {  	[sflag:s10] =	ssyncadd.s32 $0xFFFFD800  }
0x16: {  	[bflag:$0x0] =	sbarrier.arrive $0xFFFF  }
0x17: {  	[tilespmem:s3], [sflag:$0x1] =	stream.linear.gather [hbm4b:s6+s3], $0x2800, $0x38;
	[tilespmem:$0x1A800] =	vst v63  }
0x18: {  	_ =	swait.ge [sflag:s10], $0x2800  }
0x19: {  	[sflag:s10] =	ssyncset.done $0x0  }
0x1a: {  	s15 =	simm.s32 $0x0;
	[sflag:s10] =	ssyncadd.s32 $0xFFFFD800  }
0x1b: {  	[spmem:s2] =	stream.indirect.scatter.add.f32 [tilespmem:s9], [sflag:$0x1], $0x80, s15, s13, $0xb8;
	[tilespmem:$0x1A800] =	vst v63  }
0x1c: {  	_ =	swait.ge [sflag:s10], $0x4000  }
0x1d: {  	s15 =	simm.s32 $0x200;
	[sflag:s10] =	ssyncset.done $0x0  }
.LBB2_2:
0x1e: {  	s16 =	sshra.s32 s15, $0x2;
	[sflag:s10] =	ssyncadd.s32 $0xFFFFC000;
	p0 =	sne.s32 s15, $0x9E00  }
0x1f: {  	[spmem:s2] =	stream.indirect.scatter.add.f32 [tilespmem:s9], [sflag:$0x1], $0x80, s16, s13, $0xb8;
	[tilespmem:$0x1A800] =	vst v63  }
.Ltmp0:
0x20: {  	_ = 	snop;
	(pc) =	sbr.rel @p0 .LBB2_2-.Ltmp0, $4  }
0x21: {  	_ = 	snop  }
0x22: {  	s15 =	sadd.s32 $0x200, s15  }
0x23: {  	_ =	swait.ge [sflag:s10], $0x4000  }
0x24: {  	[sflag:s10] =	ssyncset.done $0x0  }
0x25: {  	s14 =	sadd.s32 $0x1, s14  }
0x26: {  	[sflag:s10] =	ssyncadd.s32 $0xFFFFC000;
	p0 =	sne.s32 s14, s8  }
.Ltmp1:
0x27: {  	[bflag:$0x0] =	sbarrier.arrive $0xFFFF;
	(pc) =	sbr.rel @p0 .LBB2_1-.Ltmp1, $4  }
0x28: {  	[hbm:s7], [sflag:s11] =	dma.local [spmem:s12], $0x2800  }
0x29: {  	_ =	swait.ge [sflag:s10], $0x2800  }
0x2a: {  	[sflag:s10] =	ssyncset.done $0x0  }
0x2b: {  	[sflag:s10] =	ssyncadd.s32 $0xFFFFD800  }
0x2c: {  	_ =	sfence.sel $0x180000  }
0x2d: {  	[bflag:$0x0] =	sbarrier.arrive $0xFFFF  }
0x2e: {  	p0 =	sne.s32 s0, $0x0;
	_ =	strace $0x90000047  }
0x2f: {  	s0 =	sadd.s32 @!p0 $0x100000, s1;
	[bflag:$0x2] =	sbarrier.arrive $0xFFFF  }
0x30: {  	[sflag:s0] =	ssyncadd.tile.s32 @!p0 $0x1;
	_ =	shalt  }
.Lfunc_end2:
_tile_overlayer_lowered:
.L_overlay_start_2:
0x31: {  	(tag) =	ssettag $0x2  }
0x32: {  	s0 =	rddreg [dreg:$0x0];
	s2 =	stileid.u32  }
0x33: {  	s1 =	rddreg [dreg:$0x1];
	p0 =	sne.s32 s2, $0x0  }
0x34: {  	s3 =	rddreg [dreg:$0x2];
	[bflag:$0x3] =	sbarrier.arrive $0xFFFF;
	s2 =	simm.s32 @!p0 $0x1C01  }
0x35: {  	[timem:s3], [sflag:s2] =	dma.local @!p0 [hbm:s0], s1  }
0x36: {  	s0 =	simm.s32 @!p0 $0x1  }
0x37: {  	_ =	swait.ge @!p0 [sflag:s0], s1  }
0x38: {  	s1 =	ssub.s32 @!p0 $0x0, s1;
	[sflag:s0] =	ssyncset.done @!p0 $0x0  }
0x39: {  	[sflag:s0] =	ssyncadd.s32 @!p0 s1  }
0x3a: {  	[bflag:$0x3] =	sbarrier.arrive $0xFFFF  }
0x3b: {  	_ =	shalt  }

// kernel: kernel.17.cloned.1.call-start
scs
__scs_entry_jumppad:
0x0: {  	(pc) =	sbr.rel $0x88, $3  }
0x1: {  	(tag) =	ssettag $0x0;
	lr =	simm.s32 $0x1  }
0x2: {  	[smem:$0x3F92] =	sst lr;
	_ =	strace $0xD0000000  }
0x3: {  	_ = 	snop  }
0x4: {  	_ = 	snop  }
0x5: {  	_ = 	snop  }
0x6: {  	_ = 	snop  }
0x7: {  	_ = 	snop  }
__scs_overlays_trampoline_lowered:
0x8: {  	[smem:$0x3FA1] =	sst s0  }
0x9: {  	[smem:$0x3FA2] =	sst s1  }
0xa: {  	[smem:$0x3FA3] =	sst s2  }
0xb: {  	[smem:$0x3FA4] =	sst s3  }
0xc: {  	[smem:$0x3FA5] =	sst s4  }
0xd: {  	[smem:$0x3FA6] =	sst s5  }
0xe: {  	[smem:$0x3FA7] =	sst s6  }
0xf: {  	[smem:$0x3FA8] =	sst s7  }
0x10: {  	[smem:$0x3FA9] =	sst s8  }
0x11: {  	[smem:$0x3FAA] =	sst s9;
	s0 =	simm.s32 @!p0 $0x0  }
0x12: {  	s1 =	sld [smem:$0x3F90];
	s0 =	simm.s32 @p0 $0x1  }
0x13: {  	[smem:$0x3FAB] =	sst s0;
	s0 =	simm.s32 @!p1 $0x0  }
0x14: {  	s2 =	sld [smem:$0x3F8F];
	s0 =	simm.s32 @p1 $0x1  }
0x15: {  	[smem:$0x3FAC] =	sst s0;
	s0 =	simm.s32 @!p2 $0x0  }
0x16: {  	s3 =	sld [smem:$0x3FDB];
	s0 =	simm.s32 @p2 $0x1  }
0x17: {  	s4 =	simm.s32 $0x1BF5;
	[smem:$0x3FAE] =	sst s0  }
0x18: {  	s0 =	sld [smem:$0x3F91];
	_ =	swait.ge [sflag:s4], $0x0  }
0x19: {  	s7 =	sld [smem:$0x3F92]  }
0x1a: {  	s8 =	sadd.s32 $0xFFFFE003, lr  }
0x1b: {  	s9 =	sadd.s32 $0xFFFFFEF7, lr;
	s5 =	simm.s32 $0xFFFFFFFF;
	p2 =	slt.u32 s8, $0xFFFFF086  }
0x1c: {  	p1 =	slt.u32 s9, $0xF7A;
	s5 =	simm.s32 @!p2 $0x0  }
0x1d: {  	s5 =	simm.s32 @p1 $0x1;
	p0 =	seq.s32 s7, s2  }
0x1e: {  	s7 =	smul.u32 @!p0 $0xF7A, s2;
	p2 =	seq.s32 @!p0 s5, $0x0  }
0x1f: {  	s9 =	smul.u32 $0xF7A, s1;
	s8 =	simm.s32 @!p0 $0x1BF5;
	p2 =	por !p2, p0  }
0x20: {  	[sflag:s8] =	ssyncset.s32 @!p0 $0xFFFFF086;
	s6 =	sadd.s32 @!p0 s3, s7;
	s7 =	simm.s32 @!p0 $0x108  }
0x21: {  	s3 =	sadd.s32 s3, s9;
	s6 =	sadd.s32 @!p0 $0x88, s6;
	s7 =	simm.s32 @p2 $0x1082  }
0x22: {  	[simem:s7], [sflag:s8] =	dma.local @!p0 [hbm:s6], $0xF7A  }
0x23: {  	s9 =	sor.u32 $0xD0000000, s2;
	s6 =	simm.s32 $0x108;
	_ =	swait.ge @!p0 [sflag:s8], $0x0  }
0x24: {  	s3 =	sadd.s32 $0x88, s3;
	s6 =	simm.s32 @!p1 $0x1082;
	[sflag:s4] =	ssyncset.s32 $0xFFFFF086  }
0x25: {  	[simem:s6], [sflag:s4] =	dma.local [hbm:s3], $0xF7A  }
0x26: {  	[smem:$0x3F92] =	sst s1;
	(tag) =	ssettag s2;
	_ =	strace s9  }
0x27: {  	s1 =	sld [smem:$0x3FA2]  }
0x28: {  	s2 =	sld [smem:$0x3FA3]  }
0x29: {  	s4 =	sld [smem:$0x3FA5]  }
0x2a: {  	p0 =	seq.s32 s5, $0x0;
	s5 =	sld [smem:$0x3FA6]  }
0x2b: {  	s6 =	sld [smem:$0x3FA7]  }
0x2c: {  	s7 =	sld [smem:$0x3FA8]  }
0x2d: {  	s3 =	simm.s32 $0x108;
	s8 =	sld [smem:$0x3FA9]  }
0x2e: {  	s3 =	simm.s32 @!p0 $0x1082;
	s9 =	sld [smem:$0x3FAA]  }
0x2f: {  	lr =	sadd.s32 s0, s3;
	s0 =	sld [smem:$0x3FA1]  }
0x30: {  	s3 =	sld [smem:$0x3FA4]  }
0x31: {  	[smem:$0x3FAD] =	sst s10  }
0x32: {  	s10 =	sld [smem:$0x3FAB];
	_ =	sdelay $0x3  }
0x33: {  	p0 =	seq.s32 s10, $0x1;
	s10 =	sld [smem:$0x3FAD];
	_ =	sdelay $0x3  }
0x34: {  	[smem:$0x3FAD] =	sst s10  }
0x35: {  	s10 =	sld [smem:$0x3FAC];
	_ =	sdelay $0x3  }
0x36: {  	p1 =	seq.s32 s10, $0x1;
	s10 =	sld [smem:$0x3FAD];
	_ =	sdelay $0x3  }
0x37: {  	[smem:$0x3FAD] =	sst s10  }
0x38: {  	s10 =	sld [smem:$0x3FAE]  }
0x39: {  	_ = 	snop;
	(pc) =	sbr.ind lr, $3  }
0x3a: {  	_ = 	snop  }
0x3b: {  	_ = 	snop  }
0x3c: {  	p2 =	seq.s32 s10, $0x1;
	s10 =	sld [smem:$0x3FAD]  }
0x3d: {  	_ =	shalt  }
0x3e: {  	_ =	shalt  }
0x3f: {  	_ =	shalt  }
0x40: {  	_ =	shalt  }
0x41: {  	_ =	shalt  }
0x42: {  	_ =	shalt  }
0x43: {  	_ =	shalt  }
0x44: {  	_ =	shalt  }
0x45: {  	_ =	shalt  }
0x46: {  	_ =	shalt  }
0x47: {  	_ =	shalt  }
0x48: {  	_ =	shalt  }
0x49: {  	_ =	shalt  }
0x4a: {  	_ =	shalt  }
0x4b: {  	_ =	shalt  }
0x4c: {  	_ =	shalt  }
0x4d: {  	_ =	shalt  }
0x4e: {  	_ =	shalt  }
0x4f: {  	_ =	shalt  }
0x50: {  	_ =	shalt  }
0x51: {  	_ =	shalt  }
0x52: {  	_ =	shalt  }
0x53: {  	_ =	shalt  }
0x54: {  	_ =	shalt  }
0x55: {  	_ =	shalt  }
0x56: {  	_ =	shalt  }
0x57: {  	_ =	shalt  }
0x58: {  	_ =	shalt  }
0x59: {  	_ =	shalt  }
0x5a: {  	_ =	shalt  }
0x5b: {  	_ =	shalt  }
0x5c: {  	_ =	shalt  }
0x5d: {  	_ =	shalt  }
0x5e: {  	_ =	shalt  }
0x5f: {  	_ =	shalt  }
0x60: {  	_ =	shalt  }
0x61: {  	_ =	shalt  }
0x62: {  	_ =	shalt  }
0x63: {  	_ =	shalt  }
0x64: {  	_ =	shalt  }
0x65: {  	_ =	shalt  }
0x66: {  	_ =	shalt  }
0x67: {  	_ =	shalt  }
0x68: {  	_ =	shalt  }
0x69: {  	_ =	shalt  }
0x6a: {  	_ =	shalt  }
0x6b: {  	_ =	shalt  }
0x6c: {  	_ =	shalt  }
0x6d: {  	_ =	shalt  }
0x6e: {  	_ =	shalt  }
0x6f: {  	_ =	shalt  }
0x70: {  	_ =	shalt  }
0x71: {  	_ =	shalt  }
0x72: {  	_ =	shalt  }
0x73: {  	_ =	shalt  }
0x74: {  	_ =	shalt  }
0x75: {  	_ =	shalt  }
0x76: {  	_ =	shalt  }
0x77: {  	_ =	shalt  }
0x78: {  	_ =	shalt  }
0x79: {  	_ =	shalt  }
0x7a: {  	_ =	shalt  }
0x7b: {  	_ =	shalt  }
0x7c: {  	_ =	shalt  }
0x7d: {  	_ =	shalt  }
0x7e: {  	_ =	shalt  }
0x7f: {  	_ =	shalt  }
0x80: {  	_ =	shalt  }
0x81: {  	_ =	shalt  }
0x82: {  	_ =	shalt  }
0x83: {  	_ =	shalt  }
0x84: {  	_ =	shalt  }
0x85: {  	_ =	shalt  }
0x86: {  	_ =	shalt  }
0x87: {  	_ =	shalt  }
.Lfunc_end0:
.L_simem_size_0:
called_computation.1_lowered:
.L_overlay_start_0:
0x88: {  	s2 =	sld [smem:$0x3FD9]  }
0x89: {  	s3 =	sld [smem:$0x3FFE];
	_ =	sdelay $0x1  }
0x8a: {  	s1 =	srdreg.scid  }
0x8b: {  	s0 =	sand.u32 $0x1, s1  }
0x8c: {  	s16 =	sshll.u32 s0, $0xA;
	s2 =	sadd.s32 s3, s2  }
0x8d: {  	s2 =	sadd.s32 s2, s16  }
0x8e: {  	[smem:$0x3FB9] =	sst s2  }
0x8f: {  	_ = 	snop  }
0x90: {  	(tm) =	ssettm $0x1  }
0x91: {  	s17 =	sld [smem:$0x3FFB];
	_ =	sdelay $0x3  }
0x92: {  	_ =	strace s17  }
0x93: {  	s2 =	sld [smem:$0x3FFC];
	_ =	sdelay $0x3  }
0x94: {  	_ =	strace s2  }
0x95: {  	s2 =	sld [smem:$0x3FFD];
	_ =	sdelay $0x3  }
0x96: {  	_ =	strace s2  }
0x97: {  	_ =	strace $0x8FFFFFFF  }
0x98: {  	s18 =	sld [smem:$0x3FDB];
	_ =	sdelay $0x1  }
0x99: {  	s19 =	simm.s32 $_scs_section_size  }
0x9a: {  	s4 =	simm.s32 $_size__tile_overlayer_lowered;
	s5 =	simm.s32 $_tile_overlayer_lowered  }
0x9b: {  	s22 =	simm.s32 $0x1BFF;
	s21 =	sshll.u32 s5, $0x1;
	s2 =	sadd.s32 s19, s18  }
0x9c: {  	s6 =	simm.s32 $0x0;
	s20 =	sshll.u32 s4, $0x1;
	s4 =	sadd.s32 s21, s2  }
0x9d: {  	[timem:s6], [sflag:s22] =	dma.local [hbm:s4], s20  }
0x9e: {  	_ =	swait.ge [sflag:s22], s20  }
0x9f: {  	s3 =	ssub.s32 $0x0, s20;
	[sflag:s22] =	ssyncset.done $0x0  }
0xa0: {  	[sflag:s22] =	ssyncadd.s32 s3;
	_ =	sdelay $0x1  }
0xa1: {  	s23 =	simm.s32 $0x1B8B  }
0xa2: {  	_ =	swait.ge [sflag:s23], $0x1  }
0xa3: {  	[sflag:s23] =	ssyncset.done $0x0  }
0xa4: {  	s25 =	simm.s32 $0x1B8E;
	s24 =	sld [smem:$0x3FFE];
	[sflag:s23] =	ssyncadd.s32 $0xFFFFFFFF  }
0xa5: {  	s26 =	simm.s32 $execute0_lowered;
	[smem:$0x3FD2] =	sst s25  }
0xa6: {  	s4 =	sshll.u32 s26, $0x1;
	_ =	strace $0x80000049;
	[dreg:$0x1] =	wrdreg $0xFFFFFFFF  }
0xa7: {  	s28 =	simm.s32 $_size_execute0_lowered;
	s2 =	sadd.s32 s2, s4;
	[dreg:$0x0] =	wrdreg $0x0  }
0xa8: {  	s4 =	sshll.u32 s28, $0x1;
	[dreg:$0x2] =	wrdreg s2  }
0xa9: {  	[dreg:$0x3] =	wrdreg s4  }
0xaa: {  	[dreg:$0x4] =	wrdreg $0xC0  }
0xab: {  	_ =	task [dreg:s6], $0x5FFFF  }
0xac: {  	[dreg:$0x1] =	wrdreg $0xFFFFFFFF  }
0xad: {  	[dreg:$0x0] =	wrdreg $0x60  }
0xae: {  	[dreg:$0x2] =	wrdreg s24  }
0xaf: {  	[dreg:$0x3] =	wrdreg $0xA8000  }
0xb0: {  	[dreg:$0x4] =	wrdreg $0x9  }
0xb1: {  	_ =	task.clear_ibuf [dreg:s6], $0x5FFFF;
	_ =	strace $0x90000049  }
0xb2: {  	s29 =	simm.s32 $0x9;
	_ =	strace $0x8000004B  }
0xb3: {  	_ =	swait.ge [sflag:s29], $0x1  }
0xb4: {  	[sflag:s29] =	ssyncadd.s32 $0xFFFFFFFF  }
0xb5: {  	_ =	strace $0x9000004B  }
0xb6: {  	_ =	sfence  }
0xb7: {  	s30 =	sld [smem:$0x0];
	_ =	sdelay $0x2  }
0xb8: {  	s31 =	sshll.u32 s1, $0xD;
	s1 =	sshrl.u32 s1, $0x2  }
0xb9: {  	s3 =	sand.u32 $0x4000, s31;
	s1 =	sadd.s32 s1, s30  }
0xba: {  	s0 =	sor.u32 s3, s0;
	s1 =	sshll.u32 s1, $0x11  }
0xbb: {  	s0 =	sor.u32 s1, s0  }
0xbc: {  	s0 =	sadd.s32 $0x8F2B, s0  }
0xbd: {  	[sflag:s0] =	ssyncadd.remote.s32 $0x1  }
0xbe: {  	_ =	sfence.sel $0xFFFF  }
0xbf: {  	[dreg:$0x0] =	wrdreg $0xFFFFFFFF;
	(pc) =	sbr.abs _section_cstart, $3  }
0xc0: {  	[dreg:$0x1] =	wrdreg $0xFFFFFFFF  }
0xc1: {  	_ =	task.clear_ibuf [dreg:s6], $0x2FFFF;
	_ =	strace $0x9FFFFFFF  }
0xc2: {  	(tm) =	ssettm $0x7FFFFFFF  }
0xc3: {  	_ =	shalt  }
tec
execute0_lowered:
.L_overlay_start_1:
0x0: {  	(tag) =	ssettag $0x1  }
0x1: {  	s8 =	rddreg [dreg:$0x0]  }
0x2: {  	s1 =	rddreg [dreg:$0x1]  }
0x3: {  	s2 =	srdreg.scid;
	s0 =	rddreg [dreg:$0x2];
	s3 =	simm.s32 $0x0  }
0x4: {  	s16 =	simm.s32 $0x1400;
	s17 =	simm.s32 $0x80;
	s18 =	simm.s32 $0x2800  }
0x5: {  	s19 =	simm.s32 $0x6800;
	s20 =	simm.s32 $0x1;
	s21 =	simm.s32 $0x2  }
0x6: {  	s22 =	simm.s32 $0x1380;
	s23 =	simm.s32 $0x2700;
	s24 =	simm.s32 $0x2780  }
0x7: {  	s9 =	sand.u32 $0x1, s2;
	s2 =	stileid.u32;
	[smem:$0x7FF] =	sst s3  }
0x8: {  	s4 =	sadd.s32 $0x19E00, s8;
	s5 =	sadd.s32 $0x3600, s8;
	s10 =	smul.u32 $0x140000, s9  }
0x9: {  	s6 =	sadd.s32 $0xD600, s8;
	s7 =	sadd.s32 $0x17600, s8;
	s11 =	smul.u32 $0x14000, s2  }
0xa: {  	_ =	strace $0x8000004A;
	s25 =	ssub.s32 $0x2, s9;
	s12 =	smul.u32 $0x50000, s2  }
0xb: {  	s28 =	smul.u32 $0x1400, s2;
	s30 =	sshll.u32 s2, $0x6;
	p0 =	seq.s32 s9, $0x1  }
0xc: {  	s9 =	smul.u32 $0x78, s2;
	s26 =	sshrl.u32 s25, $0x1;
	s10 =	sadd.s32 s11, s10  }
.Ltmp0:
0xd: {  	s14 =	ssub.s32 s25, s26;
	s10 =	sshrl.u32 s10, $0x3;
	(pc) =	sbr.rel .LBB2_1-.Ltmp0, $4  }
0xe: {  	s29 =	sshrl.u32 s12, $0x2;
	s13 =	sadd.s32 s10, s8;
	s10 =	sshrl.u32 s28, $0x3  }
0xf: {  	s15 =	sadd.s32 s29, s1;
	s8 =	sor.u32 $0x1C03, s30;
	s31 =	sadd.s32 $0x7800, s10  }
0x10: {  	s12 =	sadd.s32 $0x41E00, s13;
	s13 =	smax.u32 s14, $0x1;
	s14 =	sshrl.u32 s15, $0x3  }
0x11: {  	s15 =	simm.s32 $0x3;
	s10 =	sadd.s32 s5, s31;
	s11 =	sadd.s32 s6, s31  }
.LBB2_8:
0x12: {  	s3 =	sadd.s32 $0x1, s3  }
0x13: {  	p1 =	sne.s32 s3, s13  }
.Ltmp1:
0x14: {  	[bflag:$0x0] =	sbarrier.arrive $0xFFFF;
	(pc) =	sbr.rel @!p1 .LBB2_9-.Ltmp1, $4  }
0x15: {  	[hbm:s12], [sflag:s8] =	dma.local [spmem:s14], $0x2800  }
0x16: {  	_ =	swait.ge [sflag:s15], $0x2800  }
0x17: {  	[sflag:s15] =	ssyncset.done $0x0  }
0x18: {  	[sflag:s15] =	ssyncadd.s32 $0xFFFFD800  }
.LBB2_1:
0x19: {  	[spmem:s14], [sflag:s8] =	dma.local [hbm:s7], $0x2800  }
.Ltmp2:
0x1a: {  	_ =	swait.ge [sflag:s15], $0x2800;
	(pc) =	sbr.rel @!p0 .LBB2_2-.Ltmp2, $4  }
0x1b: {  	[sflag:s15] =	ssyncset.done $0x0  }
0x1c: {  	[sflag:s15] =	ssyncadd.s32 $0xFFFFD800  }
0x1d: {  	[bflag:$0x0] =	sbarrier.arrive $0xFFFF  }
0x1e: {  	s25 =	simm.s32 $0x0  }
0x1f: {  	s25 =	simm.s32 $0x0  }
0x20: {  	[tilespmem:s25], [sflag:$0x3] =	stream.linear.gather [hbm4b:s10+s25], $0x1400, $0x38;
	[tilespmem:$0x1E800] =	vst v63  }
0x21: {  	_ =	swait.ge [sflag:s15], $0x1400  }
0x22: {  	[sflag:s15] =	ssyncset.done $0x0  }
0x23: {  	[sflag:s15] =	ssyncadd.s32 $0xFFFFEC00  }
0x24: {  	[tilespmem:s16], [sflag:$0x3] =	stream.linear.gather [hbm4b:s11+s25], $0x1400, $0x38;
	[tilespmem:$0x1E800] =	vst v63  }
0x25: {  	_ =	swait.ge [sflag:s15], $0x1400  }
0x26: {  	[sflag:s15] =	ssyncset.done $0x0  }
0x27: {  	[sflag:s15] =	ssyncadd.s32 $0xFFFFEC00  }
0x28: {  	[tilespmem:s18], [sflag:$0x1] =	stream.indirect.gather [hbm4b:s4+s17], $0x80, s25, s17, $0xb8;
	[tilespmem:$0x1E800] =	vst v63  }
0x29: {  	s28 =	simm.s32 $0x80  }
0x2a: {  	[tilespmem:s19], [sflag:$0x2] =	stream.indirect.gather [hbm4b:s4+s17], $0x80, s28, s17, $0xb8;
	[tilespmem:$0x1E800] =	vst v63  }
0x2b: {  	_ =	swait.ge [sflag:s20], $0x4000  }
0x2c: {  	[sflag:s20] =	ssyncset.done $0x0  }
0x2d: {  	s29 =	simm.s32 $0x1400;
	[sflag:s20] =	ssyncadd.s32 $0xFFFFC000  }
0x2e: {  	[spmem:s1] =	stream.indirect.scatter.add.f32 [tilespmem:s18], [sflag:$0x3], $0x80, s29, s17, $0xb8;
	[tilespmem:$0x1E800] =	vst v63  }
0x2f: {  	_ =	swait.ge [sflag:s15], $0x4000  }
0x30: {  	[sflag:s15] =	ssyncset.done $0x0  }
0x31: {  	s30 =	simm.s32 $0x100;
	[sflag:s15] =	ssyncadd.s32 $0xFFFFC000  }
0x32: {  	[tilespmem:s18], [sflag:$0x1] =	stream.indirect.gather [hbm4b:s4+s17], $0x80, s30, s17, $0xb8;
	[tilespmem:$0x1E800] =	vst v63  }
0x33: {  	_ =	swait.ge [sflag:s21], $0x4000  }
0x34: {  	[sflag:s21] =	ssyncset.done $0x0  }
0x35: {  	s31 =	simm.s32 $0x1480;
	[sflag:s21] =	ssyncadd.s32 $0xFFFFC000  }
0x36: {  	[spmem:s1] =	stream.indirect.scatter.add.f32 [tilespmem:s19], [sflag:$0x3], $0x80, s31, s17, $0xb8;
	[tilespmem:$0x1E800] =	vst v63  }
0x37: {  	_ =	swait.ge [sflag:s15], $0x4000  }
0x38: {  	s26 =	simm.s32 $0x800;
	s25 =	simm.s32 $0x100;
	[sflag:s15] =	ssyncset.done $0x0  }
.LBB2_6:
0x39: {  	s28 =	sadd.s32 $0x80, s25  }
0x3a: {  	[sflag:s15] =	ssyncadd.s32 $0xFFFFC000;
	s29 =	smov.u32 s26;
	s30 =	sadd.s32 $0x400, s26  }
0x3b: {  	[tilespmem:s19], [sflag:$0x2] =	stream.indirect.gather [hbm4b:s4+s17], $0x80, s28, s17, $0xb8;
	[tilespmem:$0x1E800] =	vst v63  }
0x3c: {  	p1 =	sne.s32 s26, $0x4800;
	_ =	swait.ge [sflag:s20], $0x4000  }
0x3d: {  	[sflag:s20] =	ssyncset.done $0x0  }
0x3e: {  	s26 =	sadd.s32 $0x1400, s25;
	[sflag:s20] =	ssyncadd.s32 $0xFFFFC000  }
0x3f: {  	[spmem:s1] =	stream.indirect.scatter.add.f32 [tilespmem:s18], [sflag:$0x3], $0x80, s26, s17, $0xb8;
	[tilespmem:$0x1E800] =	vst v63  }
0x40: {  	_ =	swait.ge [sflag:s15], $0x4000  }
0x41: {  	[sflag:s15] =	ssyncset.done $0x0  }
0x42: {  	s26 =	sadd.s32 $0x100, s25;
	[sflag:s15] =	ssyncadd.s32 $0xFFFFC000  }
0x43: {  	[tilespmem:s18], [sflag:$0x1] =	stream.indirect.gather [hbm4b:s4+s17], $0x80, s26, s17, $0xb8;
	[tilespmem:$0x1E800] =	vst v63  }
0x44: {  	_ =	swait.ge [sflag:s21], $0x4000  }
.Ltmp3:
0x45: {  	[sflag:s21] =	ssyncset.done $0x0;
	(pc) =	sbr.rel @p1 .LBB2_6-.Ltmp3, $4  }
0x46: {  	s25 =	sadd.s32 $0x1480, s25;
	[sflag:s21] =	ssyncadd.s32 $0xFFFFC000  }
0x47: {  	[spmem:s1] =	stream.indirect.scatter.add.f32 [tilespmem:s19], [sflag:$0x3], $0x80, s25, s17, $0xb8;
	[tilespmem:$0x1E800] =	vst v63  }
0x48: {  	_ =	swait.ge [sflag:s15], $0x4000  }
0x49: {  	s26 =	smov.u32 s30;
	s25 =	sshra.s32 s29, $0x2;
	[sflag:s15] =	ssyncset.done $0x0  }
0x4a: {  	s26 =	sadd.s32 $0x80, s25;
	[sflag:s15] =	ssyncadd.s32 $0xFFFFC000  }
0x4b: {  	[tilespmem:s19], [sflag:$0x2] =	stream.indirect.gather [hbm4b:s4+s17], $0x80, s26, s17, $0xb8;
	[tilespmem:$0x1E800] =	vst v63  }
0x4c: {  	_ =	swait.ge [sflag:s20], $0x4000  }
0x4d: {  	[sflag:s20] =	ssyncset.done $0x0  }
0x4e: {  	s29 =	sadd.s32 $0x1400, s25;
	[sflag:s20] =	ssyncadd.s32 $0xFFFFC000  }
0x4f: {  	[spmem:s1] =	stream.indirect.scatter.add.f32 [tilespmem:s18], [sflag:$0x3], $0x80, s29, s17, $0xb8;
	[tilespmem:$0x1E800] =	vst v63  }
0x50: {  	_ =	swait.ge [sflag:s15], $0x4000  }
0x51: {  	[sflag:s15] =	ssyncset.done $0x0  }
0x52: {  	s30 =	sadd.s32 $0x100, s25;
	[sflag:s15] =	ssyncadd.s32 $0xFFFFC000  }
0x53: {  	[tilespmem:s18], [sflag:$0x1] =	stream.indirect.gather [hbm4b:s4+s17], $0x80, s30, s17, $0xb8;
	[tilespmem:$0x1E800] =	vst v63  }
0x54: {  	_ =	swait.ge [sflag:s21], $0x4000  }
0x55: {  	[sflag:s21] =	ssyncset.done $0x0  }
0x56: {  	s31 =	sadd.s32 $0x1480, s25;
	[sflag:s21] =	ssyncadd.s32 $0xFFFFC000  }
0x57: {  	[spmem:s1] =	stream.indirect.scatter.add.f32 [tilespmem:s19], [sflag:$0x3], $0x80, s31, s17, $0xb8;
	[tilespmem:$0x1E800] =	vst v63  }
0x58: {  	_ =	swait.ge [sflag:s15], $0x4000  }
0x59: {  	[sflag:s15] =	ssyncset.done $0x0  }
0x5a: {  	[sflag:s15] =	ssyncadd.s32 $0xFFFFC000  }
0x5b: {  	[tilespmem:s19], [sflag:$0x2] =	stream.indirect.gather [hbm4b:s4+s17], $0x80, s22, s17, $0xb8;
	[tilespmem:$0x1E800] =	vst v63  }
0x5c: {  	_ =	swait.ge [sflag:s20], $0x4000  }
0x5d: {  	[sflag:s20] =	ssyncset.done $0x0  }
0x5e: {  	[sflag:s20] =	ssyncadd.s32 $0xFFFFC000  }
0x5f: {  	[spmem:s1] =	stream.indirect.scatter.add.f32 [tilespmem:s18], [sflag:$0x3], $0x80, s23, s17, $0xb8;
	[tilespmem:$0x1E800] =	vst v63  }
0x60: {  	_ =	swait.ge [sflag:s15], $0x4000  }
0x61: {  	[sflag:s15] =	ssyncset.done $0x0  }
0x62: {  	[sflag:s15] =	ssyncadd.s32 $0xFFFFC000  }
0x63: {  	_ =	swait.ge [sflag:s21], $0x4000  }
0x64: {  	[sflag:s21] =	ssyncset.done $0x0  }
.Ltmp4:
0x65: {  	[sflag:s21] =	ssyncadd.s32 $0xFFFFC000;
	(pc) =	sbr.rel .LBB2_8-.Ltmp4, $4  }
0x66: {  	[spmem:s1] =	stream.indirect.scatter.add.f32 [tilespmem:s19], [sflag:$0x3], $0x80, s24, s17, $0xb8;
	[tilespmem:$0x1E800] =	vst v63  }
0x67: {  	_ =	swait.ge [sflag:s15], $0x4000  }
0x68: {  	[sflag:s15] =	ssyncset.done $0x0  }
0x69: {  	[sflag:s15] =	ssyncadd.s32 $0xFFFFC000  }
.LBB2_2:
0x6a: {  	s26 =	smul.u32 $0x28, s25;
	_ =	sdelay $0x1  }
0x6b: {  	s26 =	sadd.s32 s9, s26  }
0x6c: {  	s26 =	sshll.u32 s26, $0x4  }
0x6d: {  	s29 =	simm.s32 $0x0;
	s28 =	sadd.s32 s5, s26  }
0x6e: {  	[tilespmem:s29], [sflag:$0x3] =	stream.linear.gather [hbm4b:s28+s29], $0x1400, $0x38;
	[tilespmem:$0x1E800] =	vst v63  }
0x6f: {  	_ =	swait.ge [sflag:s15], $0x1400  }
0x70: {  	[sflag:s15] =	ssyncset.done $0x0  }
0x71: {  	s26 =	sadd.s32 s6, s26;
	[sflag:s15] =	ssyncadd.s32 $0xFFFFEC00  }
0x72: {  	[tilespmem:s16], [sflag:$0x3] =	stream.linear.gather [hbm4b:s26+s29], $0x1400, $0x38;
	[tilespmem:$0x1E800] =	vst v63  }
0x73: {  	_ =	swait.ge [sflag:s15], $0x1400  }
0x74: {  	[sflag:s15] =	ssyncset.done $0x0  }
0x75: {  	[sflag:s15] =	ssyncadd.s32 $0xFFFFEC00  }
0x76: {  	[tilespmem:s18], [sflag:$0x1] =	stream.indirect.gather [hbm4b:s4+s17], $0x80, s29, s17, $0xb8;
	[tilespmem:$0x1E800] =	vst v63  }
0x77: {  	s31 =	simm.s32 $0x80  }
0x78: {  	[tilespmem:s19], [sflag:$0x2] =	stream.indirect.gather [hbm4b:s4+s17], $0x80, s31, s17, $0xb8;
	[tilespmem:$0x1E800] =	vst v63  }
0x79: {  	_ =	swait.ge [sflag:s20], $0x4000  }
0x7a: {  	[sflag:s20] =	ssyncset.done $0x0  }
0x7b: {  	s29 =	simm.s32 $0x1400;
	[sflag:s20] =	ssyncadd.s32 $0xFFFFC000  }
0x7c: {  	[spmem:s1] =	stream.indirect.scatter.add.f32 [tilespmem:s18], [sflag:$0x3], $0x80, s29, s17, $0xb8;
	[tilespmem:$0x1E800] =	vst v63  }
0x7d: {  	_ =	swait.ge [sflag:s15], $0x4000  }
0x7e: {  	[sflag:s15] =	ssyncset.done $0x0  }
0x7f: {  	s30 =	simm.s32 $0x100;
	[sflag:s15] =	ssyncadd.s32 $0xFFFFC000  }
0x80: {  	[tilespmem:s18], [sflag:$0x1] =	stream.indirect.gather [hbm4b:s4+s17], $0x80, s30, s17, $0xb8;
	[tilespmem:$0x1E800] =	vst v63  }
0x81: {  	_ =	swait.ge [sflag:s21], $0x4000  }
0x82: {  	[sflag:s21] =	ssyncset.done $0x0  }
0x83: {  	s31 =	simm.s32 $0x1480;
	[sflag:s21] =	ssyncadd.s32 $0xFFFFC000  }
0x84: {  	[spmem:s1] =	stream.indirect.scatter.add.f32 [tilespmem:s19], [sflag:$0x3], $0x80, s31, s17, $0xb8;
	[tilespmem:$0x1E800] =	vst v63  }
0x85: {  	_ =	swait.ge [sflag:s15], $0x4000  }
0x86: {  	s28 =	simm.s32 $0x800;
	s26 =	simm.s32 $0x100;
	[sflag:s15] =	ssyncset.done $0x0  }
.LBB2_3:
0x87: {  	s29 =	sadd.s32 $0x80, s26  }
0x88: {  	[sflag:s15] =	ssyncadd.s32 $0xFFFFC000;
	s30 =	smov.u32 s28;
	s31 =	sadd.s32 $0x400, s28  }
0x89: {  	[tilespmem:s19], [sflag:$0x2] =	stream.indirect.gather [hbm4b:s4+s17], $0x80, s29, s17, $0xb8;
	[tilespmem:$0x1E800] =	vst v63  }
0x8a: {  	p1 =	sne.s32 s28, $0x4800;
	_ =	swait.ge [sflag:s20], $0x4000  }
0x8b: {  	[sflag:s20] =	ssyncset.done $0x0  }
0x8c: {  	s28 =	sadd.s32 $0x1400, s26;
	[sflag:s20] =	ssyncadd.s32 $0xFFFFC000  }
0x8d: {  	[spmem:s1] =	stream.indirect.scatter.add.f32 [tilespmem:s18], [sflag:$0x3], $0x80, s28, s17, $0xb8;
	[tilespmem:$0x1E800] =	vst v63  }
0x8e: {  	_ =	swait.ge [sflag:s15], $0x4000  }
0x8f: {  	[sflag:s15] =	ssyncset.done $0x0  }
0x90: {  	s28 =	sadd.s32 $0x100, s26;
	[sflag:s15] =	ssyncadd.s32 $0xFFFFC000  }
0x91: {  	[tilespmem:s18], [sflag:$0x1] =	stream.indirect.gather [hbm4b:s4+s17], $0x80, s28, s17, $0xb8;
	[tilespmem:$0x1E800] =	vst v63  }
0x92: {  	_ =	swait.ge [sflag:s21], $0x4000  }
.Ltmp5:
0x93: {  	[sflag:s21] =	ssyncset.done $0x0;
	(pc) =	sbr.rel @p1 .LBB2_3-.Ltmp5, $4  }
0x94: {  	s26 =	sadd.s32 $0x1480, s26;
	[sflag:s21] =	ssyncadd.s32 $0xFFFFC000  }
0x95: {  	[spmem:s1] =	stream.indirect.scatter.add.f32 [tilespmem:s19], [sflag:$0x3], $0x80, s26, s17, $0xb8;
	[tilespmem:$0x1E800] =	vst v63  }
0x96: {  	_ =	swait.ge [sflag:s15], $0x4000  }
0x97: {  	s28 =	smov.u32 s31;
	s26 =	sshra.s32 s30, $0x2;
	[sflag:s15] =	ssyncset.done $0x0  }
0x98: {  	s28 =	sadd.s32 $0x80, s26;
	[sflag:s15] =	ssyncadd.s32 $0xFFFFC000  }
0x99: {  	[tilespmem:s19], [sflag:$0x2] =	stream.indirect.gather [hbm4b:s4+s17], $0x80, s28, s17, $0xb8;
	[tilespmem:$0x1E800] =	vst v63  }
0x9a: {  	_ =	swait.ge [sflag:s20], $0x4000  }
0x9b: {  	[sflag:s20] =	ssyncset.done $0x0  }
0x9c: {  	s29 =	sadd.s32 $0x1400, s26;
	[sflag:s20] =	ssyncadd.s32 $0xFFFFC000  }
0x9d: {  	[spmem:s1] =	stream.indirect.scatter.add.f32 [tilespmem:s18], [sflag:$0x3], $0x80, s29, s17, $0xb8;
	[tilespmem:$0x1E800] =	vst v63  }
0x9e: {  	_ =	swait.ge [sflag:s15], $0x4000  }
0x9f: {  	[sflag:s15] =	ssyncset.done $0x0  }
0xa0: {  	s30 =	sadd.s32 $0x100, s26;
	[sflag:s15] =	ssyncadd.s32 $0xFFFFC000  }
0xa1: {  	[tilespmem:s18], [sflag:$0x1] =	stream.indirect.gather [hbm4b:s4+s17], $0x80, s30, s17, $0xb8;
	[tilespmem:$0x1E800] =	vst v63  }
0xa2: {  	_ =	swait.ge [sflag:s21], $0x4000  }
0xa3: {  	[sflag:s21] =	ssyncset.done $0x0  }
0xa4: {  	s31 =	sadd.s32 $0x1480, s26;
	[sflag:s21] =	ssyncadd.s32 $0xFFFFC000  }
0xa5: {  	[spmem:s1] =	stream.indirect.scatter.add.f32 [tilespmem:s19], [sflag:$0x3], $0x80, s31, s17, $0xb8;
	[tilespmem:$0x1E800] =	vst v63  }
0xa6: {  	_ =	swait.ge [sflag:s15], $0x4000  }
0xa7: {  	[sflag:s15] =	ssyncset.done $0x0  }
0xa8: {  	[sflag:s15] =	ssyncadd.s32 $0xFFFFC000  }
0xa9: {  	[tilespmem:s19], [sflag:$0x2] =	stream.indirect.gather [hbm4b:s4+s17], $0x80, s22, s17, $0xb8;
	[tilespmem:$0x1E800] =	vst v63  }
0xaa: {  	_ =	swait.ge [sflag:s20], $0x4000  }
0xab: {  	[sflag:s20] =	ssyncset.done $0x0  }
0xac: {  	[sflag:s20] =	ssyncadd.s32 $0xFFFFC000  }
0xad: {  	[spmem:s1] =	stream.indirect.scatter.add.f32 [tilespmem:s18], [sflag:$0x3], $0x80, s23, s17, $0xb8;
	[tilespmem:$0x1E800] =	vst v63  }
0xae: {  	_ =	swait.ge [sflag:s15], $0x4000  }
0xaf: {  	[sflag:s15] =	ssyncset.done $0x0  }
0xb0: {  	[sflag:s15] =	ssyncadd.s32 $0xFFFFC000  }
0xb1: {  	_ =	swait.ge [sflag:s21], $0x4000  }
0xb2: {  	s25 =	sadd.s32 $0x1, s25;
	[sflag:s21] =	ssyncset.done $0x0  }
0xb3: {  	p1 =	seq.s32 s25, $0x3;
	[sflag:s21] =	ssyncadd.s32 $0xFFFFC000  }
0xb4: {  	[spmem:s1] =	stream.indirect.scatter.add.f32 [tilespmem:s19], [sflag:$0x3], $0x80, s24, s17, $0xb8;
	[tilespmem:$0x1E800] =	vst v63  }
.Ltmp6:
0xb5: {  	_ = 	snop;
	(pc) =	sbr.rel @!p1 .LBB2_2-.Ltmp6, $4  }
.Ltmp7:
0xb6: {  	_ = 	snop;
	(pc) =	sbr.rel @p1 .LBB2_8-.Ltmp7, $4  }
0xb7: {  	_ =	swait.ge [sflag:s15], $0x4000  }
0xb8: {  	[sflag:s15] =	ssyncset.done $0x0  }
0xb9: {  	[sflag:s15] =	ssyncadd.s32 $0xFFFFC000  }
0xba: {  	_ = 	snop  }
.LBB2_9:
0xbb: {  	_ =	sfence.sel $0x180000  }
0xbc: {  	[bflag:$0x0] =	sbarrier.arrive $0xFFFF  }
0xbd: {  	p0 =	sne.s32 s2, $0x0;
	_ =	strace $0x9000004A  }
0xbe: {  	s0 =	sadd.s32 @!p0 $0x100000, s0;
	[bflag:$0x2] =	sbarrier.arrive $0xFFFF  }
0xbf: {  	[sflag:s0] =	ssyncadd.tile.s32 @!p0 $0x1;
	_ =	shalt  }
.Lfunc_end2:
_tile_overlayer_lowered:
.L_overlay_start_2:
0xc0: {  	(tag) =	ssettag $0x2  }
0xc1: {  	s0 =	rddreg [dreg:$0x0];
	s2 =	stileid.u32  }
0xc2: {  	s1 =	rddreg [dreg:$0x1];
	p0 =	sne.s32 s2, $0x0  }
0xc3: {  	s3 =	rddreg [dreg:$0x2];
	[bflag:$0x3] =	sbarrier.arrive $0xFFFF;
	s2 =	simm.s32 @!p0 $0x1C03  }
0xc4: {  	[timem:s3], [sflag:s2] =	dma.local @!p0 [hbm:s0], s1  }
0xc5: {  	s0 =	simm.s32 @!p0 $0x3  }
0xc6: {  	_ =	swait.ge @!p0 [sflag:s0], s1  }
0xc7: {  	s1 =	ssub.s32 @!p0 $0x0, s1;
	[sflag:s0] =	ssyncset.done @!p0 $0x0  }
0xc8: {  	[sflag:s0] =	ssyncadd.s32 @!p0 s1  }
0xc9: {  	[bflag:$0x3] =	sbarrier.arrive $0xFFFF  }
0xca: {  	_ =	shalt  }

// kernel: kernel.20.cloned.1.call-start
scs
__scs_entry_jumppad:
0x0: {  	(pc) =	sbr.rel $0x88, $3  }
0x1: {  	(tag) =	ssettag $0x0;
	lr =	simm.s32 $0x1  }
0x2: {  	[smem:$0x3F92] =	sst lr;
	_ =	strace $0xD0000000  }
0x3: {  	_ = 	snop  }
0x4: {  	_ = 	snop  }
0x5: {  	_ = 	snop  }
0x6: {  	_ = 	snop  }
0x7: {  	_ = 	snop  }
__scs_overlays_trampoline_lowered:
0x8: {  	[smem:$0x3FA1] =	sst s0  }
0x9: {  	[smem:$0x3FA2] =	sst s1  }
0xa: {  	[smem:$0x3FA3] =	sst s2  }
0xb: {  	[smem:$0x3FA4] =	sst s3  }
0xc: {  	[smem:$0x3FA5] =	sst s4  }
0xd: {  	[smem:$0x3FA6] =	sst s5  }
0xe: {  	[smem:$0x3FA7] =	sst s6  }
0xf: {  	[smem:$0x3FA8] =	sst s7  }
0x10: {  	[smem:$0x3FA9] =	sst s8  }
0x11: {  	[smem:$0x3FAA] =	sst s9;
	s0 =	simm.s32 @!p0 $0x0  }
0x12: {  	s1 =	sld [smem:$0x3F90];
	s0 =	simm.s32 @p0 $0x1  }
0x13: {  	[smem:$0x3FAB] =	sst s0;
	s0 =	simm.s32 @!p1 $0x0  }
0x14: {  	s2 =	sld [smem:$0x3F8F];
	s0 =	simm.s32 @p1 $0x1  }
0x15: {  	[smem:$0x3FAC] =	sst s0;
	s0 =	simm.s32 @!p2 $0x0  }
0x16: {  	s3 =	sld [smem:$0x3FDB];
	s0 =	simm.s32 @p2 $0x1  }
0x17: {  	s4 =	simm.s32 $0x1BF5;
	[smem:$0x3FAE] =	sst s0  }
0x18: {  	s0 =	sld [smem:$0x3F91];
	_ =	swait.ge [sflag:s4], $0x0  }
0x19: {  	s7 =	sld [smem:$0x3F92]  }
0x1a: {  	s8 =	sadd.s32 $0xFFFFE003, lr  }
0x1b: {  	s9 =	sadd.s32 $0xFFFFFEF7, lr;
	s5 =	simm.s32 $0xFFFFFFFF;
	p2 =	slt.u32 s8, $0xFFFFF086  }
0x1c: {  	p1 =	slt.u32 s9, $0xF7A;
	s5 =	simm.s32 @!p2 $0x0  }
0x1d: {  	s5 =	simm.s32 @p1 $0x1;
	p0 =	seq.s32 s7, s2  }
0x1e: {  	s7 =	smul.u32 @!p0 $0xF7A, s2;
	p2 =	seq.s32 @!p0 s5, $0x0  }
0x1f: {  	s9 =	smul.u32 $0xF7A, s1;
	s8 =	simm.s32 @!p0 $0x1BF5;
	p2 =	por !p2, p0  }
0x20: {  	[sflag:s8] =	ssyncset.s32 @!p0 $0xFFFFF086;
	s6 =	sadd.s32 @!p0 s3, s7;
	s7 =	simm.s32 @!p0 $0x108  }
0x21: {  	s3 =	sadd.s32 s3, s9;
	s6 =	sadd.s32 @!p0 $0x88, s6;
	s7 =	simm.s32 @p2 $0x1082  }
0x22: {  	[simem:s7], [sflag:s8] =	dma.local @!p0 [hbm:s6], $0xF7A  }
0x23: {  	s9 =	sor.u32 $0xD0000000, s2;
	s6 =	simm.s32 $0x108;
	_ =	swait.ge @!p0 [sflag:s8], $0x0  }
0x24: {  	s3 =	sadd.s32 $0x88, s3;
	s6 =	simm.s32 @!p1 $0x1082;
	[sflag:s4] =	ssyncset.s32 $0xFFFFF086  }
0x25: {  	[simem:s6], [sflag:s4] =	dma.local [hbm:s3], $0xF7A  }
0x26: {  	[smem:$0x3F92] =	sst s1;
	(tag) =	ssettag s2;
	_ =	strace s9  }
0x27: {  	s1 =	sld [smem:$0x3FA2]  }
0x28: {  	s2 =	sld [smem:$0x3FA3]  }
0x29: {  	s4 =	sld [smem:$0x3FA5]  }
0x2a: {  	p0 =	seq.s32 s5, $0x0;
	s5 =	sld [smem:$0x3FA6]  }
0x2b: {  	s6 =	sld [smem:$0x3FA7]  }
0x2c: {  	s7 =	sld [smem:$0x3FA8]  }
0x2d: {  	s3 =	simm.s32 $0x108;
	s8 =	sld [smem:$0x3FA9]  }
0x2e: {  	s3 =	simm.s32 @!p0 $0x1082;
	s9 =	sld [smem:$0x3FAA]  }
0x2f: {  	lr =	sadd.s32 s0, s3;
	s0 =	sld [smem:$0x3FA1]  }
0x30: {  	s3 =	sld [smem:$0x3FA4]  }
0x31: {  	[smem:$0x3FAD] =	sst s10  }
0x32: {  	s10 =	sld [smem:$0x3FAB];
	_ =	sdelay $0x3  }
0x33: {  	p0 =	seq.s32 s10, $0x1;
	s10 =	sld [smem:$0x3FAD];
	_ =	sdelay $0x3  }
0x34: {  	[smem:$0x3FAD] =	sst s10  }
0x35: {  	s10 =	sld [smem:$0x3FAC];
	_ =	sdelay $0x3  }
0x36: {  	p1 =	seq.s32 s10, $0x1;
	s10 =	sld [smem:$0x3FAD];
	_ =	sdelay $0x3  }
0x37: {  	[smem:$0x3FAD] =	sst s10  }
0x38: {  	s10 =	sld [smem:$0x3FAE]  }
0x39: {  	_ = 	snop;
	(pc) =	sbr.ind lr, $3  }
0x3a: {  	_ = 	snop  }
0x3b: {  	_ = 	snop  }
0x3c: {  	p2 =	seq.s32 s10, $0x1;
	s10 =	sld [smem:$0x3FAD]  }
0x3d: {  	_ =	shalt  }
0x3e: {  	_ =	shalt  }
0x3f: {  	_ =	shalt  }
0x40: {  	_ =	shalt  }
0x41: {  	_ =	shalt  }
0x42: {  	_ =	shalt  }
0x43: {  	_ =	shalt  }
0x44: {  	_ =	shalt  }
0x45: {  	_ =	shalt  }
0x46: {  	_ =	shalt  }
0x47: {  	_ =	shalt  }
0x48: {  	_ =	shalt  }
0x49: {  	_ =	shalt  }
0x4a: {  	_ =	shalt  }
0x4b: {  	_ =	shalt  }
0x4c: {  	_ =	shalt  }
0x4d: {  	_ =	shalt  }
0x4e: {  	_ =	shalt  }
0x4f: {  	_ =	shalt  }
0x50: {  	_ =	shalt  }
0x51: {  	_ =	shalt  }
0x52: {  	_ =	shalt  }
0x53: {  	_ =	shalt  }
0x54: {  	_ =	shalt  }
0x55: {  	_ =	shalt  }
0x56: {  	_ =	shalt  }
0x57: {  	_ =	shalt  }
0x58: {  	_ =	shalt  }
0x59: {  	_ =	shalt  }
0x5a: {  	_ =	shalt  }
0x5b: {  	_ =	shalt  }
0x5c: {  	_ =	shalt  }
0x5d: {  	_ =	shalt  }
0x5e: {  	_ =	shalt  }
0x5f: {  	_ =	shalt  }
0x60: {  	_ =	shalt  }
0x61: {  	_ =	shalt  }
0x62: {  	_ =	shalt  }
0x63: {  	_ =	shalt  }
0x64: {  	_ =	shalt  }
0x65: {  	_ =	shalt  }
0x66: {  	_ =	shalt  }
0x67: {  	_ =	shalt  }
0x68: {  	_ =	shalt  }
0x69: {  	_ =	shalt  }
0x6a: {  	_ =	shalt  }
0x6b: {  	_ =	shalt  }
0x6c: {  	_ =	shalt  }
0x6d: {  	_ =	shalt  }
0x6e: {  	_ =	shalt  }
0x6f: {  	_ =	shalt  }
0x70: {  	_ =	shalt  }
0x71: {  	_ =	shalt  }
0x72: {  	_ =	shalt  }
0x73: {  	_ =	shalt  }
0x74: {  	_ =	shalt  }
0x75: {  	_ =	shalt  }
0x76: {  	_ =	shalt  }
0x77: {  	_ =	shalt  }
0x78: {  	_ =	shalt  }
0x79: {  	_ =	shalt  }
0x7a: {  	_ =	shalt  }
0x7b: {  	_ =	shalt  }
0x7c: {  	_ =	shalt  }
0x7d: {  	_ =	shalt  }
0x7e: {  	_ =	shalt  }
0x7f: {  	_ =	shalt  }
0x80: {  	_ =	shalt  }
0x81: {  	_ =	shalt  }
0x82: {  	_ =	shalt  }
0x83: {  	_ =	shalt  }
0x84: {  	_ =	shalt  }
0x85: {  	_ =	shalt  }
0x86: {  	_ =	shalt  }
0x87: {  	_ =	shalt  }
.Lfunc_end0:
.L_simem_size_0:
called_computation.2_lowered:
.L_overlay_start_0:
0x88: {  	s2 =	sld [smem:$0x3FD9]  }
0x89: {  	s3 =	sld [smem:$0x3FFE];
	_ =	sdelay $0x1  }
0x8a: {  	s1 =	srdreg.scid  }
0x8b: {  	s0 =	sand.u32 $0x1, s1  }
0x8c: {  	s16 =	sshll.u32 s0, $0xA;
	s2 =	sadd.s32 s3, s2  }
0x8d: {  	s2 =	sadd.s32 s2, s16  }
0x8e: {  	[smem:$0x3FB9] =	sst s2  }
0x8f: {  	_ = 	snop  }
0x90: {  	(tm) =	ssettm $0x1  }
0x91: {  	s17 =	sld [smem:$0x3FFB];
	_ =	sdelay $0x3  }
0x92: {  	_ =	strace s17  }
0x93: {  	s2 =	sld [smem:$0x3FFC];
	_ =	sdelay $0x3  }
0x94: {  	_ =	strace s2  }
0x95: {  	s2 =	sld [smem:$0x3FFD];
	_ =	sdelay $0x3  }
0x96: {  	_ =	strace s2  }
0x97: {  	_ =	strace $0x8FFFFFFF  }
0x98: {  	s18 =	sld [smem:$0x3FDB];
	_ =	sdelay $0x1  }
0x99: {  	s19 =	simm.s32 $_scs_section_size  }
0x9a: {  	s4 =	simm.s32 $_size__tile_overlayer_lowered;
	s5 =	simm.s32 $_tile_overlayer_lowered  }
0x9b: {  	s22 =	simm.s32 $0x1BFF;
	s21 =	sshll.u32 s5, $0x1;
	s2 =	sadd.s32 s19, s18  }
0x9c: {  	s6 =	simm.s32 $0x0;
	s20 =	sshll.u32 s4, $0x1;
	s4 =	sadd.s32 s21, s2  }
0x9d: {  	[timem:s6], [sflag:s22] =	dma.local [hbm:s4], s20  }
0x9e: {  	_ =	swait.ge [sflag:s22], s20  }
0x9f: {  	s3 =	ssub.s32 $0x0, s20;
	[sflag:s22] =	ssyncset.done $0x0  }
0xa0: {  	[sflag:s22] =	ssyncadd.s32 s3;
	_ =	sdelay $0x1  }
0xa1: {  	s23 =	simm.s32 $0x1B8B  }
0xa2: {  	_ =	swait.ge [sflag:s23], $0x1  }
0xa3: {  	[sflag:s23] =	ssyncset.done $0x0  }
0xa4: {  	s25 =	simm.s32 $0x1B8E;
	s24 =	sld [smem:$0x3FFE];
	[sflag:s23] =	ssyncadd.s32 $0xFFFFFFFF  }
0xa5: {  	s26 =	simm.s32 $execute0_lowered;
	[smem:$0x3FD2] =	sst s25  }
0xa6: {  	s4 =	sshll.u32 s26, $0x1;
	_ =	strace $0x8000004C;
	[dreg:$0x1] =	wrdreg $0xFFFFFFFF  }
0xa7: {  	s28 =	simm.s32 $_size_execute0_lowered;
	s2 =	sadd.s32 s2, s4;
	[dreg:$0x0] =	wrdreg $0x0  }
0xa8: {  	s4 =	sshll.u32 s28, $0x1;
	[dreg:$0x2] =	wrdreg s2  }
0xa9: {  	[dreg:$0x3] =	wrdreg s4  }
0xaa: {  	[dreg:$0x4] =	wrdreg $0xC0  }
0xab: {  	_ =	task [dreg:s6], $0x5FFFF  }
0xac: {  	[dreg:$0x1] =	wrdreg $0xFFFFFFFF  }
0xad: {  	[dreg:$0x0] =	wrdreg $0x60  }
0xae: {  	[dreg:$0x2] =	wrdreg s24  }
0xaf: {  	[dreg:$0x3] =	wrdreg $0xA8000  }
0xb0: {  	[dreg:$0x4] =	wrdreg $0x9  }
0xb1: {  	_ =	task.clear_ibuf [dreg:s6], $0x5FFFF;
	_ =	strace $0x9000004C  }
0xb2: {  	s29 =	simm.s32 $0x9;
	_ =	strace $0x8000004E  }
0xb3: {  	_ =	swait.ge [sflag:s29], $0x1  }
0xb4: {  	[sflag:s29] =	ssyncadd.s32 $0xFFFFFFFF  }
0xb5: {  	_ =	strace $0x9000004E  }
0xb6: {  	_ =	sfence  }
0xb7: {  	s30 =	sld [smem:$0x0];
	_ =	sdelay $0x2  }
0xb8: {  	s31 =	sshll.u32 s1, $0xD;
	s1 =	sshrl.u32 s1, $0x2  }
0xb9: {  	s3 =	sand.u32 $0x4000, s31;
	s1 =	sadd.s32 s1, s30  }
0xba: {  	s0 =	sor.u32 s3, s0;
	s1 =	sshll.u32 s1, $0x11  }
0xbb: {  	s0 =	sor.u32 s1, s0  }
0xbc: {  	s0 =	sadd.s32 $0x8F2B, s0  }
0xbd: {  	[sflag:s0] =	ssyncadd.remote.s32 $0x1  }
0xbe: {  	_ =	sfence.sel $0xFFFF  }
0xbf: {  	[dreg:$0x0] =	wrdreg $0xFFFFFFFF;
	(pc) =	sbr.abs _section_cstart, $3  }
0xc0: {  	[dreg:$0x1] =	wrdreg $0xFFFFFFFF  }
0xc1: {  	_ =	task.clear_ibuf [dreg:s6], $0x2FFFF;
	_ =	strace $0x9FFFFFFF  }
0xc2: {  	(tm) =	ssettm $0x7FFFFFFF  }
0xc3: {  	_ =	shalt  }
tec
execute0_lowered:
.L_overlay_start_1:
0x0: {  	(tag) =	ssettag $0x1  }
0x1: {  	s8 =	rddreg [dreg:$0x0]  }
0x2: {  	s1 =	rddreg [dreg:$0x1]  }
0x3: {  	s2 =	srdreg.scid;
	s0 =	rddreg [dreg:$0x2];
	s3 =	simm.s32 $0x0  }
0x4: {  	s16 =	simm.s32 $0x1400;
	s17 =	simm.s32 $0x80;
	s18 =	simm.s32 $0x2800  }
0x5: {  	s19 =	simm.s32 $0x6800;
	s20 =	simm.s32 $0x1;
	s21 =	simm.s32 $0x2  }
0x6: {  	s22 =	simm.s32 $0x1380;
	s23 =	simm.s32 $0x2700;
	s24 =	simm.s32 $0x2780  }
0x7: {  	s9 =	sand.u32 $0x1, s2;
	s2 =	stileid.u32;
	[smem:$0x7FF] =	sst s3  }
0x8: {  	s4 =	sadd.s32 $0x19E00, s8;
	s5 =	sadd.s32 $0x3600, s8;
	s10 =	smul.u32 $0x140000, s9  }
0x9: {  	s6 =	sadd.s32 $0xD600, s8;
	s7 =	sadd.s32 $0x17600, s8;
	s11 =	smul.u32 $0x14000, s2  }
0xa: {  	_ =	strace $0x8000004D;
	s25 =	ssub.s32 $0x2, s9;
	s12 =	smul.u32 $0x50000, s2  }
0xb: {  	s28 =	smul.u32 $0x1400, s2;
	s30 =	sshll.u32 s2, $0x6;
	p0 =	seq.s32 s9, $0x1  }
0xc: {  	s9 =	smul.u32 $0x78, s2;
	s26 =	sshrl.u32 s25, $0x1;
	s10 =	sadd.s32 s11, s10  }
.Ltmp0:
0xd: {  	s14 =	ssub.s32 s25, s26;
	s10 =	sshrl.u32 s10, $0x3;
	(pc) =	sbr.rel .LBB2_1-.Ltmp0, $4  }
0xe: {  	s29 =	sshrl.u32 s12, $0x2;
	s13 =	sadd.s32 s10, s8;
	s10 =	sshrl.u32 s28, $0x3  }
0xf: {  	s15 =	sadd.s32 s29, s1;
	s8 =	sor.u32 $0x1C03, s30;
	s31 =	sadd.s32 $0x7800, s10  }
0x10: {  	s12 =	sadd.s32 $0x41E00, s13;
	s13 =	smax.u32 s14, $0x1;
	s14 =	sshrl.u32 s15, $0x3  }
0x11: {  	s15 =	simm.s32 $0x3;
	s10 =	sadd.s32 s5, s31;
	s11 =	sadd.s32 s6, s31  }
.LBB2_8:
0x12: {  	s3 =	sadd.s32 $0x1, s3  }
0x13: {  	p1 =	sne.s32 s3, s13  }
.Ltmp1:
0x14: {  	[bflag:$0x0] =	sbarrier.arrive $0xFFFF;
	(pc) =	sbr.rel @!p1 .LBB2_9-.Ltmp1, $4  }
0x15: {  	[hbm:s12], [sflag:s8] =	dma.local [spmem:s14], $0x2800  }
0x16: {  	_ =	swait.ge [sflag:s15], $0x2800  }
0x17: {  	[sflag:s15] =	ssyncset.done $0x0  }
0x18: {  	[sflag:s15] =	ssyncadd.s32 $0xFFFFD800  }
.LBB2_1:
0x19: {  	[spmem:s14], [sflag:s8] =	dma.local [hbm:s7], $0x2800  }
.Ltmp2:
0x1a: {  	_ =	swait.ge [sflag:s15], $0x2800;
	(pc) =	sbr.rel @!p0 .LBB2_2-.Ltmp2, $4  }
0x1b: {  	[sflag:s15] =	ssyncset.done $0x0  }
0x1c: {  	[sflag:s15] =	ssyncadd.s32 $0xFFFFD800  }
0x1d: {  	[bflag:$0x0] =	sbarrier.arrive $0xFFFF  }
0x1e: {  	s25 =	simm.s32 $0x0  }
0x1f: {  	s25 =	simm.s32 $0x0  }
0x20: {  	[tilespmem:s25], [sflag:$0x3] =	stream.linear.gather [hbm4b:s10+s25], $0x1400, $0x38;
	[tilespmem:$0x1E800] =	vst v63  }
0x21: {  	_ =	swait.ge [sflag:s15], $0x1400  }
0x22: {  	[sflag:s15] =	ssyncset.done $0x0  }
0x23: {  	[sflag:s15] =	ssyncadd.s32 $0xFFFFEC00  }
0x24: {  	[tilespmem:s16], [sflag:$0x3] =	stream.linear.gather [hbm4b:s11+s25], $0x1400, $0x38;
	[tilespmem:$0x1E800] =	vst v63  }
0x25: {  	_ =	swait.ge [sflag:s15], $0x1400  }
0x26: {  	[sflag:s15] =	ssyncset.done $0x0  }
0x27: {  	[sflag:s15] =	ssyncadd.s32 $0xFFFFEC00  }
0x28: {  	[tilespmem:s18], [sflag:$0x1] =	stream.indirect.gather [hbm4b:s4+s17], $0x80, s25, s17, $0xb8;
	[tilespmem:$0x1E800] =	vst v63  }
0x29: {  	s28 =	simm.s32 $0x80  }
0x2a: {  	[tilespmem:s19], [sflag:$0x2] =	stream.indirect.gather [hbm4b:s4+s17], $0x80, s28, s17, $0xb8;
	[tilespmem:$0x1E800] =	vst v63  }
0x2b: {  	_ =	swait.ge [sflag:s20], $0x4000  }
0x2c: {  	[sflag:s20] =	ssyncset.done $0x0  }
0x2d: {  	s29 =	simm.s32 $0x1400;
	[sflag:s20] =	ssyncadd.s32 $0xFFFFC000  }
0x2e: {  	[spmem:s1] =	stream.indirect.scatter.add.f32 [tilespmem:s18], [sflag:$0x3], $0x80, s29, s17, $0xb8;
	[tilespmem:$0x1E800] =	vst v63  }
0x2f: {  	_ =	swait.ge [sflag:s15], $0x4000  }
0x30: {  	[sflag:s15] =	ssyncset.done $0x0  }
0x31: {  	s30 =	simm.s32 $0x100;
	[sflag:s15] =	ssyncadd.s32 $0xFFFFC000  }
0x32: {  	[tilespmem:s18], [sflag:$0x1] =	stream.indirect.gather [hbm4b:s4+s17], $0x80, s30, s17, $0xb8;
	[tilespmem:$0x1E800] =	vst v63  }
0x33: {  	_ =	swait.ge [sflag:s21], $0x4000  }
0x34: {  	[sflag:s21] =	ssyncset.done $0x0  }
0x35: {  	s31 =	simm.s32 $0x1480;
	[sflag:s21] =	ssyncadd.s32 $0xFFFFC000  }
0x36: {  	[spmem:s1] =	stream.indirect.scatter.add.f32 [tilespmem:s19], [sflag:$0x3], $0x80, s31, s17, $0xb8;
	[tilespmem:$0x1E800] =	vst v63  }
0x37: {  	_ =	swait.ge [sflag:s15], $0x4000  }
0x38: {  	s26 =	simm.s32 $0x800;
	s25 =	simm.s32 $0x100;
	[sflag:s15] =	ssyncset.done $0x0  }
.LBB2_6:
0x39: {  	s28 =	sadd.s32 $0x80, s25  }
0x3a: {  	[sflag:s15] =	ssyncadd.s32 $0xFFFFC000;
	s29 =	smov.u32 s26;
	s30 =	sadd.s32 $0x400, s26  }
0x3b: {  	[tilespmem:s19], [sflag:$0x2] =	stream.indirect.gather [hbm4b:s4+s17], $0x80, s28, s17, $0xb8;
	[tilespmem:$0x1E800] =	vst v63  }
0x3c: {  	p1 =	sne.s32 s26, $0x4800;
	_ =	swait.ge [sflag:s20], $0x4000  }
0x3d: {  	[sflag:s20] =	ssyncset.done $0x0  }
0x3e: {  	s26 =	sadd.s32 $0x1400, s25;
	[sflag:s20] =	ssyncadd.s32 $0xFFFFC000  }
0x3f: {  	[spmem:s1] =	stream.indirect.scatter.add.f32 [tilespmem:s18], [sflag:$0x3], $0x80, s26, s17, $0xb8;
	[tilespmem:$0x1E800] =	vst v63  }
0x40: {  	_ =	swait.ge [sflag:s15], $0x4000  }
0x41: {  	[sflag:s15] =	ssyncset.done $0x0  }
0x42: {  	s26 =	sadd.s32 $0x100, s25;
	[sflag:s15] =	ssyncadd.s32 $0xFFFFC000  }
0x43: {  	[tilespmem:s18], [sflag:$0x1] =	stream.indirect.gather [hbm4b:s4+s17], $0x80, s26, s17, $0xb8;
	[tilespmem:$0x1E800] =	vst v63  }
0x44: {  	_ =	swait.ge [sflag:s21], $0x4000  }
.Ltmp3:
0x45: {  	[sflag:s21] =	ssyncset.done $0x0;
	(pc) =	sbr.rel @p1 .LBB2_6-.Ltmp3, $4  }
0x46: {  	s25 =	sadd.s32 $0x1480, s25;
	[sflag:s21] =	ssyncadd.s32 $0xFFFFC000  }
0x47: {  	[spmem:s1] =	stream.indirect.scatter.add.f32 [tilespmem:s19], [sflag:$0x3], $0x80, s25, s17, $0xb8;
	[tilespmem:$0x1E800] =	vst v63  }
0x48: {  	_ =	swait.ge [sflag:s15], $0x4000  }
0x49: {  	s26 =	smov.u32 s30;
	s25 =	sshra.s32 s29, $0x2;
	[sflag:s15] =	ssyncset.done $0x0  }
0x4a: {  	s26 =	sadd.s32 $0x80, s25;
	[sflag:s15] =	ssyncadd.s32 $0xFFFFC000  }
0x4b: {  	[tilespmem:s19], [sflag:$0x2] =	stream.indirect.gather [hbm4b:s4+s17], $0x80, s26, s17, $0xb8;
	[tilespmem:$0x1E800] =	vst v63  }
0x4c: {  	_ =	swait.ge [sflag:s20], $0x4000  }
0x4d: {  	[sflag:s20] =	ssyncset.done $0x0  }
0x4e: {  	s29 =	sadd.s32 $0x1400, s25;
	[sflag:s20] =	ssyncadd.s32 $0xFFFFC000  }
0x4f: {  	[spmem:s1] =	stream.indirect.scatter.add.f32 [tilespmem:s18], [sflag:$0x3], $0x80, s29, s17, $0xb8;
	[tilespmem:$0x1E800] =	vst v63  }
0x50: {  	_ =	swait.ge [sflag:s15], $0x4000  }
0x51: {  	[sflag:s15] =	ssyncset.done $0x0  }
0x52: {  	s30 =	sadd.s32 $0x100, s25;
	[sflag:s15] =	ssyncadd.s32 $0xFFFFC000  }
0x53: {  	[tilespmem:s18], [sflag:$0x1] =	stream.indirect.gather [hbm4b:s4+s17], $0x80, s30, s17, $0xb8;
	[tilespmem:$0x1E800] =	vst v63  }
0x54: {  	_ =	swait.ge [sflag:s21], $0x4000  }
0x55: {  	[sflag:s21] =	ssyncset.done $0x0  }
0x56: {  	s31 =	sadd.s32 $0x1480, s25;
	[sflag:s21] =	ssyncadd.s32 $0xFFFFC000  }
0x57: {  	[spmem:s1] =	stream.indirect.scatter.add.f32 [tilespmem:s19], [sflag:$0x3], $0x80, s31, s17, $0xb8;
	[tilespmem:$0x1E800] =	vst v63  }
0x58: {  	_ =	swait.ge [sflag:s15], $0x4000  }
0x59: {  	[sflag:s15] =	ssyncset.done $0x0  }
0x5a: {  	[sflag:s15] =	ssyncadd.s32 $0xFFFFC000  }
0x5b: {  	[tilespmem:s19], [sflag:$0x2] =	stream.indirect.gather [hbm4b:s4+s17], $0x80, s22, s17, $0xb8;
	[tilespmem:$0x1E800] =	vst v63  }
0x5c: {  	_ =	swait.ge [sflag:s20], $0x4000  }
0x5d: {  	[sflag:s20] =	ssyncset.done $0x0  }
0x5e: {  	[sflag:s20] =	ssyncadd.s32 $0xFFFFC000  }
0x5f: {  	[spmem:s1] =	stream.indirect.scatter.add.f32 [tilespmem:s18], [sflag:$0x3], $0x80, s23, s17, $0xb8;
	[tilespmem:$0x1E800] =	vst v63  }
0x60: {  	_ =	swait.ge [sflag:s15], $0x4000  }
0x61: {  	[sflag:s15] =	ssyncset.done $0x0  }
0x62: {  	[sflag:s15] =	ssyncadd.s32 $0xFFFFC000  }
0x63: {  	_ =	swait.ge [sflag:s21], $0x4000  }
0x64: {  	[sflag:s21] =	ssyncset.done $0x0  }
.Ltmp4:
0x65: {  	[sflag:s21] =	ssyncadd.s32 $0xFFFFC000;
	(pc) =	sbr.rel .LBB2_8-.Ltmp4, $4  }
0x66: {  	[spmem:s1] =	stream.indirect.scatter.add.f32 [tilespmem:s19], [sflag:$0x3], $0x80, s24, s17, $0xb8;
	[tilespmem:$0x1E800] =	vst v63  }
0x67: {  	_ =	swait.ge [sflag:s15], $0x4000  }
0x68: {  	[sflag:s15] =	ssyncset.done $0x0  }
0x69: {  	[sflag:s15] =	ssyncadd.s32 $0xFFFFC000  }
.LBB2_2:
0x6a: {  	s26 =	smul.u32 $0x28, s25;
	_ =	sdelay $0x1  }
0x6b: {  	s26 =	sadd.s32 s9, s26  }
0x6c: {  	s26 =	sshll.u32 s26, $0x4  }
0x6d: {  	s29 =	simm.s32 $0x0;
	s28 =	sadd.s32 s5, s26  }
0x6e: {  	[tilespmem:s29], [sflag:$0x3] =	stream.linear.gather [hbm4b:s28+s29], $0x1400, $0x38;
	[tilespmem:$0x1E800] =	vst v63  }
0x6f: {  	_ =	swait.ge [sflag:s15], $0x1400  }
0x70: {  	[sflag:s15] =	ssyncset.done $0x0  }
0x71: {  	s26 =	sadd.s32 s6, s26;
	[sflag:s15] =	ssyncadd.s32 $0xFFFFEC00  }
0x72: {  	[tilespmem:s16], [sflag:$0x3] =	stream.linear.gather [hbm4b:s26+s29], $0x1400, $0x38;
	[tilespmem:$0x1E800] =	vst v63  }
0x73: {  	_ =	swait.ge [sflag:s15], $0x1400  }
0x74: {  	[sflag:s15] =	ssyncset.done $0x0  }
0x75: {  	[sflag:s15] =	ssyncadd.s32 $0xFFFFEC00  }
0x76: {  	[tilespmem:s18], [sflag:$0x1] =	stream.indirect.gather [hbm4b:s4+s17], $0x80, s29, s17, $0xb8;
	[tilespmem:$0x1E800] =	vst v63  }
0x77: {  	s31 =	simm.s32 $0x80  }
0x78: {  	[tilespmem:s19], [sflag:$0x2] =	stream.indirect.gather [hbm4b:s4+s17], $0x80, s31, s17, $0xb8;
	[tilespmem:$0x1E800] =	vst v63  }
0x79: {  	_ =	swait.ge [sflag:s20], $0x4000  }
0x7a: {  	[sflag:s20] =	ssyncset.done $0x0  }
0x7b: {  	s29 =	simm.s32 $0x1400;
	[sflag:s20] =	ssyncadd.s32 $0xFFFFC000  }
0x7c: {  	[spmem:s1] =	stream.indirect.scatter.add.f32 [tilespmem:s18], [sflag:$0x3], $0x80, s29, s17, $0xb8;
	[tilespmem:$0x1E800] =	vst v63  }
0x7d: {  	_ =	swait.ge [sflag:s15], $0x4000  }
0x7e: {  	[sflag:s15] =	ssyncset.done $0x0  }
0x7f: {  	s30 =	simm.s32 $0x100;
	[sflag:s15] =	ssyncadd.s32 $0xFFFFC000  }
0x80: {  	[tilespmem:s18], [sflag:$0x1] =	stream.indirect.gather [hbm4b:s4+s17], $0x80, s30, s17, $0xb8;
	[tilespmem:$0x1E800] =	vst v63  }
0x81: {  	_ =	swait.ge [sflag:s21], $0x4000  }
0x82: {  	[sflag:s21] =	ssyncset.done $0x0  }
0x83: {  	s31 =	simm.s32 $0x1480;
	[sflag:s21] =	ssyncadd.s32 $0xFFFFC000  }
0x84: {  	[spmem:s1] =	stream.indirect.scatter.add.f32 [tilespmem:s19], [sflag:$0x3], $0x80, s31, s17, $0xb8;
	[tilespmem:$0x1E800] =	vst v63  }
0x85: {  	_ =	swait.ge [sflag:s15], $0x4000  }
0x86: {  	s28 =	simm.s32 $0x800;
	s26 =	simm.s32 $0x100;
	[sflag:s15] =	ssyncset.done $0x0  }
.LBB2_3:
0x87: {  	s29 =	sadd.s32 $0x80, s26  }
0x88: {  	[sflag:s15] =	ssyncadd.s32 $0xFFFFC000;
	s30 =	smov.u32 s28;
	s31 =	sadd.s32 $0x400, s28  }
0x89: {  	[tilespmem:s19], [sflag:$0x2] =	stream.indirect.gather [hbm4b:s4+s17], $0x80, s29, s17, $0xb8;
	[tilespmem:$0x1E800] =	vst v63  }
0x8a: {  	p1 =	sne.s32 s28, $0x4800;
	_ =	swait.ge [sflag:s20], $0x4000  }
0x8b: {  	[sflag:s20] =	ssyncset.done $0x0  }
0x8c: {  	s28 =	sadd.s32 $0x1400, s26;
	[sflag:s20] =	ssyncadd.s32 $0xFFFFC000  }
0x8d: {  	[spmem:s1] =	stream.indirect.scatter.add.f32 [tilespmem:s18], [sflag:$0x3], $0x80, s28, s17, $0xb8;
	[tilespmem:$0x1E800] =	vst v63  }
0x8e: {  	_ =	swait.ge [sflag:s15], $0x4000  }
0x8f: {  	[sflag:s15] =	ssyncset.done $0x0  }
0x90: {  	s28 =	sadd.s32 $0x100, s26;
	[sflag:s15] =	ssyncadd.s32 $0xFFFFC000  }
0x91: {  	[tilespmem:s18], [sflag:$0x1] =	stream.indirect.gather [hbm4b:s4+s17], $0x80, s28, s17, $0xb8;
	[tilespmem:$0x1E800] =	vst v63  }
0x92: {  	_ =	swait.ge [sflag:s21], $0x4000  }
.Ltmp5:
0x93: {  	[sflag:s21] =	ssyncset.done $0x0;
	(pc) =	sbr.rel @p1 .LBB2_3-.Ltmp5, $4  }
0x94: {  	s26 =	sadd.s32 $0x1480, s26;
	[sflag:s21] =	ssyncadd.s32 $0xFFFFC000  }
0x95: {  	[spmem:s1] =	stream.indirect.scatter.add.f32 [tilespmem:s19], [sflag:$0x3], $0x80, s26, s17, $0xb8;
	[tilespmem:$0x1E800] =	vst v63  }
0x96: {  	_ =	swait.ge [sflag:s15], $0x4000  }
0x97: {  	s28 =	smov.u32 s31;
	s26 =	sshra.s32 s30, $0x2;
	[sflag:s15] =	ssyncset.done $0x0  }
0x98: {  	s28 =	sadd.s32 $0x80, s26;
	[sflag:s15] =	ssyncadd.s32 $0xFFFFC000  }
0x99: {  	[tilespmem:s19], [sflag:$0x2] =	stream.indirect.gather [hbm4b:s4+s17], $0x80, s28, s17, $0xb8;
	[tilespmem:$0x1E800] =	vst v63  }
0x9a: {  	_ =	swait.ge [sflag:s20], $0x4000  }
0x9b: {  	[sflag:s20] =	ssyncset.done $0x0  }
0x9c: {  	s29 =	sadd.s32 $0x1400, s26;
	[sflag:s20] =	ssyncadd.s32 $0xFFFFC000  }
0x9d: {  	[spmem:s1] =	stream.indirect.scatter.add.f32 [tilespmem:s18], [sflag:$0x3], $0x80, s29, s17, $0xb8;
	[tilespmem:$0x1E800] =	vst v63  }
0x9e: {  	_ =	swait.ge [sflag:s15], $0x4000  }
0x9f: {  	[sflag:s15] =	ssyncset.done $0x0  }
0xa0: {  	s30 =	sadd.s32 $0x100, s26;
	[sflag:s15] =	ssyncadd.s32 $0xFFFFC000  }
0xa1: {  	[tilespmem:s18], [sflag:$0x1] =	stream.indirect.gather [hbm4b:s4+s17], $0x80, s30, s17, $0xb8;
	[tilespmem:$0x1E800] =	vst v63  }
0xa2: {  	_ =	swait.ge [sflag:s21], $0x4000  }
0xa3: {  	[sflag:s21] =	ssyncset.done $0x0  }
0xa4: {  	s31 =	sadd.s32 $0x1480, s26;
	[sflag:s21] =	ssyncadd.s32 $0xFFFFC000  }
0xa5: {  	[spmem:s1] =	stream.indirect.scatter.add.f32 [tilespmem:s19], [sflag:$0x3], $0x80, s31, s17, $0xb8;
	[tilespmem:$0x1E800] =	vst v63  }
0xa6: {  	_ =	swait.ge [sflag:s15], $0x4000  }
0xa7: {  	[sflag:s15] =	ssyncset.done $0x0  }
0xa8: {  	[sflag:s15] =	ssyncadd.s32 $0xFFFFC000  }
0xa9: {  	[tilespmem:s19], [sflag:$0x2] =	stream.indirect.gather [hbm4b:s4+s17], $0x80, s22, s17, $0xb8;
	[tilespmem:$0x1E800] =	vst v63  }
0xaa: {  	_ =	swait.ge [sflag:s20], $0x4000  }
0xab: {  	[sflag:s20] =	ssyncset.done $0x0  }
0xac: {  	[sflag:s20] =	ssyncadd.s32 $0xFFFFC000  }
0xad: {  	[spmem:s1] =	stream.indirect.scatter.add.f32 [tilespmem:s18], [sflag:$0x3], $0x80, s23, s17, $0xb8;
	[tilespmem:$0x1E800] =	vst v63  }
0xae: {  	_ =	swait.ge [sflag:s15], $0x4000  }
0xaf: {  	[sflag:s15] =	ssyncset.done $0x0  }
0xb0: {  	[sflag:s15] =	ssyncadd.s32 $0xFFFFC000  }
0xb1: {  	_ =	swait.ge [sflag:s21], $0x4000  }
0xb2: {  	s25 =	sadd.s32 $0x1, s25;
	[sflag:s21] =	ssyncset.done $0x0  }
0xb3: {  	p1 =	seq.s32 s25, $0x3;
	[sflag:s21] =	ssyncadd.s32 $0xFFFFC000  }
0xb4: {  	[spmem:s1] =	stream.indirect.scatter.add.f32 [tilespmem:s19], [sflag:$0x3], $0x80, s24, s17, $0xb8;
	[tilespmem:$0x1E800] =	vst v63  }
.Ltmp6:
0xb5: {  	_ = 	snop;
	(pc) =	sbr.rel @!p1 .LBB2_2-.Ltmp6, $4  }
.Ltmp7:
0xb6: {  	_ = 	snop;
	(pc) =	sbr.rel @p1 .LBB2_8-.Ltmp7, $4  }
0xb7: {  	_ =	swait.ge [sflag:s15], $0x4000  }
0xb8: {  	[sflag:s15] =	ssyncset.done $0x0  }
0xb9: {  	[sflag:s15] =	ssyncadd.s32 $0xFFFFC000  }
0xba: {  	_ = 	snop  }
.LBB2_9:
0xbb: {  	_ =	sfence.sel $0x180000  }
0xbc: {  	[bflag:$0x0] =	sbarrier.arrive $0xFFFF  }
0xbd: {  	p0 =	sne.s32 s2, $0x0;
	_ =	strace $0x9000004D  }
0xbe: {  	s0 =	sadd.s32 @!p0 $0x100000, s0;
	[bflag:$0x2] =	sbarrier.arrive $0xFFFF  }
0xbf: {  	[sflag:s0] =	ssyncadd.tile.s32 @!p0 $0x1;
	_ =	shalt  }
.Lfunc_end2:
_tile_overlayer_lowered:
.L_overlay_start_2:
0xc0: {  	(tag) =	ssettag $0x2  }
0xc1: {  	s0 =	rddreg [dreg:$0x0];
	s2 =	stileid.u32  }
0xc2: {  	s1 =	rddreg [dreg:$0x1];
	p0 =	sne.s32 s2, $0x0  }
0xc3: {  	s3 =	rddreg [dreg:$0x2];
	[bflag:$0x3] =	sbarrier.arrive $0xFFFF;
	s2 =	simm.s32 @!p0 $0x1C03  }
0xc4: {  	[timem:s3], [sflag:s2] =	dma.local @!p0 [hbm:s0], s1  }
0xc5: {  	s0 =	simm.s32 @!p0 $0x3  }
0xc6: {  	_ =	swait.ge @!p0 [sflag:s0], s1  }
0xc7: {  	s1 =	ssub.s32 @!p0 $0x0, s1;
	[sflag:s0] =	ssyncset.done @!p0 $0x0  }
0xc8: {  	[sflag:s0] =	ssyncadd.s32 @!p0 s1  }
0xc9: {  	[bflag:$0x3] =	sbarrier.arrive $0xFFFF  }
0xca: {  	_ =	shalt  }

// kernel: kernel.23.cloned.1.call-start
scs
__scs_entry_jumppad:
0x0: {  	(pc) =	sbr.rel $0x88, $3  }
0x1: {  	(tag) =	ssettag $0x0;
	lr =	simm.s32 $0x1  }
0x2: {  	[smem:$0x3F92] =	sst lr;
	_ =	strace $0xD0000000  }
0x3: {  	_ = 	snop  }
0x4: {  	_ = 	snop  }
0x5: {  	_ = 	snop  }
0x6: {  	_ = 	snop  }
0x7: {  	_ = 	snop  }
__scs_overlays_trampoline_lowered:
0x8: {  	[smem:$0x3FA1] =	sst s0  }
0x9: {  	[smem:$0x3FA2] =	sst s1  }
0xa: {  	[smem:$0x3FA3] =	sst s2  }
0xb: {  	[smem:$0x3FA4] =	sst s3  }
0xc: {  	[smem:$0x3FA5] =	sst s4  }
0xd: {  	[smem:$0x3FA6] =	sst s5  }
0xe: {  	[smem:$0x3FA7] =	sst s6  }
0xf: {  	[smem:$0x3FA8] =	sst s7  }
0x10: {  	[smem:$0x3FA9] =	sst s8  }
0x11: {  	[smem:$0x3FAA] =	sst s9;
	s0 =	simm.s32 @!p0 $0x0  }
0x12: {  	s1 =	sld [smem:$0x3F90];
	s0 =	simm.s32 @p0 $0x1  }
0x13: {  	[smem:$0x3FAB] =	sst s0;
	s0 =	simm.s32 @!p1 $0x0  }
0x14: {  	s2 =	sld [smem:$0x3F8F];
	s0 =	simm.s32 @p1 $0x1  }
0x15: {  	[smem:$0x3FAC] =	sst s0;
	s0 =	simm.s32 @!p2 $0x0  }
0x16: {  	s3 =	sld [smem:$0x3FDB];
	s0 =	simm.s32 @p2 $0x1  }
0x17: {  	s4 =	simm.s32 $0x1BF5;
	[smem:$0x3FAE] =	sst s0  }
0x18: {  	s0 =	sld [smem:$0x3F91];
	_ =	swait.ge [sflag:s4], $0x0  }
0x19: {  	s7 =	sld [smem:$0x3F92]  }
0x1a: {  	s8 =	sadd.s32 $0xFFFFE003, lr  }
0x1b: {  	s9 =	sadd.s32 $0xFFFFFEF7, lr;
	s5 =	simm.s32 $0xFFFFFFFF;
	p2 =	slt.u32 s8, $0xFFFFF086  }
0x1c: {  	p1 =	slt.u32 s9, $0xF7A;
	s5 =	simm.s32 @!p2 $0x0  }
0x1d: {  	s5 =	simm.s32 @p1 $0x1;
	p0 =	seq.s32 s7, s2  }
0x1e: {  	s7 =	smul.u32 @!p0 $0xF7A, s2;
	p2 =	seq.s32 @!p0 s5, $0x0  }
0x1f: {  	s9 =	smul.u32 $0xF7A, s1;
	s8 =	simm.s32 @!p0 $0x1BF5;
	p2 =	por !p2, p0  }
0x20: {  	[sflag:s8] =	ssyncset.s32 @!p0 $0xFFFFF086;
	s6 =	sadd.s32 @!p0 s3, s7;
	s7 =	simm.s32 @!p0 $0x108  }
0x21: {  	s3 =	sadd.s32 s3, s9;
	s6 =	sadd.s32 @!p0 $0x88, s6;
	s7 =	simm.s32 @p2 $0x1082  }
0x22: {  	[simem:s7], [sflag:s8] =	dma.local @!p0 [hbm:s6], $0xF7A  }
0x23: {  	s9 =	sor.u32 $0xD0000000, s2;
	s6 =	simm.s32 $0x108;
	_ =	swait.ge @!p0 [sflag:s8], $0x0  }
0x24: {  	s3 =	sadd.s32 $0x88, s3;
	s6 =	simm.s32 @!p1 $0x1082;
	[sflag:s4] =	ssyncset.s32 $0xFFFFF086  }
0x25: {  	[simem:s6], [sflag:s4] =	dma.local [hbm:s3], $0xF7A  }
0x26: {  	[smem:$0x3F92] =	sst s1;
	(tag) =	ssettag s2;
	_ =	strace s9  }
0x27: {  	s1 =	sld [smem:$0x3FA2]  }
0x28: {  	s2 =	sld [smem:$0x3FA3]  }
0x29: {  	s4 =	sld [smem:$0x3FA5]  }
0x2a: {  	p0 =	seq.s32 s5, $0x0;
	s5 =	sld [smem:$0x3FA6]  }
0x2b: {  	s6 =	sld [smem:$0x3FA7]  }
0x2c: {  	s7 =	sld [smem:$0x3FA8]  }
0x2d: {  	s3 =	simm.s32 $0x108;
	s8 =	sld [smem:$0x3FA9]  }
0x2e: {  	s3 =	simm.s32 @!p0 $0x1082;
	s9 =	sld [smem:$0x3FAA]  }
0x2f: {  	lr =	sadd.s32 s0, s3;
	s0 =	sld [smem:$0x3FA1]  }
0x30: {  	s3 =	sld [smem:$0x3FA4]  }
0x31: {  	[smem:$0x3FAD] =	sst s10  }
0x32: {  	s10 =	sld [smem:$0x3FAB];
	_ =	sdelay $0x3  }
0x33: {  	p0 =	seq.s32 s10, $0x1;
	s10 =	sld [smem:$0x3FAD];
	_ =	sdelay $0x3  }
0x34: {  	[smem:$0x3FAD] =	sst s10  }
0x35: {  	s10 =	sld [smem:$0x3FAC];
	_ =	sdelay $0x3  }
0x36: {  	p1 =	seq.s32 s10, $0x1;
	s10 =	sld [smem:$0x3FAD];
	_ =	sdelay $0x3  }
0x37: {  	[smem:$0x3FAD] =	sst s10  }
0x38: {  	s10 =	sld [smem:$0x3FAE]  }
0x39: {  	_ = 	snop;
	(pc) =	sbr.ind lr, $3  }
0x3a: {  	_ = 	snop  }
0x3b: {  	_ = 	snop  }
0x3c: {  	p2 =	seq.s32 s10, $0x1;
	s10 =	sld [smem:$0x3FAD]  }
0x3d: {  	_ =	shalt  }
0x3e: {  	_ =	shalt  }
0x3f: {  	_ =	shalt  }
0x40: {  	_ =	shalt  }
0x41: {  	_ =	shalt  }
0x42: {  	_ =	shalt  }
0x43: {  	_ =	shalt  }
0x44: {  	_ =	shalt  }
0x45: {  	_ =	shalt  }
0x46: {  	_ =	shalt  }
0x47: {  	_ =	shalt  }
0x48: {  	_ =	shalt  }
0x49: {  	_ =	shalt  }
0x4a: {  	_ =	shalt  }
0x4b: {  	_ =	shalt  }
0x4c: {  	_ =	shalt  }
0x4d: {  	_ =	shalt  }
0x4e: {  	_ =	shalt  }
0x4f: {  	_ =	shalt  }
0x50: {  	_ =	shalt  }
0x51: {  	_ =	shalt  }
0x52: {  	_ =	shalt  }
0x53: {  	_ =	shalt  }
0x54: {  	_ =	shalt  }
0x55: {  	_ =	shalt  }
0x56: {  	_ =	shalt  }
0x57: {  	_ =	shalt  }
0x58: {  	_ =	shalt  }
0x59: {  	_ =	shalt  }
0x5a: {  	_ =	shalt  }
0x5b: {  	_ =	shalt  }
0x5c: {  	_ =	shalt  }
0x5d: {  	_ =	shalt  }
0x5e: {  	_ =	shalt  }
0x5f: {  	_ =	shalt  }
0x60: {  	_ =	shalt  }
0x61: {  	_ =	shalt  }
0x62: {  	_ =	shalt  }
0x63: {  	_ =	shalt  }
0x64: {  	_ =	shalt  }
0x65: {  	_ =	shalt  }
0x66: {  	_ =	shalt  }
0x67: {  	_ =	shalt  }
0x68: {  	_ =	shalt  }
0x69: {  	_ =	shalt  }
0x6a: {  	_ =	shalt  }
0x6b: {  	_ =	shalt  }
0x6c: {  	_ =	shalt  }
0x6d: {  	_ =	shalt  }
0x6e: {  	_ =	shalt  }
0x6f: {  	_ =	shalt  }
0x70: {  	_ =	shalt  }
0x71: {  	_ =	shalt  }
0x72: {  	_ =	shalt  }
0x73: {  	_ =	shalt  }
0x74: {  	_ =	shalt  }
0x75: {  	_ =	shalt  }
0x76: {  	_ =	shalt  }
0x77: {  	_ =	shalt  }
0x78: {  	_ =	shalt  }
0x79: {  	_ =	shalt  }
0x7a: {  	_ =	shalt  }
0x7b: {  	_ =	shalt  }
0x7c: {  	_ =	shalt  }
0x7d: {  	_ =	shalt  }
0x7e: {  	_ =	shalt  }
0x7f: {  	_ =	shalt  }
0x80: {  	_ =	shalt  }
0x81: {  	_ =	shalt  }
0x82: {  	_ =	shalt  }
0x83: {  	_ =	shalt  }
0x84: {  	_ =	shalt  }
0x85: {  	_ =	shalt  }
0x86: {  	_ =	shalt  }
0x87: {  	_ =	shalt  }
.Lfunc_end0:
.L_simem_size_0:
called_computation.3_lowered:
.L_overlay_start_0:
0x88: {  	s2 =	sld [smem:$0x3FD9]  }
0x89: {  	s3 =	sld [smem:$0x3FFE];
	_ =	sdelay $0x1  }
0x8a: {  	s1 =	srdreg.scid  }
0x8b: {  	s0 =	sand.u32 $0x1, s1  }
0x8c: {  	s16 =	sshll.u32 s0, $0xA;
	s2 =	sadd.s32 s3, s2  }
0x8d: {  	s2 =	sadd.s32 s2, s16  }
0x8e: {  	[smem:$0x3FB9] =	sst s2  }
0x8f: {  	_ = 	snop  }
0x90: {  	(tm) =	ssettm $0x1  }
0x91: {  	s17 =	sld [smem:$0x3FFB];
	_ =	sdelay $0x3  }
0x92: {  	_ =	strace s17  }
0x93: {  	s2 =	sld [smem:$0x3FFC];
	_ =	sdelay $0x3  }
0x94: {  	_ =	strace s2  }
0x95: {  	s2 =	sld [smem:$0x3FFD];
	_ =	sdelay $0x3  }
0x96: {  	_ =	strace s2  }
0x97: {  	_ =	strace $0x8FFFFFFF  }
0x98: {  	s18 =	sld [smem:$0x3FDB];
	_ =	sdelay $0x1  }
0x99: {  	s19 =	simm.s32 $_scs_section_size  }
0x9a: {  	s4 =	simm.s32 $_size__tile_overlayer_lowered;
	s5 =	simm.s32 $_tile_overlayer_lowered  }
0x9b: {  	s22 =	simm.s32 $0x1BFF;
	s21 =	sshll.u32 s5, $0x1;
	s2 =	sadd.s32 s19, s18  }
0x9c: {  	s6 =	simm.s32 $0x0;
	s20 =	sshll.u32 s4, $0x1;
	s4 =	sadd.s32 s21, s2  }
0x9d: {  	[timem:s6], [sflag:s22] =	dma.local [hbm:s4], s20  }
0x9e: {  	_ =	swait.ge [sflag:s22], s20  }
0x9f: {  	s3 =	ssub.s32 $0x0, s20;
	[sflag:s22] =	ssyncset.done $0x0  }
0xa0: {  	[sflag:s22] =	ssyncadd.s32 s3;
	_ =	sdelay $0x1  }
0xa1: {  	s23 =	simm.s32 $0x1B8B  }
0xa2: {  	_ =	swait.ge [sflag:s23], $0x1  }
0xa3: {  	[sflag:s23] =	ssyncset.done $0x0  }
0xa4: {  	s25 =	simm.s32 $0x1B8E;
	s24 =	sld [smem:$0x3FFE];
	[sflag:s23] =	ssyncadd.s32 $0xFFFFFFFF  }
0xa5: {  	s26 =	simm.s32 $execute0_lowered;
	[smem:$0x3FD2] =	sst s25  }
0xa6: {  	s4 =	sshll.u32 s26, $0x1;
	_ =	strace $0x8000004F;
	[dreg:$0x1] =	wrdreg $0xFFFFFFFF  }
0xa7: {  	s28 =	simm.s32 $_size_execute0_lowered;
	s2 =	sadd.s32 s2, s4;
	[dreg:$0x0] =	wrdreg $0x0  }
0xa8: {  	s4 =	sshll.u32 s28, $0x1;
	[dreg:$0x2] =	wrdreg s2  }
0xa9: {  	[dreg:$0x3] =	wrdreg s4  }
0xaa: {  	[dreg:$0x4] =	wrdreg $0xC0  }
0xab: {  	_ =	task [dreg:s6], $0x5FFFF  }
0xac: {  	[dreg:$0x1] =	wrdreg $0xFFFFFFFF  }
0xad: {  	[dreg:$0x0] =	wrdreg $0x60  }
0xae: {  	[dreg:$0x2] =	wrdreg s24  }
0xaf: {  	[dreg:$0x3] =	wrdreg $0xA8000  }
0xb0: {  	[dreg:$0x4] =	wrdreg $0x9  }
0xb1: {  	_ =	task.clear_ibuf [dreg:s6], $0x5FFFF;
	_ =	strace $0x9000004F  }
0xb2: {  	s29 =	simm.s32 $0x9;
	_ =	strace $0x80000051  }
0xb3: {  	_ =	swait.ge [sflag:s29], $0x1  }
0xb4: {  	[sflag:s29] =	ssyncadd.s32 $0xFFFFFFFF  }
0xb5: {  	_ =	strace $0x90000051  }
0xb6: {  	_ =	sfence  }
0xb7: {  	s30 =	sld [smem:$0x0];
	_ =	sdelay $0x2  }
0xb8: {  	s31 =	sshll.u32 s1, $0xD;
	s1 =	sshrl.u32 s1, $0x2  }
0xb9: {  	s3 =	sand.u32 $0x4000, s31;
	s1 =	sadd.s32 s1, s30  }
0xba: {  	s0 =	sor.u32 s3, s0;
	s1 =	sshll.u32 s1, $0x11  }
0xbb: {  	s0 =	sor.u32 s1, s0  }
0xbc: {  	s0 =	sadd.s32 $0x8F2B, s0  }
0xbd: {  	[sflag:s0] =	ssyncadd.remote.s32 $0x1  }
0xbe: {  	_ =	sfence.sel $0xFFFF  }
0xbf: {  	[dreg:$0x0] =	wrdreg $0xFFFFFFFF;
	(pc) =	sbr.abs _section_cstart, $3  }
0xc0: {  	[dreg:$0x1] =	wrdreg $0xFFFFFFFF  }
0xc1: {  	_ =	task.clear_ibuf [dreg:s6], $0x2FFFF;
	_ =	strace $0x9FFFFFFF  }
0xc2: {  	(tm) =	ssettm $0x7FFFFFFF  }
0xc3: {  	_ =	shalt  }
tec
execute0_lowered:
.L_overlay_start_1:
0x0: {  	(tag) =	ssettag $0x1  }
0x1: {  	s8 =	rddreg [dreg:$0x0]  }
0x2: {  	s1 =	rddreg [dreg:$0x1]  }
0x3: {  	s2 =	srdreg.scid;
	s0 =	rddreg [dreg:$0x2];
	s3 =	simm.s32 $0x0  }
0x4: {  	s16 =	simm.s32 $0x1400;
	s17 =	simm.s32 $0x80;
	s18 =	simm.s32 $0x2800  }
0x5: {  	s19 =	simm.s32 $0x6800;
	s20 =	simm.s32 $0x1;
	s21 =	simm.s32 $0x2  }
0x6: {  	s22 =	simm.s32 $0x1380;
	s23 =	simm.s32 $0x2700;
	s24 =	simm.s32 $0x2780  }
0x7: {  	s9 =	sand.u32 $0x1, s2;
	s2 =	stileid.u32;
	[smem:$0x7FF] =	sst s3  }
0x8: {  	s4 =	sadd.s32 $0x19E00, s8;
	s5 =	sadd.s32 $0x3600, s8;
	s10 =	smul.u32 $0x140000, s9  }
0x9: {  	s6 =	sadd.s32 $0xD600, s8;
	s7 =	sadd.s32 $0x17600, s8;
	s11 =	smul.u32 $0x14000, s2  }
0xa: {  	_ =	strace $0x80000050;
	s25 =	ssub.s32 $0x2, s9;
	s12 =	smul.u32 $0x50000, s2  }
0xb: {  	s28 =	smul.u32 $0x1400, s2;
	s30 =	sshll.u32 s2, $0x6;
	p0 =	seq.s32 s9, $0x1  }
0xc: {  	s9 =	smul.u32 $0x78, s2;
	s26 =	sshrl.u32 s25, $0x1;
	s10 =	sadd.s32 s11, s10  }
.Ltmp0:
0xd: {  	s14 =	ssub.s32 s25, s26;
	s10 =	sshrl.u32 s10, $0x3;
	(pc) =	sbr.rel .LBB2_1-.Ltmp0, $4  }
0xe: {  	s29 =	sshrl.u32 s12, $0x2;
	s13 =	sadd.s32 s10, s8;
	s10 =	sshrl.u32 s28, $0x3  }
0xf: {  	s15 =	sadd.s32 s29, s1;
	s8 =	sor.u32 $0x1C03, s30;
	s31 =	sadd.s32 $0x7800, s10  }
0x10: {  	s12 =	sadd.s32 $0x41E00, s13;
	s13 =	smax.u32 s14, $0x1;
	s14 =	sshrl.u32 s15, $0x3  }
0x11: {  	s15 =	simm.s32 $0x3;
	s10 =	sadd.s32 s5, s31;
	s11 =	sadd.s32 s6, s31  }
.LBB2_8:
0x12: {  	s3 =	sadd.s32 $0x1, s3  }
0x13: {  	p1 =	sne.s32 s3, s13  }
.Ltmp1:
0x14: {  	[bflag:$0x0] =	sbarrier.arrive $0xFFFF;
	(pc) =	sbr.rel @!p1 .LBB2_9-.Ltmp1, $4  }
0x15: {  	[hbm:s12], [sflag:s8] =	dma.local [spmem:s14], $0x2800  }
0x16: {  	_ =	swait.ge [sflag:s15], $0x2800  }
0x17: {  	[sflag:s15] =	ssyncset.done $0x0  }
0x18: {  	[sflag:s15] =	ssyncadd.s32 $0xFFFFD800  }
.LBB2_1:
0x19: {  	[spmem:s14], [sflag:s8] =	dma.local [hbm:s7], $0x2800  }
.Ltmp2:
0x1a: {  	_ =	swait.ge [sflag:s15], $0x2800;
	(pc) =	sbr.rel @!p0 .LBB2_2-.Ltmp2, $4  }
0x1b: {  	[sflag:s15] =	ssyncset.done $0x0  }
0x1c: {  	[sflag:s15] =	ssyncadd.s32 $0xFFFFD800  }
0x1d: {  	[bflag:$0x0] =	sbarrier.arrive $0xFFFF  }
0x1e: {  	s25 =	simm.s32 $0x0  }
0x1f: {  	s25 =	simm.s32 $0x0  }
0x20: {  	[tilespmem:s25], [sflag:$0x3] =	stream.linear.gather [hbm4b:s10+s25], $0x1400, $0x38;
	[tilespmem:$0x1E800] =	vst v63  }
0x21: {  	_ =	swait.ge [sflag:s15], $0x1400  }
0x22: {  	[sflag:s15] =	ssyncset.done $0x0  }
0x23: {  	[sflag:s15] =	ssyncadd.s32 $0xFFFFEC00  }
0x24: {  	[tilespmem:s16], [sflag:$0x3] =	stream.linear.gather [hbm4b:s11+s25], $0x1400, $0x38;
	[tilespmem:$0x1E800] =	vst v63  }
0x25: {  	_ =	swait.ge [sflag:s15], $0x1400  }
0x26: {  	[sflag:s15] =	ssyncset.done $0x0  }
0x27: {  	[sflag:s15] =	ssyncadd.s32 $0xFFFFEC00  }
0x28: {  	[tilespmem:s18], [sflag:$0x1] =	stream.indirect.gather [hbm4b:s4+s17], $0x80, s25, s17, $0xb8;
	[tilespmem:$0x1E800] =	vst v63  }
0x29: {  	s28 =	simm.s32 $0x80  }
0x2a: {  	[tilespmem:s19], [sflag:$0x2] =	stream.indirect.gather [hbm4b:s4+s17], $0x80, s28, s17, $0xb8;
	[tilespmem:$0x1E800] =	vst v63  }
0x2b: {  	_ =	swait.ge [sflag:s20], $0x4000  }
0x2c: {  	[sflag:s20] =	ssyncset.done $0x0  }
0x2d: {  	s29 =	simm.s32 $0x1400;
	[sflag:s20] =	ssyncadd.s32 $0xFFFFC000  }
0x2e: {  	[spmem:s1] =	stream.indirect.scatter.add.f32 [tilespmem:s18], [sflag:$0x3], $0x80, s29, s17, $0xb8;
	[tilespmem:$0x1E800] =	vst v63  }
0x2f: {  	_ =	swait.ge [sflag:s15], $0x4000  }
0x30: {  	[sflag:s15] =	ssyncset.done $0x0  }
0x31: {  	s30 =	simm.s32 $0x100;
	[sflag:s15] =	ssyncadd.s32 $0xFFFFC000  }
0x32: {  	[tilespmem:s18], [sflag:$0x1] =	stream.indirect.gather [hbm4b:s4+s17], $0x80, s30, s17, $0xb8;
	[tilespmem:$0x1E800] =	vst v63  }
0x33: {  	_ =	swait.ge [sflag:s21], $0x4000  }
0x34: {  	[sflag:s21] =	ssyncset.done $0x0  }
0x35: {  	s31 =	simm.s32 $0x1480;
	[sflag:s21] =	ssyncadd.s32 $0xFFFFC000  }
0x36: {  	[spmem:s1] =	stream.indirect.scatter.add.f32 [tilespmem:s19], [sflag:$0x3], $0x80, s31, s17, $0xb8;
	[tilespmem:$0x1E800] =	vst v63  }
0x37: {  	_ =	swait.ge [sflag:s15], $0x4000  }
0x38: {  	s26 =	simm.s32 $0x800;
	s25 =	simm.s32 $0x100;
	[sflag:s15] =	ssyncset.done $0x0  }
.LBB2_6:
0x39: {  	s28 =	sadd.s32 $0x80, s25  }
0x3a: {  	[sflag:s15] =	ssyncadd.s32 $0xFFFFC000;
	s29 =	smov.u32 s26;
	s30 =	sadd.s32 $0x400, s26  }
0x3b: {  	[tilespmem:s19], [sflag:$0x2] =	stream.indirect.gather [hbm4b:s4+s17], $0x80, s28, s17, $0xb8;
	[tilespmem:$0x1E800] =	vst v63  }
0x3c: {  	p1 =	sne.s32 s26, $0x4800;
	_ =	swait.ge [sflag:s20], $0x4000  }
0x3d: {  	[sflag:s20] =	ssyncset.done $0x0  }
0x3e: {  	s26 =	sadd.s32 $0x1400, s25;
	[sflag:s20] =	ssyncadd.s32 $0xFFFFC000  }
0x3f: {  	[spmem:s1] =	stream.indirect.scatter.add.f32 [tilespmem:s18], [sflag:$0x3], $0x80, s26, s17, $0xb8;
	[tilespmem:$0x1E800] =	vst v63  }
0x40: {  	_ =	swait.ge [sflag:s15], $0x4000  }
0x41: {  	[sflag:s15] =	ssyncset.done $0x0  }
0x42: {  	s26 =	sadd.s32 $0x100, s25;
	[sflag:s15] =	ssyncadd.s32 $0xFFFFC000  }
0x43: {  	[tilespmem:s18], [sflag:$0x1] =	stream.indirect.gather [hbm4b:s4+s17], $0x80, s26, s17, $0xb8;
	[tilespmem:$0x1E800] =	vst v63  }
0x44: {  	_ =	swait.ge [sflag:s21], $0x4000  }
.Ltmp3:
0x45: {  	[sflag:s21] =	ssyncset.done $0x0;
	(pc) =	sbr.rel @p1 .LBB2_6-.Ltmp3, $4  }
0x46: {  	s25 =	sadd.s32 $0x1480, s25;
	[sflag:s21] =	ssyncadd.s32 $0xFFFFC000  }
0x47: {  	[spmem:s1] =	stream.indirect.scatter.add.f32 [tilespmem:s19], [sflag:$0x3], $0x80, s25, s17, $0xb8;
	[tilespmem:$0x1E800] =	vst v63  }
0x48: {  	_ =	swait.ge [sflag:s15], $0x4000  }
0x49: {  	s26 =	smov.u32 s30;
	s25 =	sshra.s32 s29, $0x2;
	[sflag:s15] =	ssyncset.done $0x0  }
0x4a: {  	s26 =	sadd.s32 $0x80, s25;
	[sflag:s15] =	ssyncadd.s32 $0xFFFFC000  }
0x4b: {  	[tilespmem:s19], [sflag:$0x2] =	stream.indirect.gather [hbm4b:s4+s17], $0x80, s26, s17, $0xb8;
	[tilespmem:$0x1E800] =	vst v63  }
0x4c: {  	_ =	swait.ge [sflag:s20], $0x4000  }
0x4d: {  	[sflag:s20] =	ssyncset.done $0x0  }
0x4e: {  	s29 =	sadd.s32 $0x1400, s25;
	[sflag:s20] =	ssyncadd.s32 $0xFFFFC000  }
0x4f: {  	[spmem:s1] =	stream.indirect.scatter.add.f32 [tilespmem:s18], [sflag:$0x3], $0x80, s29, s17, $0xb8;
	[tilespmem:$0x1E800] =	vst v63  }
0x50: {  	_ =	swait.ge [sflag:s15], $0x4000  }
0x51: {  	[sflag:s15] =	ssyncset.done $0x0  }
0x52: {  	s30 =	sadd.s32 $0x100, s25;
	[sflag:s15] =	ssyncadd.s32 $0xFFFFC000  }
0x53: {  	[tilespmem:s18], [sflag:$0x1] =	stream.indirect.gather [hbm4b:s4+s17], $0x80, s30, s17, $0xb8;
	[tilespmem:$0x1E800] =	vst v63  }
0x54: {  	_ =	swait.ge [sflag:s21], $0x4000  }
0x55: {  	[sflag:s21] =	ssyncset.done $0x0  }
0x56: {  	s31 =	sadd.s32 $0x1480, s25;
	[sflag:s21] =	ssyncadd.s32 $0xFFFFC000  }
0x57: {  	[spmem:s1] =	stream.indirect.scatter.add.f32 [tilespmem:s19], [sflag:$0x3], $0x80, s31, s17, $0xb8;
	[tilespmem:$0x1E800] =	vst v63  }
0x58: {  	_ =	swait.ge [sflag:s15], $0x4000  }
0x59: {  	[sflag:s15] =	ssyncset.done $0x0  }
0x5a: {  	[sflag:s15] =	ssyncadd.s32 $0xFFFFC000  }
0x5b: {  	[tilespmem:s19], [sflag:$0x2] =	stream.indirect.gather [hbm4b:s4+s17], $0x80, s22, s17, $0xb8;
	[tilespmem:$0x1E800] =	vst v63  }
0x5c: {  	_ =	swait.ge [sflag:s20], $0x4000  }
0x5d: {  	[sflag:s20] =	ssyncset.done $0x0  }
0x5e: {  	[sflag:s20] =	ssyncadd.s32 $0xFFFFC000  }
0x5f: {  	[spmem:s1] =	stream.indirect.scatter.add.f32 [tilespmem:s18], [sflag:$0x3], $0x80, s23, s17, $0xb8;
	[tilespmem:$0x1E800] =	vst v63  }
0x60: {  	_ =	swait.ge [sflag:s15], $0x4000  }
0x61: {  	[sflag:s15] =	ssyncset.done $0x0  }
0x62: {  	[sflag:s15] =	ssyncadd.s32 $0xFFFFC000  }
0x63: {  	_ =	swait.ge [sflag:s21], $0x4000  }
0x64: {  	[sflag:s21] =	ssyncset.done $0x0  }
.Ltmp4:
0x65: {  	[sflag:s21] =	ssyncadd.s32 $0xFFFFC000;
	(pc) =	sbr.rel .LBB2_8-.Ltmp4, $4  }
0x66: {  	[spmem:s1] =	stream.indirect.scatter.add.f32 [tilespmem:s19], [sflag:$0x3], $0x80, s24, s17, $0xb8;
	[tilespmem:$0x1E800] =	vst v63  }
0x67: {  	_ =	swait.ge [sflag:s15], $0x4000  }
0x68: {  	[sflag:s15] =	ssyncset.done $0x0  }
0x69: {  	[sflag:s15] =	ssyncadd.s32 $0xFFFFC000  }
.LBB2_2:
0x6a: {  	s26 =	smul.u32 $0x28, s25;
	_ =	sdelay $0x1  }
0x6b: {  	s26 =	sadd.s32 s9, s26  }
0x6c: {  	s26 =	sshll.u32 s26, $0x4  }
0x6d: {  	s29 =	simm.s32 $0x0;
	s28 =	sadd.s32 s5, s26  }
0x6e: {  	[tilespmem:s29], [sflag:$0x3] =	stream.linear.gather [hbm4b:s28+s29], $0x1400, $0x38;
	[tilespmem:$0x1E800] =	vst v63  }
0x6f: {  	_ =	swait.ge [sflag:s15], $0x1400  }
0x70: {  	[sflag:s15] =	ssyncset.done $0x0  }
0x71: {  	s26 =	sadd.s32 s6, s26;
	[sflag:s15] =	ssyncadd.s32 $0xFFFFEC00  }
0x72: {  	[tilespmem:s16], [sflag:$0x3] =	stream.linear.gather [hbm4b:s26+s29], $0x1400, $0x38;
	[tilespmem:$0x1E800] =	vst v63  }
0x73: {  	_ =	swait.ge [sflag:s15], $0x1400  }
0x74: {  	[sflag:s15] =	ssyncset.done $0x0  }
0x75: {  	[sflag:s15] =	ssyncadd.s32 $0xFFFFEC00  }
0x76: {  	[tilespmem:s18], [sflag:$0x1] =	stream.indirect.gather [hbm4b:s4+s17], $0x80, s29, s17, $0xb8;
	[tilespmem:$0x1E800] =	vst v63  }
0x77: {  	s31 =	simm.s32 $0x80  }
0x78: {  	[tilespmem:s19], [sflag:$0x2] =	stream.indirect.gather [hbm4b:s4+s17], $0x80, s31, s17, $0xb8;
	[tilespmem:$0x1E800] =	vst v63  }
0x79: {  	_ =	swait.ge [sflag:s20], $0x4000  }
0x7a: {  	[sflag:s20] =	ssyncset.done $0x0  }
0x7b: {  	s29 =	simm.s32 $0x1400;
	[sflag:s20] =	ssyncadd.s32 $0xFFFFC000  }
0x7c: {  	[spmem:s1] =	stream.indirect.scatter.add.f32 [tilespmem:s18], [sflag:$0x3], $0x80, s29, s17, $0xb8;
	[tilespmem:$0x1E800] =	vst v63  }
0x7d: {  	_ =	swait.ge [sflag:s15], $0x4000  }
0x7e: {  	[sflag:s15] =	ssyncset.done $0x0  }
0x7f: {  	s30 =	simm.s32 $0x100;
	[sflag:s15] =	ssyncadd.s32 $0xFFFFC000  }
0x80: {  	[tilespmem:s18], [sflag:$0x1] =	stream.indirect.gather [hbm4b:s4+s17], $0x80, s30, s17, $0xb8;
	[tilespmem:$0x1E800] =	vst v63  }
0x81: {  	_ =	swait.ge [sflag:s21], $0x4000  }
0x82: {  	[sflag:s21] =	ssyncset.done $0x0  }
0x83: {  	s31 =	simm.s32 $0x1480;
	[sflag:s21] =	ssyncadd.s32 $0xFFFFC000  }
0x84: {  	[spmem:s1] =	stream.indirect.scatter.add.f32 [tilespmem:s19], [sflag:$0x3], $0x80, s31, s17, $0xb8;
	[tilespmem:$0x1E800] =	vst v63  }
0x85: {  	_ =	swait.ge [sflag:s15], $0x4000  }
0x86: {  	s28 =	simm.s32 $0x800;
	s26 =	simm.s32 $0x100;
	[sflag:s15] =	ssyncset.done $0x0  }
.LBB2_3:
0x87: {  	s29 =	sadd.s32 $0x80, s26  }
0x88: {  	[sflag:s15] =	ssyncadd.s32 $0xFFFFC000;
	s30 =	smov.u32 s28;
	s31 =	sadd.s32 $0x400, s28  }
0x89: {  	[tilespmem:s19], [sflag:$0x2] =	stream.indirect.gather [hbm4b:s4+s17], $0x80, s29, s17, $0xb8;
	[tilespmem:$0x1E800] =	vst v63  }
0x8a: {  	p1 =	sne.s32 s28, $0x4800;
	_ =	swait.ge [sflag:s20], $0x4000  }
0x8b: {  	[sflag:s20] =	ssyncset.done $0x0  }
0x8c: {  	s28 =	sadd.s32 $0x1400, s26;
	[sflag:s20] =	ssyncadd.s32 $0xFFFFC000  }
0x8d: {  	[spmem:s1] =	stream.indirect.scatter.add.f32 [tilespmem:s18], [sflag:$0x3], $0x80, s28, s17, $0xb8;
	[tilespmem:$0x1E800] =	vst v63  }
0x8e: {  	_ =	swait.ge [sflag:s15], $0x4000  }
0x8f: {  	[sflag:s15] =	ssyncset.done $0x0  }
0x90: {  	s28 =	sadd.s32 $0x100, s26;
	[sflag:s15] =	ssyncadd.s32 $0xFFFFC000  }
0x91: {  	[tilespmem:s18], [sflag:$0x1] =	stream.indirect.gather [hbm4b:s4+s17], $0x80, s28, s17, $0xb8;
	[tilespmem:$0x1E800] =	vst v63  }
0x92: {  	_ =	swait.ge [sflag:s21], $0x4000  }
.Ltmp5:
0x93: {  	[sflag:s21] =	ssyncset.done $0x0;
	(pc) =	sbr.rel @p1 .LBB2_3-.Ltmp5, $4  }
0x94: {  	s26 =	sadd.s32 $0x1480, s26;
	[sflag:s21] =	ssyncadd.s32 $0xFFFFC000  }
0x95: {  	[spmem:s1] =	stream.indirect.scatter.add.f32 [tilespmem:s19], [sflag:$0x3], $0x80, s26, s17, $0xb8;
	[tilespmem:$0x1E800] =	vst v63  }
0x96: {  	_ =	swait.ge [sflag:s15], $0x4000  }
0x97: {  	s28 =	smov.u32 s31;
	s26 =	sshra.s32 s30, $0x2;
	[sflag:s15] =	ssyncset.done $0x0  }
0x98: {  	s28 =	sadd.s32 $0x80, s26;
	[sflag:s15] =	ssyncadd.s32 $0xFFFFC000  }
0x99: {  	[tilespmem:s19], [sflag:$0x2] =	stream.indirect.gather [hbm4b:s4+s17], $0x80, s28, s17, $0xb8;
	[tilespmem:$0x1E800] =	vst v63  }
0x9a: {  	_ =	swait.ge [sflag:s20], $0x4000  }
0x9b: {  	[sflag:s20] =	ssyncset.done $0x0  }
0x9c: {  	s29 =	sadd.s32 $0x1400, s26;
	[sflag:s20] =	ssyncadd.s32 $0xFFFFC000  }
0x9d: {  	[spmem:s1] =	stream.indirect.scatter.add.f32 [tilespmem:s18], [sflag:$0x3], $0x80, s29, s17, $0xb8;
	[tilespmem:$0x1E800] =	vst v63  }
0x9e: {  	_ =	swait.ge [sflag:s15], $0x4000  }
0x9f: {  	[sflag:s15] =	ssyncset.done $0x0  }
0xa0: {  	s30 =	sadd.s32 $0x100, s26;
	[sflag:s15] =	ssyncadd.s32 $0xFFFFC000  }
0xa1: {  	[tilespmem:s18], [sflag:$0x1] =	stream.indirect.gather [hbm4b:s4+s17], $0x80, s30, s17, $0xb8;
	[tilespmem:$0x1E800] =	vst v63  }
0xa2: {  	_ =	swait.ge [sflag:s21], $0x4000  }
0xa3: {  	[sflag:s21] =	ssyncset.done $0x0  }
0xa4: {  	s31 =	sadd.s32 $0x1480, s26;
	[sflag:s21] =	ssyncadd.s32 $0xFFFFC000  }
0xa5: {  	[spmem:s1] =	stream.indirect.scatter.add.f32 [tilespmem:s19], [sflag:$0x3], $0x80, s31, s17, $0xb8;
	[tilespmem:$0x1E800] =	vst v63  }
0xa6: {  	_ =	swait.ge [sflag:s15], $0x4000  }
0xa7: {  	[sflag:s15] =	ssyncset.done $0x0  }
0xa8: {  	[sflag:s15] =	ssyncadd.s32 $0xFFFFC000  }
0xa9: {  	[tilespmem:s19], [sflag:$0x2] =	stream.indirect.gather [hbm4b:s4+s17], $0x80, s22, s17, $0xb8;
	[tilespmem:$0x1E800] =	vst v63  }
0xaa: {  	_ =	swait.ge [sflag:s20], $0x4000  }
0xab: {  	[sflag:s20] =	ssyncset.done $0x0  }
0xac: {  	[sflag:s20] =	ssyncadd.s32 $0xFFFFC000  }
0xad: {  	[spmem:s1] =	stream.indirect.scatter.add.f32 [tilespmem:s18], [sflag:$0x3], $0x80, s23, s17, $0xb8;
	[tilespmem:$0x1E800] =	vst v63  }
0xae: {  	_ =	swait.ge [sflag:s15], $0x4000  }
0xaf: {  	[sflag:s15] =	ssyncset.done $0x0  }
0xb0: {  	[sflag:s15] =	ssyncadd.s32 $0xFFFFC000  }
0xb1: {  	_ =	swait.ge [sflag:s21], $0x4000  }
0xb2: {  	s25 =	sadd.s32 $0x1, s25;
	[sflag:s21] =	ssyncset.done $0x0  }
0xb3: {  	p1 =	seq.s32 s25, $0x3;
	[sflag:s21] =	ssyncadd.s32 $0xFFFFC000  }
0xb4: {  	[spmem:s1] =	stream.indirect.scatter.add.f32 [tilespmem:s19], [sflag:$0x3], $0x80, s24, s17, $0xb8;
	[tilespmem:$0x1E800] =	vst v63  }
.Ltmp6:
0xb5: {  	_ = 	snop;
	(pc) =	sbr.rel @!p1 .LBB2_2-.Ltmp6, $4  }
.Ltmp7:
0xb6: {  	_ = 	snop;
	(pc) =	sbr.rel @p1 .LBB2_8-.Ltmp7, $4  }
0xb7: {  	_ =	swait.ge [sflag:s15], $0x4000  }
0xb8: {  	[sflag:s15] =	ssyncset.done $0x0  }
0xb9: {  	[sflag:s15] =	ssyncadd.s32 $0xFFFFC000  }
0xba: {  	_ = 	snop  }
.LBB2_9:
0xbb: {  	_ =	sfence.sel $0x180000  }
0xbc: {  	[bflag:$0x0] =	sbarrier.arrive $0xFFFF  }
0xbd: {  	p0 =	sne.s32 s2, $0x0;
	_ =	strace $0x90000050  }
0xbe: {  	s0 =	sadd.s32 @!p0 $0x100000, s0;
	[bflag:$0x2] =	sbarrier.arrive $0xFFFF  }
0xbf: {  	[sflag:s0] =	ssyncadd.tile.s32 @!p0 $0x1;
	_ =	shalt  }
.Lfunc_end2:
_tile_overlayer_lowered:
.L_overlay_start_2:
0xc0: {  	(tag) =	ssettag $0x2  }
0xc1: {  	s0 =	rddreg [dreg:$0x0];
	s2 =	stileid.u32  }
0xc2: {  	s1 =	rddreg [dreg:$0x1];
	p0 =	sne.s32 s2, $0x0  }
0xc3: {  	s3 =	rddreg [dreg:$0x2];
	[bflag:$0x3] =	sbarrier.arrive $0xFFFF;
	s2 =	simm.s32 @!p0 $0x1C03  }
0xc4: {  	[timem:s3], [sflag:s2] =	dma.local @!p0 [hbm:s0], s1  }
0xc5: {  	s0 =	simm.s32 @!p0 $0x3  }
0xc6: {  	_ =	swait.ge @!p0 [sflag:s0], s1  }
0xc7: {  	s1 =	ssub.s32 @!p0 $0x0, s1;
	[sflag:s0] =	ssyncset.done @!p0 $0x0  }
0xc8: {  	[sflag:s0] =	ssyncadd.s32 @!p0 s1  }
0xc9: {  	[bflag:$0x3] =	sbarrier.arrive $0xFFFF  }
0xca: {  	_ =	shalt  }

</sc_bundles>
